<compile_context>
chip_gen: v7x
topology: tpu7x:2x2x1
jax: 0.10.2.dev20260603
libtpu: 0.0.44.dev20260713+nightly
codegen_flags: <defaults>
</compile_context>

<pallas_src>
import functools

import jax
import jax.numpy as jnp
from jax import lax
from jax.experimental import pallas as pl
from jax.experimental.pallas import tpu as pltpu
from jax.experimental.pallas import tpu_sc as plsc

B, L, D = 16, 2048, 128
NC, NS = 2, 16
NW = NC * NS
CW = L // NW
BPC = 2
CR = BPC * CW
NCHUNK = B // BPC
LANES = 16
NBUF = 6
AHEAD = 4

_mesh = plsc.VectorSubcoreMesh(core_axis_name="c", subcore_axis_name="s")


@functools.partial(
    pl.kernel,
    out_type=jax.ShapeDtypeStruct((B, L, D), jnp.float32),
    mesh=_mesh,
    scratch_types=[
        pltpu.VMEM((NCHUNK, CR), jnp.int32),
        pltpu.VMEM((CR, D), jnp.float32),
        pltpu.VMEM((NBUF, CR, D), jnp.float32),
        pltpu.SemaphoreType.DMA((NBUF,)),
        pltpu.SemaphoreType.DMA((NBUF,)),
        pltpu.SemaphoreType.DMA,
    ],
)
def _tok_pos(x_hbm, txt_hbm, pos_hbm, out_hbm, idx_v, pos_v, rows_v,
             gsem, osem, psem):
    wid = lax.axis_index("s") * NC + lax.axis_index("c")
    col = wid * CW
    pltpu.sync_copy(x_hbm.at[wid], idx_v)

    def gather(j):
        bb = j % NBUF
        return pltpu.async_copy(
            txt_hbm.at[idx_v.at[j]], rows_v.at[bb], gsem.at[bb])

    def writeback(j):
        bb = j % NBUF
        d0 = pltpu.async_copy(
            rows_v.at[bb, pl.ds(0, CW)],
            out_hbm.at[BPC * j, pl.ds(col, CW)], osem.at[bb])
        d1 = pltpu.async_copy(
            rows_v.at[bb, pl.ds(CW, CW)],
            out_hbm.at[BPC * j + 1, pl.ds(col, CW)], osem.at[bb])
        return (d0, d1)

    def add_pos(bb):
        rv = rows_v.at[bb]

        def row_body(r, carry):
            for t in range(D // LANES):
                sl = pl.ds(t * LANES, LANES)
                rv[r, sl] = rv[r, sl] + pos_v[r, sl]
            return carry

        lax.fori_loop(0, CR, row_body, 0)

    gat, out = {}, {}
    for j in range(AHEAD):
        gat[j] = gather(j)
    pdesc = [
        pltpu.async_copy(pos_hbm.at[pl.ds(col, CW)],
                         pos_v.at[pl.ds(p * CW, CW)], psem)
        for p in range(BPC)
    ]
    for d in pdesc:
        d.wait()
    for j in range(NCHUNK):
        jn = j + AHEAD
        if jn < NCHUNK:
            if jn - NBUF >= 0:
                out[jn - NBUF][0].wait()
                out[jn - NBUF][1].wait()
            gat[jn] = gather(jn)
        gat[j].wait()
        add_pos(j % NBUF)
        out[j] = writeback(j)
    for j in range(NCHUNK - NBUF, NCHUNK):
        out[j][0].wait()
        out[j][1].wait()


def kernel(x, txt_emb, pos_emb):
    xr = (x.reshape(NCHUNK, BPC, NW, CW)
          .transpose(2, 0, 1, 3)
          .reshape(NW, NCHUNK, CR)
          .astype(jnp.int32))
    return _tok_pos(xr, txt_emb, pos_emb)

# --- scband reference (transcript-rebuilt; emitter-appended) ---
"""Pipeline reference for scband-token-input-adapter-71502615544401 (READ-ONLY COPY).

The authoritative reference and input builder live on the scoring server;
editing this copy changes nothing except your own understanding.
"""

import jax, jax.numpy as jnp
import numpy as np

VOCAB = 100000
MAX_SEQ = 2048
DIM = 128
B = 16
L = 2048

def setup_inputs(seed: int = 0) -> dict:
    key = jax.random.key(seed)
    k1, k2, k3 = jax.random.split(key, 3)
    x = jax.random.randint(k1, (B, L), 0, VOCAB, dtype=jnp.int64)
    txt_emb = jax.random.normal(k2, (VOCAB, DIM), dtype=jnp.float32) * 0.02
    pos_emb = jax.random.normal(k3, (MAX_SEQ, DIM), dtype=jnp.float32) * 0.02
    return {"x": x, "txt_emb": txt_emb, "pos_emb": pos_emb}

def reference(x, txt_emb, pos_emb):
    # TokenInputAdapter.forward with abs_pos=None: build absolute positions
    b, n = x.shape
    abs_pos = jnp.broadcast_to(jnp.arange(n, dtype=jnp.int32), (b, n))
    tok = jnp.take(txt_emb, x, axis=0)
    pos = jnp.take(pos_emb, abs_pos, axis=0)
    return tok + pos

if __name__ == "__main__":
    import jax
    _d = setup_inputs()
    print(jax.jit(kernel)(*tuple(_d.values())))

</pallas_src>

<mosaic_0001>
#map = affine_map<(d0, d1) -> (0, 0, 0)>
#map1 = affine_map<(d0, d1) -> (0, 0)>
module attributes {stable_mosaic.version = 14 : i64} {
  func.func @_tok_pos(%arg0: i32, %arg1: i32, %arg2: memref<32x8x128xi32, #tpu.memory_space<hbm>>, %arg3: memref<100000x128xf32, #tpu.memory_space<hbm>>, %arg4: memref<2048x128xf32, #tpu.memory_space<hbm>>, %arg5: memref<16x2048x128xf32, #tpu.memory_space<hbm>>, %arg6: memref<8x128xi32, #tpu.memory_space<vmem>>, %arg7: memref<128x128xf32, #tpu.memory_space<vmem>>, %arg8: memref<6x128x128xf32, #tpu.memory_space<vmem>>, %arg9: memref<6x!tpu.dma_semaphore, #tpu.memory_space<semaphore_mem>>, %arg10: memref<6x!tpu.dma_semaphore, #tpu.memory_space<semaphore_mem>>, %arg11: memref<!tpu.dma_semaphore, #tpu.memory_space<semaphore_mem>>) attributes {dimension_semantics = [#tpu.dimension_semantics<core_parallel>, #tpu.dimension_semantics<subcore_parallel>], iteration_bounds = array<i64: 2, 16>, scalar_prefetch = 0 : i64, scratch_operands = 6 : i64, tpu.core_type = #tpu.core_type<sc_vector_subcore>, window_params = [{transform_indices = #map}, {transform_indices = #map1}, {transform_indices = #map1}, {transform_indices = #map}]} {
    %mul3A = arith.constant 2 : i32
    %mul3A_0 = arith.muli %arg1, %mul3A : i32
    %add3A = arith.addi %mul3A_0, %arg0 : i32
    %mul3A_1 = arith.constant 64 : i32
    %mul3A_2 = arith.muli %add3A, %mul3A_1 : i32
    "tpu.region"() ({
      %run_scoped3A = tpu.sem_alloc : memref<!tpu.dma_semaphore, #tpu.memory_space<semaphore_mem>>
      %dma_start3A_944 = arith.constant 0 : i32
      %dma_start3A_945 = arith.constant 0 : i32
      %dma_start3A_946 = tpu.memref_slice %arg2[%add3A, %dma_start3A_944, %dma_start3A_945] : memref<32x8x128xi32, #tpu.memory_space<hbm>> -> memref<1x8x128xi32, #tpu.memory_space<hbm>>
      %dma_start3A_947 = tpu.memref_squeeze %dma_start3A_946 : memref<1x8x128xi32, #tpu.memory_space<hbm>> -> memref<8x128xi32, #tpu.memory_space<hbm>>
      %dma_start3A_948 = arith.constant 0 : i32
      %dma_start3A_949 = arith.constant 0 : i32
      %dma_start3A_950 = tpu.memref_slice %arg2[%add3A, %dma_start3A_948, %dma_start3A_949] : memref<32x8x128xi32, #tpu.memory_space<hbm>> -> memref<1x8x128xi32, #tpu.memory_space<hbm>>
      %dma_start3A_951 = tpu.memref_squeeze %dma_start3A_950 : memref<1x8x128xi32, #tpu.memory_space<hbm>> -> memref<8x128xi32, #tpu.memory_space<hbm>>
      tpu.enqueue_dma source(%dma_start3A_951 : memref<8x128xi32, #tpu.memory_space<hbm>>) target(%arg6 : memref<8x128xi32, #tpu.memory_space<vmem>>) target_semaphore(%run_scoped3A : memref<!tpu.dma_semaphore, #tpu.memory_space<semaphore_mem>>)
      %dma_wait3A_952 = arith.constant 0 : i32
      %dma_wait3A_953 = arith.constant 0 : i32
      %dma_wait3A_954 = tpu.memref_slice %arg2[%add3A, %dma_wait3A_952, %dma_wait3A_953] : memref<32x8x128xi32, #tpu.memory_space<hbm>> -> memref<1x8x128xi32, #tpu.memory_space<hbm>>
      %dma_wait3A_955 = tpu.memref_squeeze %dma_wait3A_954 : memref<1x8x128xi32, #tpu.memory_space<hbm>> -> memref<8x128xi32, #tpu.memory_space<hbm>>
      %dma_wait3A_956 = arith.constant 0 : i32
      %dma_wait3A_957 = arith.constant 0 : i32
      %dma_wait3A_958 = tpu.memref_slice %arg2[%add3A, %dma_wait3A_956, %dma_wait3A_957] : memref<32x8x128xi32, #tpu.memory_space<hbm>> -> memref<1x8x128xi32, #tpu.memory_space<hbm>>
      %dma_wait3A_959 = tpu.memref_squeeze %dma_wait3A_958 : memref<1x8x128xi32, #tpu.memory_space<hbm>> -> memref<8x128xi32, #tpu.memory_space<hbm>>
      tpu.wait_dma2 semaphore(%run_scoped3A : memref<!tpu.dma_semaphore, #tpu.memory_space<semaphore_mem>>) src(%dma_wait3A_959 : memref<8x128xi32, #tpu.memory_space<hbm>>) dst(%arg6 : memref<8x128xi32, #tpu.memory_space<vmem>>)
      tpu.yield
    }) : () -> ()
    %dma_start3A = arith.constant 0 : i32
    %dma_start3A_3 = arith.constant 0 : i32
    %dma_start3A_4 = arith.constant 0 : i32
    %dma_start3A_5 = arith.constant 0 : i32
    %dma_start3A_6 = arith.constant 0 : i32
    %dma_start3A_7 = tpu.memref_slice %arg8[%dma_start3A_3, %dma_start3A_5, %dma_start3A_6] : memref<6x128x128xf32, #tpu.memory_space<vmem>> -> memref<1x128x128xf32, #tpu.memory_space<vmem>>
    %dma_start3A_8 = tpu.memref_squeeze %dma_start3A_7 : memref<1x128x128xf32, #tpu.memory_space<vmem>> -> memref<128x128xf32, #tpu.memory_space<vmem>>
    %dma_start3A_9 = arith.constant 0 : i32
    %dma_start3A_10 = tpu.memref_slice %arg6[%dma_start3A, %dma_start3A_9] : memref<8x128xi32, #tpu.memory_space<vmem>> -> memref<1x128xi32, #tpu.memory_space<vmem>>
    %dma_start3A_11 = tpu.memref_squeeze %dma_start3A_10 : memref<1x128xi32, #tpu.memory_space<vmem>> -> memref<128xi32, #tpu.memory_space<vmem>>
    %dma_start3A_12 = arith.constant 0 : i32
    %dma_start3A_13 = arith.constant 0 : i32
    %dma_start3A_14 = tpu.memref_slice %arg3[%dma_start3A_12, %dma_start3A_13] : memref<100000x128xf32, #tpu.memory_space<hbm>> -> memref<100000x128xf32, #tpu.memory_space<hbm>>
    %dma_start3A_15 = tpu.memref_slice %arg9[%dma_start3A_4] : memref<6x!tpu.dma_semaphore, #tpu.memory_space<semaphore_mem>> -> memref<1x!tpu.dma_semaphore, #tpu.memory_space<semaphore_mem>>
    %dma_start3A_16 = tpu.memref_squeeze %dma_start3A_15 : memref<1x!tpu.dma_semaphore, #tpu.memory_space<semaphore_mem>> -> memref<!tpu.dma_semaphore, #tpu.memory_space<semaphore_mem>>
    tpu.enqueue_indirect_dma source(%dma_start3A_14 : memref<100000x128xf32, #tpu.memory_space<hbm>>) target(%dma_start3A_8 : memref<128x128xf32, #tpu.memory_space<vmem>>) offsets(%dma_start3A_11 : memref<128xi32, #tpu.memory_space<vmem>>) semaphore(%dma_start3A_16 : memref<!tpu.dma_semaphore, #tpu.memory_space<semaphore_mem>>)
    %dma_start3A_17 = arith.constant 1 : i32
    %dma_start3A_18 = arith.constant 1 : i32
    %dma_start3A_19 = arith.constant 1 : i32
    %dma_start3A_20 = arith.constant 0 : i32
    %dma_start3A_21 = arith.constant 0 : i32
    %dma_start3A_22 = tpu.memref_slice %arg8[%dma_start3A_18, %dma_start3A_20, %dma_start3A_21] : memref<6x128x128xf32, #tpu.memory_space<vmem>> -> memref<1x128x128xf32, #tpu.memory_space<vmem>>
    %dma_start3A_23 = tpu.memref_squeeze %dma_start3A_22 : memref<1x128x128xf32, #tpu.memory_space<vmem>> -> memref<128x128xf32, #tpu.memory_space<vmem>>
    %dma_start3A_24 = arith.constant 0 : i32
    %dma_start3A_25 = tpu.memref_slice %arg6[%dma_start3A_17, %dma_start3A_24] : memref<8x128xi32, #tpu.memory_space<vmem>> -> memref<1x128xi32, #tpu.memory_space<vmem>>
    %dma_start3A_26 = tpu.memref_squeeze %dma_start3A_25 : memref<1x128xi32, #tpu.memory_space<vmem>> -> memref<128xi32, #tpu.memory_space<vmem>>
    %dma_start3A_27 = arith.constant 0 : i32
    %dma_start3A_28 = arith.constant 0 : i32
    %dma_start3A_29 = tpu.memref_slice %arg3[%dma_start3A_27, %dma_start3A_28] : memref<100000x128xf32, #tpu.memory_space<hbm>> -> memref<100000x128xf32, #tpu.memory_space<hbm>>
    %dma_start3A_30 = tpu.memref_slice %arg9[%dma_start3A_19] : memref<6x!tpu.dma_semaphore, #tpu.memory_space<semaphore_mem>> -> memref<1x!tpu.dma_semaphore, #tpu.memory_space<semaphore_mem>>
    %dma_start3A_31 = tpu.memref_squeeze %dma_start3A_30 : memref<1x!tpu.dma_semaphore, #tpu.memory_space<semaphore_mem>> -> memref<!tpu.dma_semaphore, #tpu.memory_space<semaphore_mem>>
    tpu.enqueue_indirect_dma source(%dma_start3A_29 : memref<100000x128xf32, #tpu.memory_space<hbm>>) target(%dma_start3A_23 : memref<128x128xf32, #tpu.memory_space<vmem>>) offsets(%dma_start3A_26 : memref<128xi32, #tpu.memory_space<vmem>>) semaphore(%dma_start3A_31 : memref<!tpu.dma_semaphore, #tpu.memory_space<semaphore_mem>>)
    %dma_start3A_32 = arith.constant 2 : i32
    %dma_start3A_33 = arith.constant 2 : i32
    %dma_start3A_34 = arith.constant 2 : i32
    %dma_start3A_35 = arith.constant 0 : i32
    %dma_start3A_36 = arith.constant 0 : i32
    %dma_start3A_37 = tpu.memref_slice %arg8[%dma_start3A_33, %dma_start3A_35, %dma_start3A_36] : memref<6x128x128xf32, #tpu.memory_space<vmem>> -> memref<1x128x128xf32, #tpu.memory_space<vmem>>
    %dma_start3A_38 = tpu.memref_squeeze %dma_start3A_37 : memref<1x128x128xf32, #tpu.memory_space<vmem>> -> memref<128x128xf32, #tpu.memory_space<vmem>>
    %dma_start3A_39 = arith.constant 0 : i32
    %dma_start3A_40 = tpu.memref_slice %arg6[%dma_start3A_32, %dma_start3A_39] : memref<8x128xi32, #tpu.memory_space<vmem>> -> memref<1x128xi32, #tpu.memory_space<vmem>>
    %dma_start3A_41 = tpu.memref_squeeze %dma_start3A_40 : memref<1x128xi32, #tpu.memory_space<vmem>> -> memref<128xi32, #tpu.memory_space<vmem>>
    %dma_start3A_42 = arith.constant 0 : i32
    %dma_start3A_43 = arith.constant 0 : i32
    %dma_start3A_44 = tpu.memref_slice %arg3[%dma_start3A_42, %dma_start3A_43] : memref<100000x128xf32, #tpu.memory_space<hbm>> -> memref<100000x128xf32, #tpu.memory_space<hbm>>
    %dma_start3A_45 = tpu.memref_slice %arg9[%dma_start3A_34] : memref<6x!tpu.dma_semaphore, #tpu.memory_space<semaphore_mem>> -> memref<1x!tpu.dma_semaphore, #tpu.memory_space<semaphore_mem>>
    %dma_start3A_46 = tpu.memref_squeeze %dma_start3A_45 : memref<1x!tpu.dma_semaphore, #tpu.memory_space<semaphore_mem>> -> memref<!tpu.dma_semaphore, #tpu.memory_space<semaphore_mem>>
    tpu.enqueue_indirect_dma source(%dma_start3A_44 : memref<100000x128xf32, #tpu.memory_space<hbm>>) target(%dma_start3A_38 : memref<128x128xf32, #tpu.memory_space<vmem>>) offsets(%dma_start3A_41 : memref<128xi32, #tpu.memory_space<vmem>>) semaphore(%dma_start3A_46 : memref<!tpu.dma_semaphore, #tpu.memory_space<semaphore_mem>>)
    %dma_start3A_47 = arith.constant 3 : i32
    %dma_start3A_48 = arith.constant 3 : i32
    %dma_start3A_49 = arith.constant 3 : i32
    %dma_start3A_50 = arith.constant 0 : i32
    %dma_start3A_51 = arith.constant 0 : i32
    %dma_start3A_52 = tpu.memref_slice %arg8[%dma_start3A_48, %dma_start3A_50, %dma_start3A_51] : memref<6x128x128xf32, #tpu.memory_space<vmem>> -> memref<1x128x128xf32, #tpu.memory_space<vmem>>
    %dma_start3A_53 = tpu.memref_squeeze %dma_start3A_52 : memref<1x128x128xf32, #tpu.memory_space<vmem>> -> memref<128x128xf32, #tpu.memory_space<vmem>>
    %dma_start3A_54 = arith.constant 0 : i32
    %dma_start3A_55 = tpu.memref_slice %arg6[%dma_start3A_47, %dma_start3A_54] : memref<8x128xi32, #tpu.memory_space<vmem>> -> memref<1x128xi32, #tpu.memory_space<vmem>>
    %dma_start3A_56 = tpu.memref_squeeze %dma_start3A_55 : memref<1x128xi32, #tpu.memory_space<vmem>> -> memref<128xi32, #tpu.memory_space<vmem>>
    %dma_start3A_57 = arith.constant 0 : i32
    %dma_start3A_58 = arith.constant 0 : i32
    %dma_start3A_59 = tpu.memref_slice %arg3[%dma_start3A_57, %dma_start3A_58] : memref<100000x128xf32, #tpu.memory_space<hbm>> -> memref<100000x128xf32, #tpu.memory_space<hbm>>
    %dma_start3A_60 = tpu.memref_slice %arg9[%dma_start3A_49] : memref<6x!tpu.dma_semaphore, #tpu.memory_space<semaphore_mem>> -> memref<1x!tpu.dma_semaphore, #tpu.memory_space<semaphore_mem>>
    %dma_start3A_61 = tpu.memref_squeeze %dma_start3A_60 : memref<1x!tpu.dma_semaphore, #tpu.memory_space<semaphore_mem>> -> memref<!tpu.dma_semaphore, #tpu.memory_space<semaphore_mem>>
    tpu.enqueue_indirect_dma source(%dma_start3A_59 : memref<100000x128xf32, #tpu.memory_space<hbm>>) target(%dma_start3A_53 : memref<128x128xf32, #tpu.memory_space<vmem>>) offsets(%dma_start3A_56 : memref<128xi32, #tpu.memory_space<vmem>>) semaphore(%dma_start3A_61 : memref<!tpu.dma_semaphore, #tpu.memory_space<semaphore_mem>>)
    %dma_start3A_62 = arith.constant 0 : i32
    %dma_start3A_63 = arith.constant 0 : i32
    %dma_start3A_64 = tpu.memref_slice %arg7[%dma_start3A_62, %dma_start3A_63] : memref<128x128xf32, #tpu.memory_space<vmem>> -> memref<64x128xf32, #tpu.memory_space<vmem>>
    %dma_start3A_65 = arith.constant 0 : i32
    %dma_start3A_66 = tpu.memref_slice %arg4[%mul3A_2, %dma_start3A_65] : memref<2048x128xf32, #tpu.memory_space<hbm>> -> memref<64x128xf32, #tpu.memory_space<hbm>>
    %dma_start3A_67 = arith.constant 0 : i32
    %dma_start3A_68 = arith.constant 0 : i32
    %dma_start3A_69 = tpu.memref_slice %arg7[%dma_start3A_67, %dma_start3A_68] : memref<128x128xf32, #tpu.memory_space<vmem>> -> memref<64x128xf32, #tpu.memory_space<vmem>>
    %dma_start3A_70 = arith.constant 0 : i32
    %dma_start3A_71 = tpu.memref_slice %arg4[%mul3A_2, %dma_start3A_70] : memref<2048x128xf32, #tpu.memory_space<hbm>> -> memref<64x128xf32, #tpu.memory_space<hbm>>
    tpu.enqueue_dma source(%dma_start3A_71 : memref<64x128xf32, #tpu.memory_space<hbm>>) target(%dma_start3A_69 : memref<64x128xf32, #tpu.memory_space<vmem>>) target_semaphore(%arg11 : memref<!tpu.dma_semaphore, #tpu.memory_space<semaphore_mem>>)
    %dma_start3A_72 = arith.constant 64 : i32
    %dma_start3A_73 = arith.constant 0 : i32
    %dma_start3A_74 = tpu.memref_slice %arg7[%dma_start3A_72, %dma_start3A_73] : memref<128x128xf32, #tpu.memory_space<vmem>> -> memref<64x128xf32, #tpu.memory_space<vmem>>
    %dma_start3A_75 = arith.constant 0 : i32
    %dma_start3A_76 = tpu.memref_slice %arg4[%mul3A_2, %dma_start3A_75] : memref<2048x128xf32, #tpu.memory_space<hbm>> -> memref<64x128xf32, #tpu.memory_space<hbm>>
    %dma_start3A_77 = arith.constant 64 : i32
    %dma_start3A_78 = arith.constant 0 : i32
    %dma_start3A_79 = tpu.memref_slice %arg7[%dma_start3A_77, %dma_start3A_78] : memref<128x128xf32, #tpu.memory_space<vmem>> -> memref<64x128xf32, #tpu.memory_space<vmem>>
    %dma_start3A_80 = arith.constant 0 : i32
    %dma_start3A_81 = tpu.memref_slice %arg4[%mul3A_2, %dma_start3A_80] : memref<2048x128xf32, #tpu.memory_space<hbm>> -> memref<64x128xf32, #tpu.memory_space<hbm>>
    tpu.enqueue_dma source(%dma_start3A_81 : memref<64x128xf32, #tpu.memory_space<hbm>>) target(%dma_start3A_79 : memref<64x128xf32, #tpu.memory_space<vmem>>) target_semaphore(%arg11 : memref<!tpu.dma_semaphore, #tpu.memory_space<semaphore_mem>>)
    %dma_wait3A = arith.constant 0 : i32
    %dma_wait3A_82 = arith.constant 0 : i32
    %dma_wait3A_83 = tpu.memref_slice %arg7[%dma_wait3A, %dma_wait3A_82] : memref<128x128xf32, #tpu.memory_space<vmem>> -> memref<64x128xf32, #tpu.memory_space<vmem>>
    %dma_wait3A_84 = arith.constant 0 : i32
    %dma_wait3A_85 = tpu.memref_slice %arg4[%mul3A_2, %dma_wait3A_84] : memref<2048x128xf32, #tpu.memory_space<hbm>> -> memref<64x128xf32, #tpu.memory_space<hbm>>
    %dma_wait3A_86 = arith.constant 0 : i32
    %dma_wait3A_87 = arith.constant 0 : i32
    %dma_wait3A_88 = tpu.memref_slice %arg7[%dma_wait3A_86, %dma_wait3A_87] : memref<128x128xf32, #tpu.memory_space<vmem>> -> memref<64x128xf32, #tpu.memory_space<vmem>>
    %dma_wait3A_89 = arith.constant 0 : i32
    %dma_wait3A_90 = tpu.memref_slice %arg4[%mul3A_2, %dma_wait3A_89] : memref<2048x128xf32, #tpu.memory_space<hbm>> -> memref<64x128xf32, #tpu.memory_space<hbm>>
    tpu.wait_dma2 semaphore(%arg11 : memref<!tpu.dma_semaphore, #tpu.memory_space<semaphore_mem>>) src(%dma_wait3A_90 : memref<64x128xf32, #tpu.memory_space<hbm>>) dst(%dma_wait3A_88 : memref<64x128xf32, #tpu.memory_space<vmem>>)
    %dma_wait3A_91 = arith.constant 64 : i32
    %dma_wait3A_92 = arith.constant 0 : i32
    %dma_wait3A_93 = tpu.memref_slice %arg7[%dma_wait3A_91, %dma_wait3A_92] : memref<128x128xf32, #tpu.memory_space<vmem>> -> memref<64x128xf32, #tpu.memory_space<vmem>>
    %dma_wait3A_94 = arith.constant 0 : i32
    %dma_wait3A_95 = tpu.memref_slice %arg4[%mul3A_2, %dma_wait3A_94] : memref<2048x128xf32, #tpu.memory_space<hbm>> -> memref<64x128xf32, #tpu.memory_space<hbm>>
    %dma_wait3A_96 = arith.constant 64 : i32
    %dma_wait3A_97 = arith.constant 0 : i32
    %dma_wait3A_98 = tpu.memref_slice %arg7[%dma_wait3A_96, %dma_wait3A_97] : memref<128x128xf32, #tpu.memory_space<vmem>> -> memref<64x128xf32, #tpu.memory_space<vmem>>
    %dma_wait3A_99 = arith.constant 0 : i32
    %dma_wait3A_100 = tpu.memref_slice %arg4[%mul3A_2, %dma_wait3A_99] : memref<2048x128xf32, #tpu.memory_space<hbm>> -> memref<64x128xf32, #tpu.memory_space<hbm>>
    tpu.wait_dma2 semaphore(%arg11 : memref<!tpu.dma_semaphore, #tpu.memory_space<semaphore_mem>>) src(%dma_wait3A_100 : memref<64x128xf32, #tpu.memory_space<hbm>>) dst(%dma_wait3A_98 : memref<64x128xf32, #tpu.memory_space<vmem>>)
    %dma_start3A_101 = arith.constant 4 : i32
    %dma_start3A_102 = arith.constant 4 : i32
    %dma_start3A_103 = arith.constant 4 : i32
    %dma_start3A_104 = arith.constant 0 : i32
    %dma_start3A_105 = arith.constant 0 : i32
    %dma_start3A_106 = tpu.memref_slice %arg8[%dma_start3A_102, %dma_start3A_104, %dma_start3A_105] : memref<6x128x128xf32, #tpu.memory_space<vmem>> -> memref<1x128x128xf32, #tpu.memory_space<vmem>>
    %dma_start3A_107 = tpu.memref_squeeze %dma_start3A_106 : memref<1x128x128xf32, #tpu.memory_space<vmem>> -> memref<128x128xf32, #tpu.memory_space<vmem>>
    %dma_start3A_108 = arith.constant 0 : i32
    %dma_start3A_109 = tpu.memref_slice %arg6[%dma_start3A_101, %dma_start3A_108] : memref<8x128xi32, #tpu.memory_space<vmem>> -> memref<1x128xi32, #tpu.memory_space<vmem>>
    %dma_start3A_110 = tpu.memref_squeeze %dma_start3A_109 : memref<1x128xi32, #tpu.memory_space<vmem>> -> memref<128xi32, #tpu.memory_space<vmem>>
    %dma_start3A_111 = arith.constant 0 : i32
    %dma_start3A_112 = arith.constant 0 : i32
    %dma_start3A_113 = tpu.memref_slice %arg3[%dma_start3A_111, %dma_start3A_112] : memref<100000x128xf32, #tpu.memory_space<hbm>> -> memref<100000x128xf32, #tpu.memory_space<hbm>>
    %dma_start3A_114 = tpu.memref_slice %arg9[%dma_start3A_103] : memref<6x!tpu.dma_semaphore, #tpu.memory_space<semaphore_mem>> -> memref<1x!tpu.dma_semaphore, #tpu.memory_space<semaphore_mem>>
    %dma_start3A_115 = tpu.memref_squeeze %dma_start3A_114 : memref<1x!tpu.dma_semaphore, #tpu.memory_space<semaphore_mem>> -> memref<!tpu.dma_semaphore, #tpu.memory_space<semaphore_mem>>
    tpu.enqueue_indirect_dma source(%dma_start3A_113 : memref<100000x128xf32, #tpu.memory_space<hbm>>) target(%dma_start3A_107 : memref<128x128xf32, #tpu.memory_space<vmem>>) offsets(%dma_start3A_110 : memref<128xi32, #tpu.memory_space<vmem>>) semaphore(%dma_start3A_115 : memref<!tpu.dma_semaphore, #tpu.memory_space<semaphore_mem>>)
    %dma_wait3A_116 = arith.constant 0 : i32
    %dma_wait3A_117 = arith.constant 0 : i32
    %dma_wait3A_118 = arith.constant 0 : i32
    %dma_wait3A_119 = arith.constant 0 : i32
    %dma_wait3A_120 = arith.constant 0 : i32
    %dma_wait3A_121 = tpu.memref_slice %arg8[%dma_wait3A_117, %dma_wait3A_119, %dma_wait3A_120] : memref<6x128x128xf32, #tpu.memory_space<vmem>> -> memref<1x128x128xf32, #tpu.memory_space<vmem>>
    %dma_wait3A_122 = tpu.memref_squeeze %dma_wait3A_121 : memref<1x128x128xf32, #tpu.memory_space<vmem>> -> memref<128x128xf32, #tpu.memory_space<vmem>>
    %dma_wait3A_123 = arith.constant 0 : i32
    %dma_wait3A_124 = tpu.memref_slice %arg6[%dma_wait3A_116, %dma_wait3A_123] : memref<8x128xi32, #tpu.memory_space<vmem>> -> memref<1x128xi32, #tpu.memory_space<vmem>>
    %dma_wait3A_125 = tpu.memref_squeeze %dma_wait3A_124 : memref<1x128xi32, #tpu.memory_space<vmem>> -> memref<128xi32, #tpu.memory_space<vmem>>
    %dma_wait3A_126 = arith.constant 0 : i32
    %dma_wait3A_127 = arith.constant 0 : i32
    %dma_wait3A_128 = tpu.memref_slice %arg3[%dma_wait3A_126, %dma_wait3A_127] : memref<100000x128xf32, #tpu.memory_space<hbm>> -> memref<100000x128xf32, #tpu.memory_space<hbm>>
    %dma_wait3A_129 = tpu.memref_slice %arg9[%dma_wait3A_118] : memref<6x!tpu.dma_semaphore, #tpu.memory_space<semaphore_mem>> -> memref<1x!tpu.dma_semaphore, #tpu.memory_space<semaphore_mem>>
    %dma_wait3A_130 = tpu.memref_squeeze %dma_wait3A_129 : memref<1x!tpu.dma_semaphore, #tpu.memory_space<semaphore_mem>> -> memref<!tpu.dma_semaphore, #tpu.memory_space<semaphore_mem>>
    tpu.wait_indirect_dma semaphore(%dma_wait3A_130 : memref<!tpu.dma_semaphore, #tpu.memory_space<semaphore_mem>>) src(%dma_wait3A_128 : memref<100000x128xf32, #tpu.memory_space<hbm>>) dst(%dma_wait3A_122 : memref<128x128xf32, #tpu.memory_space<vmem>>)
    %scan3A = arith.constant 0 : i32
    %scan3A_131 = arith.constant 0 : i32
    %scan3A_132 = arith.constant 0 : i32
    %scan3A_133 = arith.constant 128 : i32
    %scan3A_134 = arith.addi %scan3A_132, %scan3A_133 : i32
    %scan3A_135 = arith.constant 1 : i32
    scf.for %scan3A_944 = %scan3A_132 to %scan3A_134 step %scan3A_135  : i32 {
      %get3A = arith.constant 0 : i32
      %get3A_945 = arith.constant 0 : i32
      %get3A_946 = tpu.memref_slice %arg8[%scan3A_131, %get3A, %get3A_945] : memref<6x128x128xf32, #tpu.memory_space<vmem>> -> memref<1x128x128xf32, #tpu.memory_space<vmem>>
      %get3A_947 = tpu.memref_squeeze %get3A_946 : memref<1x128x128xf32, #tpu.memory_space<vmem>> -> memref<128x128xf32, #tpu.memory_space<vmem>>
      %get3A_948 = arith.index_cast %scan3A_944 : i32 to index
      %get3A_949 = arith.constant 0 : index
      %get3A_950 = tpu.vector_load %get3A_947[%get3A_948, %get3A_949] {strides = array<i32>} : memref<128x128xf32, #tpu.memory_space<vmem>>, vector<1x16xf32>,
      %get3A_951 = vector.shape_cast %get3A_950 : vector<1x16xf32> to vector<16xf32>
      %get3A_952 = arith.index_cast %scan3A_944 : i32 to index
      %get3A_953 = arith.constant 0 : index
      %get3A_954 = tpu.vector_load %arg7[%get3A_952, %get3A_953] {strides = array<i32>} : memref<128x128xf32, #tpu.memory_space<vmem>>, vector<1x16xf32>,
      %get3A_955 = vector.shape_cast %get3A_954 : vector<1x16xf32> to vector<16xf32>
      %add3A_956 = arith.addf %get3A_951, %get3A_955 : vector<16xf32>
      %swap3A = arith.constant 0 : i32
      %swap3A_957 = arith.constant 0 : i32
      %swap3A_958 = tpu.memref_slice %arg8[%scan3A_131, %swap3A, %swap3A_957] : memref<6x128x128xf32, #tpu.memory_space<vmem>> -> memref<1x128x128xf32, #tpu.memory_space<vmem>>
      %swap3A_959 = tpu.memref_squeeze %swap3A_958 : memref<1x128x128xf32, #tpu.memory_space<vmem>> -> memref<128x128xf32, #tpu.memory_space<vmem>>
      %swap3A_960 = arith.index_cast %scan3A_944 : i32 to index
      %swap3A_961 = arith.constant 0 : index
      %swap3A_962 = tpu.vector_load %swap3A_959[%swap3A_960, %swap3A_961] {strides = array<i32>} : memref<128x128xf32, #tpu.memory_space<vmem>>, vector<1x16xf32>,
      %swap3A_963 = vector.shape_cast %swap3A_962 : vector<1x16xf32> to vector<16xf32>
      %swap3A_964 = vector.shape_cast %add3A_956 : vector<16xf32> to vector<1x16xf32>
      tpu.vector_store %swap3A_959[%swap3A_960, %swap3A_961], %swap3A_964 {strides = array<i32>} : memref<128x128xf32, #tpu.memory_space<vmem>>, vector<1x16xf32>,
      %get3A_965 = arith.constant 0 : i32
      %get3A_966 = arith.constant 0 : i32
      %get3A_967 = tpu.memref_slice %arg8[%scan3A_131, %get3A_965, %get3A_966] : memref<6x128x128xf32, #tpu.memory_space<vmem>> -> memref<1x128x128xf32, #tpu.memory_space<vmem>>
      %get3A_968 = tpu.memref_squeeze %get3A_967 : memref<1x128x128xf32, #tpu.memory_space<vmem>> -> memref<128x128xf32, #tpu.memory_space<vmem>>
      %get3A_969 = arith.index_cast %scan3A_944 : i32 to index
      %get3A_970 = arith.constant 16 : index
      %get3A_971 = tpu.vector_load %get3A_968[%get3A_969, %get3A_970] {strides = array<i32>} : memref<128x128xf32, #tpu.memory_space<vmem>>, vector<1x16xf32>,
      %get3A_972 = vector.shape_cast %get3A_971 : vector<1x16xf32> to vector<16xf32>
      %get3A_973 = arith.index_cast %scan3A_944 : i32 to index
      %get3A_974 = arith.constant 16 : index
      %get3A_975 = tpu.vector_load %arg7[%get3A_973, %get3A_974] {strides = array<i32>} : memref<128x128xf32, #tpu.memory_space<vmem>>, vector<1x16xf32>,
      %get3A_976 = vector.shape_cast %get3A_975 : vector<1x16xf32> to vector<16xf32>
      %add3A_977 = arith.addf %get3A_972, %get3A_976 : vector<16xf32>
      %swap3A_978 = arith.constant 0 : i32
      %swap3A_979 = arith.constant 0 : i32
      %swap3A_980 = tpu.memref_slice %arg8[%scan3A_131, %swap3A_978, %swap3A_979] : memref<6x128x128xf32, #tpu.memory_space<vmem>> -> memref<1x128x128xf32, #tpu.memory_space<vmem>>
      %swap3A_981 = tpu.memref_squeeze %swap3A_980 : memref<1x128x128xf32, #tpu.memory_space<vmem>> -> memref<128x128xf32, #tpu.memory_space<vmem>>
      %swap3A_982 = arith.index_cast %scan3A_944 : i32 to index
      %swap3A_983 = arith.constant 16 : index
      %swap3A_984 = tpu.vector_load %swap3A_981[%swap3A_982, %swap3A_983] {strides = array<i32>} : memref<128x128xf32, #tpu.memory_space<vmem>>, vector<1x16xf32>,
      %swap3A_985 = vector.shape_cast %swap3A_984 : vector<1x16xf32> to vector<16xf32>
      %swap3A_986 = vector.shape_cast %add3A_977 : vector<16xf32> to vector<1x16xf32>
      tpu.vector_store %swap3A_981[%swap3A_982, %swap3A_983], %swap3A_986 {strides = array<i32>} : memref<128x128xf32, #tpu.memory_space<vmem>>, vector<1x16xf32>,
      %get3A_987 = arith.constant 0 : i32
      %get3A_988 = arith.constant 0 : i32
      %get3A_989 = tpu.memref_slice %arg8[%scan3A_131, %get3A_987, %get3A_988] : memref<6x128x128xf32, #tpu.memory_space<vmem>> -> memref<1x128x128xf32, #tpu.memory_space<vmem>>
      %get3A_990 = tpu.memref_squeeze %get3A_989 : memref<1x128x128xf32, #tpu.memory_space<vmem>> -> memref<128x128xf32, #tpu.memory_space<vmem>>
      %get3A_991 = arith.index_cast %scan3A_944 : i32 to index
      %get3A_992 = arith.constant 32 : index
      %get3A_993 = tpu.vector_load %get3A_990[%get3A_991, %get3A_992] {strides = array<i32>} : memref<128x128xf32, #tpu.memory_space<vmem>>, vector<1x16xf32>,
      %get3A_994 = vector.shape_cast %get3A_993 : vector<1x16xf32> to vector<16xf32>
      %get3A_995 = arith.index_cast %scan3A_944 : i32 to index
      %get3A_996 = arith.constant 32 : index
      %get3A_997 = tpu.vector_load %arg7[%get3A_995, %get3A_996] {strides = array<i32>} : memref<128x128xf32, #tpu.memory_space<vmem>>, vector<1x16xf32>,
      %get3A_998 = vector.shape_cast %get3A_997 : vector<1x16xf32> to vector<16xf32>
      %add3A_999 = arith.addf %get3A_994, %get3A_998 : vector<16xf32>
      %swap3A_1000 = arith.constant 0 : i32
      %swap3A_1001 = arith.constant 0 : i32
      %swap3A_1002 = tpu.memref_slice %arg8[%scan3A_131, %swap3A_1000, %swap3A_1001] : memref<6x128x128xf32, #tpu.memory_space<vmem>> -> memref<1x128x128xf32, #tpu.memory_space<vmem>>
      %swap3A_1003 = tpu.memref_squeeze %swap3A_1002 : memref<1x128x128xf32, #tpu.memory_space<vmem>> -> memref<128x128xf32, #tpu.memory_space<vmem>>
      %swap3A_1004 = arith.index_cast %scan3A_944 : i32 to index
      %swap3A_1005 = arith.constant 32 : index
      %swap3A_1006 = tpu.vector_load %swap3A_1003[%swap3A_1004, %swap3A_1005] {strides = array<i32>} : memref<128x128xf32, #tpu.memory_space<vmem>>, vector<1x16xf32>,
      %swap3A_1007 = vector.shape_cast %swap3A_1006 : vector<1x16xf32> to vector<16xf32>
      %swap3A_1008 = vector.shape_cast %add3A_999 : vector<16xf32> to vector<1x16xf32>
      tpu.vector_store %swap3A_1003[%swap3A_1004, %swap3A_1005], %swap3A_1008 {strides = array<i32>} : memref<128x128xf32, #tpu.memory_space<vmem>>, vector<1x16xf32>,
      %get3A_1009 = arith.constant 0 : i32
      %get3A_1010 = arith.constant 0 : i32
      %get3A_1011 = tpu.memref_slice %arg8[%scan3A_131, %get3A_1009, %get3A_1010] : memref<6x128x128xf32, #tpu.memory_space<vmem>> -> memref<1x128x128xf32, #tpu.memory_space<vmem>>
      %get3A_1012 = tpu.memref_squeeze %get3A_1011 : memref<1x128x128xf32, #tpu.memory_space<vmem>> -> memref<128x128xf32, #tpu.memory_space<vmem>>
      %get3A_1013 = arith.index_cast %scan3A_944 : i32 to index
      %get3A_1014 = arith.constant 48 : index
      %get3A_1015 = tpu.vector_load %get3A_1012[%get3A_1013, %get3A_1014] {strides = array<i32>} : memref<128x128xf32, #tpu.memory_space<vmem>>, vector<1x16xf32>,
      %get3A_1016 = vector.shape_cast %get3A_1015 : vector<1x16xf32> to vector<16xf32>
      %get3A_1017 = arith.index_cast %scan3A_944 : i32 to index
      %get3A_1018 = arith.constant 48 : index
      %get3A_1019 = tpu.vector_load %arg7[%get3A_1017, %get3A_1018] {strides = array<i32>} : memref<128x128xf32, #tpu.memory_space<vmem>>, vector<1x16xf32>,
      %get3A_1020 = vector.shape_cast %get3A_1019 : vector<1x16xf32> to vector<16xf32>
      %add3A_1021 = arith.addf %get3A_1016, %get3A_1020 : vector<16xf32>
      %swap3A_1022 = arith.constant 0 : i32
      %swap3A_1023 = arith.constant 0 : i32
      %swap3A_1024 = tpu.memref_slice %arg8[%scan3A_131, %swap3A_1022, %swap3A_1023] : memref<6x128x128xf32, #tpu.memory_space<vmem>> -> memref<1x128x128xf32, #tpu.memory_space<vmem>>
      %swap3A_1025 = tpu.memref_squeeze %swap3A_1024 : memref<1x128x128xf32, #tpu.memory_space<vmem>> -> memref<128x128xf32, #tpu.memory_space<vmem>>
      %swap3A_1026 = arith.index_cast %scan3A_944 : i32 to index
      %swap3A_1027 = arith.constant 48 : index
      %swap3A_1028 = tpu.vector_load %swap3A_1025[%swap3A_1026, %swap3A_1027] {strides = array<i32>} : memref<128x128xf32, #tpu.memory_space<vmem>>, vector<1x16xf32>,
      %swap3A_1029 = vector.shape_cast %swap3A_1028 : vector<1x16xf32> to vector<16xf32>
      %swap3A_1030 = vector.shape_cast %add3A_1021 : vector<16xf32> to vector<1x16xf32>
      tpu.vector_store %swap3A_1025[%swap3A_1026, %swap3A_1027], %swap3A_1030 {strides = array<i32>} : memref<128x128xf32, #tpu.memory_space<vmem>>, vector<1x16xf32>,
      %get3A_1031 = arith.constant 0 : i32
      %get3A_1032 = arith.constant 0 : i32
      %get3A_1033 = tpu.memref_slice %arg8[%scan3A_131, %get3A_1031, %get3A_1032] : memref<6x128x128xf32, #tpu.memory_space<vmem>> -> memref<1x128x128xf32, #tpu.memory_space<vmem>>
      %get3A_1034 = tpu.memref_squeeze %get3A_1033 : memref<1x128x128xf32, #tpu.memory_space<vmem>> -> memref<128x128xf32, #tpu.memory_space<vmem>>
      %get3A_1035 = arith.index_cast %scan3A_944 : i32 to index
      %get3A_1036 = arith.constant 64 : index
      %get3A_1037 = tpu.vector_load %get3A_1034[%get3A_1035, %get3A_1036] {strides = array<i32>} : memref<128x128xf32, #tpu.memory_space<vmem>>, vector<1x16xf32>,
      %get3A_1038 = vector.shape_cast %get3A_1037 : vector<1x16xf32> to vector<16xf32>
      %get3A_1039 = arith.index_cast %scan3A_944 : i32 to index
      %get3A_1040 = arith.constant 64 : index
      %get3A_1041 = tpu.vector_load %arg7[%get3A_1039, %get3A_1040] {strides = array<i32>} : memref<128x128xf32, #tpu.memory_space<vmem>>, vector<1x16xf32>,
      %get3A_1042 = vector.shape_cast %get3A_1041 : vector<1x16xf32> to vector<16xf32>
      %add3A_1043 = arith.addf %get3A_1038, %get3A_1042 : vector<16xf32>
      %swap3A_1044 = arith.constant 0 : i32
      %swap3A_1045 = arith.constant 0 : i32
      %swap3A_1046 = tpu.memref_slice %arg8[%scan3A_131, %swap3A_1044, %swap3A_1045] : memref<6x128x128xf32, #tpu.memory_space<vmem>> -> memref<1x128x128xf32, #tpu.memory_space<vmem>>
      %swap3A_1047 = tpu.memref_squeeze %swap3A_1046 : memref<1x128x128xf32, #tpu.memory_space<vmem>> -> memref<128x128xf32, #tpu.memory_space<vmem>>
      %swap3A_1048 = arith.index_cast %scan3A_944 : i32 to index
      %swap3A_1049 = arith.constant 64 : index
      %swap3A_1050 = tpu.vector_load %swap3A_1047[%swap3A_1048, %swap3A_1049] {strides = array<i32>} : memref<128x128xf32, #tpu.memory_space<vmem>>, vector<1x16xf32>,
      %swap3A_1051 = vector.shape_cast %swap3A_1050 : vector<1x16xf32> to vector<16xf32>
      %swap3A_1052 = vector.shape_cast %add3A_1043 : vector<16xf32> to vector<1x16xf32>
      tpu.vector_store %swap3A_1047[%swap3A_1048, %swap3A_1049], %swap3A_1052 {strides = array<i32>} : memref<128x128xf32, #tpu.memory_space<vmem>>, vector<1x16xf32>,
      %get3A_1053 = arith.constant 0 : i32
      %get3A_1054 = arith.constant 0 : i32
      %get3A_1055 = tpu.memref_slice %arg8[%scan3A_131, %get3A_1053, %get3A_1054] : memref<6x128x128xf32, #tpu.memory_space<vmem>> -> memref<1x128x128xf32, #tpu.memory_space<vmem>>
      %get3A_1056 = tpu.memref_squeeze %get3A_1055 : memref<1x128x128xf32, #tpu.memory_space<vmem>> -> memref<128x128xf32, #tpu.memory_space<vmem>>
      %get3A_1057 = arith.index_cast %scan3A_944 : i32 to index
      %get3A_1058 = arith.constant 80 : index
      %get3A_1059 = tpu.vector_load %get3A_1056[%get3A_1057, %get3A_1058] {strides = array<i32>} : memref<128x128xf32, #tpu.memory_space<vmem>>, vector<1x16xf32>,
      %get3A_1060 = vector.shape_cast %get3A_1059 : vector<1x16xf32> to vector<16xf32>
      %get3A_1061 = arith.index_cast %scan3A_944 : i32 to index
      %get3A_1062 = arith.constant 80 : index
      %get3A_1063 = tpu.vector_load %arg7[%get3A_1061, %get3A_1062] {strides = array<i32>} : memref<128x128xf32, #tpu.memory_space<vmem>>, vector<1x16xf32>,
      %get3A_1064 = vector.shape_cast %get3A_1063 : vector<1x16xf32> to vector<16xf32>
      %add3A_1065 = arith.addf %get3A_1060, %get3A_1064 : vector<16xf32>
      %swap3A_1066 = arith.constant 0 : i32
      %swap3A_1067 = arith.constant 0 : i32
      %swap3A_1068 = tpu.memref_slice %arg8[%scan3A_131, %swap3A_1066, %swap3A_1067] : memref<6x128x128xf32, #tpu.memory_space<vmem>> -> memref<1x128x128xf32, #tpu.memory_space<vmem>>
      %swap3A_1069 = tpu.memref_squeeze %swap3A_1068 : memref<1x128x128xf32, #tpu.memory_space<vmem>> -> memref<128x128xf32, #tpu.memory_space<vmem>>
      %swap3A_1070 = arith.index_cast %scan3A_944 : i32 to index
      %swap3A_1071 = arith.constant 80 : index
      %swap3A_1072 = tpu.vector_load %swap3A_1069[%swap3A_1070, %swap3A_1071] {strides = array<i32>} : memref<128x128xf32, #tpu.memory_space<vmem>>, vector<1x16xf32>,
      %swap3A_1073 = vector.shape_cast %swap3A_1072 : vector<1x16xf32> to vector<16xf32>
      %swap3A_1074 = vector.shape_cast %add3A_1065 : vector<16xf32> to vector<1x16xf32>
      tpu.vector_store %swap3A_1069[%swap3A_1070, %swap3A_1071], %swap3A_1074 {strides = array<i32>} : memref<128x128xf32, #tpu.memory_space<vmem>>, vector<1x16xf32>,
      %get3A_1075 = arith.constant 0 : i32
      %get3A_1076 = arith.constant 0 : i32
      %get3A_1077 = tpu.memref_slice %arg8[%scan3A_131, %get3A_1075, %get3A_1076] : memref<6x128x128xf32, #tpu.memory_space<vmem>> -> memref<1x128x128xf32, #tpu.memory_space<vmem>>
      %get3A_1078 = tpu.memref_squeeze %get3A_1077 : memref<1x128x128xf32, #tpu.memory_space<vmem>> -> memref<128x128xf32, #tpu.memory_space<vmem>>
      %get3A_1079 = arith.index_cast %scan3A_944 : i32 to index
      %get3A_1080 = arith.constant 96 : index
      %get3A_1081 = tpu.vector_load %get3A_1078[%get3A_1079, %get3A_1080] {strides = array<i32>} : memref<128x128xf32, #tpu.memory_space<vmem>>, vector<1x16xf32>,
      %get3A_1082 = vector.shape_cast %get3A_1081 : vector<1x16xf32> to vector<16xf32>
      %get3A_1083 = arith.index_cast %scan3A_944 : i32 to index
      %get3A_1084 = arith.constant 96 : index
      %get3A_1085 = tpu.vector_load %arg7[%get3A_1083, %get3A_1084] {strides = array<i32>} : memref<128x128xf32, #tpu.memory_space<vmem>>, vector<1x16xf32>,
      %get3A_1086 = vector.shape_cast %get3A_1085 : vector<1x16xf32> to vector<16xf32>
      %add3A_1087 = arith.addf %get3A_1082, %get3A_1086 : vector<16xf32>
      %swap3A_1088 = arith.constant 0 : i32
      %swap3A_1089 = arith.constant 0 : i32
      %swap3A_1090 = tpu.memref_slice %arg8[%scan3A_131, %swap3A_1088, %swap3A_1089] : memref<6x128x128xf32, #tpu.memory_space<vmem>> -> memref<1x128x128xf32, #tpu.memory_space<vmem>>
      %swap3A_1091 = tpu.memref_squeeze %swap3A_1090 : memref<1x128x128xf32, #tpu.memory_space<vmem>> -> memref<128x128xf32, #tpu.memory_space<vmem>>
      %swap3A_1092 = arith.index_cast %scan3A_944 : i32 to index
      %swap3A_1093 = arith.constant 96 : index
      %swap3A_1094 = tpu.vector_load %swap3A_1091[%swap3A_1092, %swap3A_1093] {strides = array<i32>} : memref<128x128xf32, #tpu.memory_space<vmem>>, vector<1x16xf32>,
      %swap3A_1095 = vector.shape_cast %swap3A_1094 : vector<1x16xf32> to vector<16xf32>
      %swap3A_1096 = vector.shape_cast %add3A_1087 : vector<16xf32> to vector<1x16xf32>
      tpu.vector_store %swap3A_1091[%swap3A_1092, %swap3A_1093], %swap3A_1096 {strides = array<i32>} : memref<128x128xf32, #tpu.memory_space<vmem>>, vector<1x16xf32>,
      %get3A_1097 = arith.constant 0 : i32
      %get3A_1098 = arith.constant 0 : i32
      %get3A_1099 = tpu.memref_slice %arg8[%scan3A_131, %get3A_1097, %get3A_1098] : memref<6x128x128xf32, #tpu.memory_space<vmem>> -> memref<1x128x128xf32, #tpu.memory_space<vmem>>
      %get3A_1100 = tpu.memref_squeeze %get3A_1099 : memref<1x128x128xf32, #tpu.memory_space<vmem>> -> memref<128x128xf32, #tpu.memory_space<vmem>>
      %get3A_1101 = arith.index_cast %scan3A_944 : i32 to index
      %get3A_1102 = arith.constant 112 : index
      %get3A_1103 = tpu.vector_load %get3A_1100[%get3A_1101, %get3A_1102] {strides = array<i32>} : memref<128x128xf32, #tpu.memory_space<vmem>>, vector<1x16xf32>,
      %get3A_1104 = vector.shape_cast %get3A_1103 : vector<1x16xf32> to vector<16xf32>
      %get3A_1105 = arith.index_cast %scan3A_944 : i32 to index
      %get3A_1106 = arith.constant 112 : index
      %get3A_1107 = tpu.vector_load %arg7[%get3A_1105, %get3A_1106] {strides = array<i32>} : memref<128x128xf32, #tpu.memory_space<vmem>>, vector<1x16xf32>,
      %get3A_1108 = vector.shape_cast %get3A_1107 : vector<1x16xf32> to vector<16xf32>
      %add3A_1109 = arith.addf %get3A_1104, %get3A_1108 : vector<16xf32>
      %swap3A_1110 = arith.constant 0 : i32
      %swap3A_1111 = arith.constant 0 : i32
      %swap3A_1112 = tpu.memref_slice %arg8[%scan3A_131, %swap3A_1110, %swap3A_1111] : memref<6x128x128xf32, #tpu.memory_space<vmem>> -> memref<1x128x128xf32, #tpu.memory_space<vmem>>
      %swap3A_1113 = tpu.memref_squeeze %swap3A_1112 : memref<1x128x128xf32, #tpu.memory_space<vmem>> -> memref<128x128xf32, #tpu.memory_space<vmem>>
      %swap3A_1114 = arith.index_cast %scan3A_944 : i32 to index
      %swap3A_1115 = arith.constant 112 : index
      %swap3A_1116 = tpu.vector_load %swap3A_1113[%swap3A_1114, %swap3A_1115] {strides = array<i32>} : memref<128x128xf32, #tpu.memory_space<vmem>>, vector<1x16xf32>,
      %swap3A_1117 = vector.shape_cast %swap3A_1116 : vector<1x16xf32> to vector<16xf32>
      %swap3A_1118 = vector.shape_cast %add3A_1109 : vector<16xf32> to vector<1x16xf32>
      tpu.vector_store %swap3A_1113[%swap3A_1114, %swap3A_1115], %swap3A_1118 {strides = array<i32>} : memref<128x128xf32, #tpu.memory_space<vmem>>, vector<1x16xf32>,
    }
    %scan3A_136 = arith.constant 128 : i32
    %dma_start3A_137 = arith.constant 0 : i32
    %dma_start3A_138 = arith.constant 0 : i32
    %dma_start3A_139 = arith.constant 0 : i32
    %dma_start3A_140 = arith.constant 0 : i32
    %dma_start3A_141 = arith.constant 0 : i32
    %dma_start3A_142 = tpu.memref_slice %arg8[%dma_start3A_137, %dma_start3A_140, %dma_start3A_141] : memref<6x128x128xf32, #tpu.memory_space<vmem>> -> memref<1x64x128xf32, #tpu.memory_space<vmem>>
    %dma_start3A_143 = tpu.memref_squeeze %dma_start3A_142 : memref<1x64x128xf32, #tpu.memory_space<vmem>> -> memref<64x128xf32, #tpu.memory_space<vmem>>
    %dma_start3A_144 = arith.constant 0 : i32
    %dma_start3A_145 = tpu.memref_slice %arg5[%dma_start3A_138, %mul3A_2, %dma_start3A_144] : memref<16x2048x128xf32, #tpu.memory_space<hbm>> -> memref<1x64x128xf32, #tpu.memory_space<hbm>>
    %dma_start3A_146 = tpu.memref_squeeze %dma_start3A_145 : memref<1x64x128xf32, #tpu.memory_space<hbm>> -> memref<64x128xf32, #tpu.memory_space<hbm>>
    %dma_start3A_147 = tpu.memref_slice %arg10[%dma_start3A_139] : memref<6x!tpu.dma_semaphore, #tpu.memory_space<semaphore_mem>> -> memref<1x!tpu.dma_semaphore, #tpu.memory_space<semaphore_mem>>
    %dma_start3A_148 = tpu.memref_squeeze %dma_start3A_147 : memref<1x!tpu.dma_semaphore, #tpu.memory_space<semaphore_mem>> -> memref<!tpu.dma_semaphore, #tpu.memory_space<semaphore_mem>>
    %dma_start3A_149 = arith.constant 0 : i32
    %dma_start3A_150 = tpu.memref_slice %arg5[%dma_start3A_138, %mul3A_2, %dma_start3A_149] : memref<16x2048x128xf32, #tpu.memory_space<hbm>> -> memref<1x64x128xf32, #tpu.memory_space<hbm>>
    %dma_start3A_151 = tpu.memref_squeeze %dma_start3A_150 : memref<1x64x128xf32, #tpu.memory_space<hbm>> -> memref<64x128xf32, #tpu.memory_space<hbm>>
    %dma_start3A_152 = arith.constant 0 : i32
    %dma_start3A_153 = arith.constant 0 : i32
    %dma_start3A_154 = tpu.memref_slice %arg8[%dma_start3A_137, %dma_start3A_152, %dma_start3A_153] : memref<6x128x128xf32, #tpu.memory_space<vmem>> -> memref<1x64x128xf32, #tpu.memory_space<vmem>>
    %dma_start3A_155 = tpu.memref_squeeze %dma_start3A_154 : memref<1x64x128xf32, #tpu.memory_space<vmem>> -> memref<64x128xf32, #tpu.memory_space<vmem>>
    tpu.enqueue_dma source(%dma_start3A_155 : memref<64x128xf32, #tpu.memory_space<vmem>>) target(%dma_start3A_151 : memref<64x128xf32, #tpu.memory_space<hbm>>) target_semaphore(%dma_start3A_148 : memref<!tpu.dma_semaphore, #tpu.memory_space<semaphore_mem>>)
    %dma_start3A_156 = arith.constant 0 : i32
    %dma_start3A_157 = arith.constant 1 : i32
    %dma_start3A_158 = arith.constant 0 : i32
    %dma_start3A_159 = arith.constant 64 : i32
    %dma_start3A_160 = arith.constant 0 : i32
    %dma_start3A_161 = tpu.memref_slice %arg8[%dma_start3A_156, %dma_start3A_159, %dma_start3A_160] : memref<6x128x128xf32, #tpu.memory_space<vmem>> -> memref<1x64x128xf32, #tpu.memory_space<vmem>>
    %dma_start3A_162 = tpu.memref_squeeze %dma_start3A_161 : memref<1x64x128xf32, #tpu.memory_space<vmem>> -> memref<64x128xf32, #tpu.memory_space<vmem>>
    %dma_start3A_163 = arith.constant 0 : i32
    %dma_start3A_164 = tpu.memref_slice %arg5[%dma_start3A_157, %mul3A_2, %dma_start3A_163] : memref<16x2048x128xf32, #tpu.memory_space<hbm>> -> memref<1x64x128xf32, #tpu.memory_space<hbm>>
    %dma_start3A_165 = tpu.memref_squeeze %dma_start3A_164 : memref<1x64x128xf32, #tpu.memory_space<hbm>> -> memref<64x128xf32, #tpu.memory_space<hbm>>
    %dma_start3A_166 = tpu.memref_slice %arg10[%dma_start3A_158] : memref<6x!tpu.dma_semaphore, #tpu.memory_space<semaphore_mem>> -> memref<1x!tpu.dma_semaphore, #tpu.memory_space<semaphore_mem>>
    %dma_start3A_167 = tpu.memref_squeeze %dma_start3A_166 : memref<1x!tpu.dma_semaphore, #tpu.memory_space<semaphore_mem>> -> memref<!tpu.dma_semaphore, #tpu.memory_space<semaphore_mem>>
    %dma_start3A_168 = arith.constant 0 : i32
    %dma_start3A_169 = tpu.memref_slice %arg5[%dma_start3A_157, %mul3A_2, %dma_start3A_168] : memref<16x2048x128xf32, #tpu.memory_space<hbm>> -> memref<1x64x128xf32, #tpu.memory_space<hbm>>
    %dma_start3A_170 = tpu.memref_squeeze %dma_start3A_169 : memref<1x64x128xf32, #tpu.memory_space<hbm>> -> memref<64x128xf32, #tpu.memory_space<hbm>>
    %dma_start3A_171 = arith.constant 64 : i32
    %dma_start3A_172 = arith.constant 0 : i32
    %dma_start3A_173 = tpu.memref_slice %arg8[%dma_start3A_156, %dma_start3A_171, %dma_start3A_172] : memref<6x128x128xf32, #tpu.memory_space<vmem>> -> memref<1x64x128xf32, #tpu.memory_space<vmem>>
    %dma_start3A_174 = tpu.memref_squeeze %dma_start3A_173 : memref<1x64x128xf32, #tpu.memory_space<vmem>> -> memref<64x128xf32, #tpu.memory_space<vmem>>
    tpu.enqueue_dma source(%dma_start3A_174 : memref<64x128xf32, #tpu.memory_space<vmem>>) target(%dma_start3A_170 : memref<64x128xf32, #tpu.memory_space<hbm>>) target_semaphore(%dma_start3A_167 : memref<!tpu.dma_semaphore, #tpu.memory_space<semaphore_mem>>)
    %dma_start3A_175 = arith.constant 5 : i32
    %dma_start3A_176 = arith.constant 5 : i32
    %dma_start3A_177 = arith.constant 5 : i32
    %dma_start3A_178 = arith.constant 0 : i32
    %dma_start3A_179 = arith.constant 0 : i32
    %dma_start3A_180 = tpu.memref_slice %arg8[%dma_start3A_176, %dma_start3A_178, %dma_start3A_179] : memref<6x128x128xf32, #tpu.memory_space<vmem>> -> memref<1x128x128xf32, #tpu.memory_space<vmem>>
    %dma_start3A_181 = tpu.memref_squeeze %dma_start3A_180 : memref<1x128x128xf32, #tpu.memory_space<vmem>> -> memref<128x128xf32, #tpu.memory_space<vmem>>
    %dma_start3A_182 = arith.constant 0 : i32
    %dma_start3A_183 = tpu.memref_slice %arg6[%dma_start3A_175, %dma_start3A_182] : memref<8x128xi32, #tpu.memory_space<vmem>> -> memref<1x128xi32, #tpu.memory_space<vmem>>
    %dma_start3A_184 = tpu.memref_squeeze %dma_start3A_183 : memref<1x128xi32, #tpu.memory_space<vmem>> -> memref<128xi32, #tpu.memory_space<vmem>>
    %dma_start3A_185 = arith.constant 0 : i32
    %dma_start3A_186 = arith.constant 0 : i32
    %dma_start3A_187 = tpu.memref_slice %arg3[%dma_start3A_185, %dma_start3A_186] : memref<100000x128xf32, #tpu.memory_space<hbm>> -> memref<100000x128xf32, #tpu.memory_space<hbm>>
    %dma_start3A_188 = tpu.memref_slice %arg9[%dma_start3A_177] : memref<6x!tpu.dma_semaphore, #tpu.memory_space<semaphore_mem>> -> memref<1x!tpu.dma_semaphore, #tpu.memory_space<semaphore_mem>>
    %dma_start3A_189 = tpu.memref_squeeze %dma_start3A_188 : memref<1x!tpu.dma_semaphore, #tpu.memory_space<semaphore_mem>> -> memref<!tpu.dma_semaphore, #tpu.memory_space<semaphore_mem>>
    tpu.enqueue_indirect_dma source(%dma_start3A_187 : memref<100000x128xf32, #tpu.memory_space<hbm>>) target(%dma_start3A_181 : memref<128x128xf32, #tpu.memory_space<vmem>>) offsets(%dma_start3A_184 : memref<128xi32, #tpu.memory_space<vmem>>) semaphore(%dma_start3A_189 : memref<!tpu.dma_semaphore, #tpu.memory_space<semaphore_mem>>)
    %dma_wait3A_190 = arith.constant 1 : i32
    %dma_wait3A_191 = arith.constant 1 : i32
    %dma_wait3A_192 = arith.constant 1 : i32
    %dma_wait3A_193 = arith.constant 0 : i32
    %dma_wait3A_194 = arith.constant 0 : i32
    %dma_wait3A_195 = tpu.memref_slice %arg8[%dma_wait3A_191, %dma_wait3A_193, %dma_wait3A_194] : memref<6x128x128xf32, #tpu.memory_space<vmem>> -> memref<1x128x128xf32, #tpu.memory_space<vmem>>
    %dma_wait3A_196 = tpu.memref_squeeze %dma_wait3A_195 : memref<1x128x128xf32, #tpu.memory_space<vmem>> -> memref<128x128xf32, #tpu.memory_space<vmem>>
    %dma_wait3A_197 = arith.constant 0 : i32
    %dma_wait3A_198 = tpu.memref_slice %arg6[%dma_wait3A_190, %dma_wait3A_197] : memref<8x128xi32, #tpu.memory_space<vmem>> -> memref<1x128xi32, #tpu.memory_space<vmem>>
    %dma_wait3A_199 = tpu.memref_squeeze %dma_wait3A_198 : memref<1x128xi32, #tpu.memory_space<vmem>> -> memref<128xi32, #tpu.memory_space<vmem>>
    %dma_wait3A_200 = arith.constant 0 : i32
    %dma_wait3A_201 = arith.constant 0 : i32
    %dma_wait3A_202 = tpu.memref_slice %arg3[%dma_wait3A_200, %dma_wait3A_201] : memref<100000x128xf32, #tpu.memory_space<hbm>> -> memref<100000x128xf32, #tpu.memory_space<hbm>>
    %dma_wait3A_203 = tpu.memref_slice %arg9[%dma_wait3A_192] : memref<6x!tpu.dma_semaphore, #tpu.memory_space<semaphore_mem>> -> memref<1x!tpu.dma_semaphore, #tpu.memory_space<semaphore_mem>>
    %dma_wait3A_204 = tpu.memref_squeeze %dma_wait3A_203 : memref<1x!tpu.dma_semaphore, #tpu.memory_space<semaphore_mem>> -> memref<!tpu.dma_semaphore, #tpu.memory_space<semaphore_mem>>
    tpu.wait_indirect_dma semaphore(%dma_wait3A_204 : memref<!tpu.dma_semaphore, #tpu.memory_space<semaphore_mem>>) src(%dma_wait3A_202 : memref<100000x128xf32, #tpu.memory_space<hbm>>) dst(%dma_wait3A_196 : memref<128x128xf32, #tpu.memory_space<vmem>>)
    %scan3A_205 = arith.constant 0 : i32
    %scan3A_206 = arith.constant 1 : i32
    %scan3A_207 = arith.constant 0 : i32
    %scan3A_208 = arith.constant 128 : i32
    %scan3A_209 = arith.addi %scan3A_207, %scan3A_208 : i32
    %scan3A_210 = arith.constant 1 : i32
    scf.for %scan3A_944 = %scan3A_207 to %scan3A_209 step %scan3A_210  : i32 {
      %get3A = arith.constant 0 : i32
      %get3A_945 = arith.constant 0 : i32
      %get3A_946 = tpu.memref_slice %arg8[%scan3A_206, %get3A, %get3A_945] : memref<6x128x128xf32, #tpu.memory_space<vmem>> -> memref<1x128x128xf32, #tpu.memory_space<vmem>>
      %get3A_947 = tpu.memref_squeeze %get3A_946 : memref<1x128x128xf32, #tpu.memory_space<vmem>> -> memref<128x128xf32, #tpu.memory_space<vmem>>
      %get3A_948 = arith.index_cast %scan3A_944 : i32 to index
      %get3A_949 = arith.constant 0 : index
      %get3A_950 = tpu.vector_load %get3A_947[%get3A_948, %get3A_949] {strides = array<i32>} : memref<128x128xf32, #tpu.memory_space<vmem>>, vector<1x16xf32>,
      %get3A_951 = vector.shape_cast %get3A_950 : vector<1x16xf32> to vector<16xf32>
      %get3A_952 = arith.index_cast %scan3A_944 : i32 to index
      %get3A_953 = arith.constant 0 : index
      %get3A_954 = tpu.vector_load %arg7[%get3A_952, %get3A_953] {strides = array<i32>} : memref<128x128xf32, #tpu.memory_space<vmem>>, vector<1x16xf32>,
      %get3A_955 = vector.shape_cast %get3A_954 : vector<1x16xf32> to vector<16xf32>
      %add3A_956 = arith.addf %get3A_951, %get3A_955 : vector<16xf32>
      %swap3A = arith.constant 0 : i32
      %swap3A_957 = arith.constant 0 : i32
      %swap3A_958 = tpu.memref_slice %arg8[%scan3A_206, %swap3A, %swap3A_957] : memref<6x128x128xf32, #tpu.memory_space<vmem>> -> memref<1x128x128xf32, #tpu.memory_space<vmem>>
      %swap3A_959 = tpu.memref_squeeze %swap3A_958 : memref<1x128x128xf32, #tpu.memory_space<vmem>> -> memref<128x128xf32, #tpu.memory_space<vmem>>
      %swap3A_960 = arith.index_cast %scan3A_944 : i32 to index
      %swap3A_961 = arith.constant 0 : index
      %swap3A_962 = tpu.vector_load %swap3A_959[%swap3A_960, %swap3A_961] {strides = array<i32>} : memref<128x128xf32, #tpu.memory_space<vmem>>, vector<1x16xf32>,
      %swap3A_963 = vector.shape_cast %swap3A_962 : vector<1x16xf32> to vector<16xf32>
      %swap3A_964 = vector.shape_cast %add3A_956 : vector<16xf32> to vector<1x16xf32>
      tpu.vector_store %swap3A_959[%swap3A_960, %swap3A_961], %swap3A_964 {strides = array<i32>} : memref<128x128xf32, #tpu.memory_space<vmem>>, vector<1x16xf32>,
      %get3A_965 = arith.constant 0 : i32
      %get3A_966 = arith.constant 0 : i32
      %get3A_967 = tpu.memref_slice %arg8[%scan3A_206, %get3A_965, %get3A_966] : memref<6x128x128xf32, #tpu.memory_space<vmem>> -> memref<1x128x128xf32, #tpu.memory_space<vmem>>
      %get3A_968 = tpu.memref_squeeze %get3A_967 : memref<1x128x128xf32, #tpu.memory_space<vmem>> -> memref<128x128xf32, #tpu.memory_space<vmem>>
      %get3A_969 = arith.index_cast %scan3A_944 : i32 to index
      %get3A_970 = arith.constant 16 : index
      %get3A_971 = tpu.vector_load %get3A_968[%get3A_969, %get3A_970] {strides = array<i32>} : memref<128x128xf32, #tpu.memory_space<vmem>>, vector<1x16xf32>,
      %get3A_972 = vector.shape_cast %get3A_971 : vector<1x16xf32> to vector<16xf32>
      %get3A_973 = arith.index_cast %scan3A_944 : i32 to index
      %get3A_974 = arith.constant 16 : index
      %get3A_975 = tpu.vector_load %arg7[%get3A_973, %get3A_974] {strides = array<i32>} : memref<128x128xf32, #tpu.memory_space<vmem>>, vector<1x16xf32>,
      %get3A_976 = vector.shape_cast %get3A_975 : vector<1x16xf32> to vector<16xf32>
      %add3A_977 = arith.addf %get3A_972, %get3A_976 : vector<16xf32>
      %swap3A_978 = arith.constant 0 : i32
      %swap3A_979 = arith.constant 0 : i32
      %swap3A_980 = tpu.memref_slice %arg8[%scan3A_206, %swap3A_978, %swap3A_979] : memref<6x128x128xf32, #tpu.memory_space<vmem>> -> memref<1x128x128xf32, #tpu.memory_space<vmem>>
      %swap3A_981 = tpu.memref_squeeze %swap3A_980 : memref<1x128x128xf32, #tpu.memory_space<vmem>> -> memref<128x128xf32, #tpu.memory_space<vmem>>
      %swap3A_982 = arith.index_cast %scan3A_944 : i32 to index
      %swap3A_983 = arith.constant 16 : index
      %swap3A_984 = tpu.vector_load %swap3A_981[%swap3A_982, %swap3A_983] {strides = array<i32>} : memref<128x128xf32, #tpu.memory_space<vmem>>, vector<1x16xf32>,
      %swap3A_985 = vector.shape_cast %swap3A_984 : vector<1x16xf32> to vector<16xf32>
      %swap3A_986 = vector.shape_cast %add3A_977 : vector<16xf32> to vector<1x16xf32>
      tpu.vector_store %swap3A_981[%swap3A_982, %swap3A_983], %swap3A_986 {strides = array<i32>} : memref<128x128xf32, #tpu.memory_space<vmem>>, vector<1x16xf32>,
      %get3A_987 = arith.constant 0 : i32
      %get3A_988 = arith.constant 0 : i32
      %get3A_989 = tpu.memref_slice %arg8[%scan3A_206, %get3A_987, %get3A_988] : memref<6x128x128xf32, #tpu.memory_space<vmem>> -> memref<1x128x128xf32, #tpu.memory_space<vmem>>
      %get3A_990 = tpu.memref_squeeze %get3A_989 : memref<1x128x128xf32, #tpu.memory_space<vmem>> -> memref<128x128xf32, #tpu.memory_space<vmem>>
      %get3A_991 = arith.index_cast %scan3A_944 : i32 to index
      %get3A_992 = arith.constant 32 : index
      %get3A_993 = tpu.vector_load %get3A_990[%get3A_991, %get3A_992] {strides = array<i32>} : memref<128x128xf32, #tpu.memory_space<vmem>>, vector<1x16xf32>,
      %get3A_994 = vector.shape_cast %get3A_993 : vector<1x16xf32> to vector<16xf32>
      %get3A_995 = arith.index_cast %scan3A_944 : i32 to index
      %get3A_996 = arith.constant 32 : index
      %get3A_997 = tpu.vector_load %arg7[%get3A_995, %get3A_996] {strides = array<i32>} : memref<128x128xf32, #tpu.memory_space<vmem>>, vector<1x16xf32>,
      %get3A_998 = vector.shape_cast %get3A_997 : vector<1x16xf32> to vector<16xf32>
      %add3A_999 = arith.addf %get3A_994, %get3A_998 : vector<16xf32>
      %swap3A_1000 = arith.constant 0 : i32
      %swap3A_1001 = arith.constant 0 : i32
      %swap3A_1002 = tpu.memref_slice %arg8[%scan3A_206, %swap3A_1000, %swap3A_1001] : memref<6x128x128xf32, #tpu.memory_space<vmem>> -> memref<1x128x128xf32, #tpu.memory_space<vmem>>
      %swap3A_1003 = tpu.memref_squeeze %swap3A_1002 : memref<1x128x128xf32, #tpu.memory_space<vmem>> -> memref<128x128xf32, #tpu.memory_space<vmem>>
      %swap3A_1004 = arith.index_cast %scan3A_944 : i32 to index
      %swap3A_1005 = arith.constant 32 : index
      %swap3A_1006 = tpu.vector_load %swap3A_1003[%swap3A_1004, %swap3A_1005] {strides = array<i32>} : memref<128x128xf32, #tpu.memory_space<vmem>>, vector<1x16xf32>,
      %swap3A_1007 = vector.shape_cast %swap3A_1006 : vector<1x16xf32> to vector<16xf32>
      %swap3A_1008 = vector.shape_cast %add3A_999 : vector<16xf32> to vector<1x16xf32>
      tpu.vector_store %swap3A_1003[%swap3A_1004, %swap3A_1005], %swap3A_1008 {strides = array<i32>} : memref<128x128xf32, #tpu.memory_space<vmem>>, vector<1x16xf32>,
      %get3A_1009 = arith.constant 0 : i32
      %get3A_1010 = arith.constant 0 : i32
      %get3A_1011 = tpu.memref_slice %arg8[%scan3A_206, %get3A_1009, %get3A_1010] : memref<6x128x128xf32, #tpu.memory_space<vmem>> -> memref<1x128x128xf32, #tpu.memory_space<vmem>>
      %get3A_1012 = tpu.memref_squeeze %get3A_1011 : memref<1x128x128xf32, #tpu.memory_space<vmem>> -> memref<128x128xf32, #tpu.memory_space<vmem>>
      %get3A_1013 = arith.index_cast %scan3A_944 : i32 to index
      %get3A_1014 = arith.constant 48 : index
      %get3A_1015 = tpu.vector_load %get3A_1012[%get3A_1013, %get3A_1014] {strides = array<i32>} : memref<128x128xf32, #tpu.memory_space<vmem>>, vector<1x16xf32>,
      %get3A_1016 = vector.shape_cast %get3A_1015 : vector<1x16xf32> to vector<16xf32>
      %get3A_1017 = arith.index_cast %scan3A_944 : i32 to index
      %get3A_1018 = arith.constant 48 : index
      %get3A_1019 = tpu.vector_load %arg7[%get3A_1017, %get3A_1018] {strides = array<i32>} : memref<128x128xf32, #tpu.memory_space<vmem>>, vector<1x16xf32>,
      %get3A_1020 = vector.shape_cast %get3A_1019 : vector<1x16xf32> to vector<16xf32>
      %add3A_1021 = arith.addf %get3A_1016, %get3A_1020 : vector<16xf32>
      %swap3A_1022 = arith.constant 0 : i32
      %swap3A_1023 = arith.constant 0 : i32
      %swap3A_1024 = tpu.memref_slice %arg8[%scan3A_206, %swap3A_1022, %swap3A_1023] : memref<6x128x128xf32, #tpu.memory_space<vmem>> -> memref<1x128x128xf32, #tpu.memory_space<vmem>>
      %swap3A_1025 = tpu.memref_squeeze %swap3A_1024 : memref<1x128x128xf32, #tpu.memory_space<vmem>> -> memref<128x128xf32, #tpu.memory_space<vmem>>
      %swap3A_1026 = arith.index_cast %scan3A_944 : i32 to index
      %swap3A_1027 = arith.constant 48 : index
      %swap3A_1028 = tpu.vector_load %swap3A_1025[%swap3A_1026, %swap3A_1027] {strides = array<i32>} : memref<128x128xf32, #tpu.memory_space<vmem>>, vector<1x16xf32>,
      %swap3A_1029 = vector.shape_cast %swap3A_1028 : vector<1x16xf32> to vector<16xf32>
      %swap3A_1030 = vector.shape_cast %add3A_1021 : vector<16xf32> to vector<1x16xf32>
      tpu.vector_store %swap3A_1025[%swap3A_1026, %swap3A_1027], %swap3A_1030 {strides = array<i32>} : memref<128x128xf32, #tpu.memory_space<vmem>>, vector<1x16xf32>,
      %get3A_1031 = arith.constant 0 : i32
      %get3A_1032 = arith.constant 0 : i32
      %get3A_1033 = tpu.memref_slice %arg8[%scan3A_206, %get3A_1031, %get3A_1032] : memref<6x128x128xf32, #tpu.memory_space<vmem>> -> memref<1x128x128xf32, #tpu.memory_space<vmem>>
      %get3A_1034 = tpu.memref_squeeze %get3A_1033 : memref<1x128x128xf32, #tpu.memory_space<vmem>> -> memref<128x128xf32, #tpu.memory_space<vmem>>
      %get3A_1035 = arith.index_cast %scan3A_944 : i32 to index
      %get3A_1036 = arith.constant 64 : index
      %get3A_1037 = tpu.vector_load %get3A_1034[%get3A_1035, %get3A_1036] {strides = array<i32>} : memref<128x128xf32, #tpu.memory_space<vmem>>, vector<1x16xf32>,
      %get3A_1038 = vector.shape_cast %get3A_1037 : vector<1x16xf32> to vector<16xf32>
      %get3A_1039 = arith.index_cast %scan3A_944 : i32 to index
      %get3A_1040 = arith.constant 64 : index
      %get3A_1041 = tpu.vector_load %arg7[%get3A_1039, %get3A_1040] {strides = array<i32>} : memref<128x128xf32, #tpu.memory_space<vmem>>, vector<1x16xf32>,
      %get3A_1042 = vector.shape_cast %get3A_1041 : vector<1x16xf32> to vector<16xf32>
      %add3A_1043 = arith.addf %get3A_1038, %get3A_1042 : vector<16xf32>
      %swap3A_1044 = arith.constant 0 : i32
      %swap3A_1045 = arith.constant 0 : i32
      %swap3A_1046 = tpu.memref_slice %arg8[%scan3A_206, %swap3A_1044, %swap3A_1045] : memref<6x128x128xf32, #tpu.memory_space<vmem>> -> memref<1x128x128xf32, #tpu.memory_space<vmem>>
      %swap3A_1047 = tpu.memref_squeeze %swap3A_1046 : memref<1x128x128xf32, #tpu.memory_space<vmem>> -> memref<128x128xf32, #tpu.memory_space<vmem>>
      %swap3A_1048 = arith.index_cast %scan3A_944 : i32 to index
      %swap3A_1049 = arith.constant 64 : index
      %swap3A_1050 = tpu.vector_load %swap3A_1047[%swap3A_1048, %swap3A_1049] {strides = array<i32>} : memref<128x128xf32, #tpu.memory_space<vmem>>, vector<1x16xf32>,
      %swap3A_1051 = vector.shape_cast %swap3A_1050 : vector<1x16xf32> to vector<16xf32>
      %swap3A_1052 = vector.shape_cast %add3A_1043 : vector<16xf32> to vector<1x16xf32>
      tpu.vector_store %swap3A_1047[%swap3A_1048, %swap3A_1049], %swap3A_1052 {strides = array<i32>} : memref<128x128xf32, #tpu.memory_space<vmem>>, vector<1x16xf32>,
      %get3A_1053 = arith.constant 0 : i32
      %get3A_1054 = arith.constant 0 : i32
      %get3A_1055 = tpu.memref_slice %arg8[%scan3A_206, %get3A_1053, %get3A_1054] : memref<6x128x128xf32, #tpu.memory_space<vmem>> -> memref<1x128x128xf32, #tpu.memory_space<vmem>>
      %get3A_1056 = tpu.memref_squeeze %get3A_1055 : memref<1x128x128xf32, #tpu.memory_space<vmem>> -> memref<128x128xf32, #tpu.memory_space<vmem>>
      %get3A_1057 = arith.index_cast %scan3A_944 : i32 to index
      %get3A_1058 = arith.constant 80 : index
      %get3A_1059 = tpu.vector_load %get3A_1056[%get3A_1057, %get3A_1058] {strides = array<i32>} : memref<128x128xf32, #tpu.memory_space<vmem>>, vector<1x16xf32>,
      %get3A_1060 = vector.shape_cast %get3A_1059 : vector<1x16xf32> to vector<16xf32>
      %get3A_1061 = arith.index_cast %scan3A_944 : i32 to index
      %get3A_1062 = arith.constant 80 : index
      %get3A_1063 = tpu.vector_load %arg7[%get3A_1061, %get3A_1062] {strides = array<i32>} : memref<128x128xf32, #tpu.memory_space<vmem>>, vector<1x16xf32>,
      %get3A_1064 = vector.shape_cast %get3A_1063 : vector<1x16xf32> to vector<16xf32>
      %add3A_1065 = arith.addf %get3A_1060, %get3A_1064 : vector<16xf32>
      %swap3A_1066 = arith.constant 0 : i32
      %swap3A_1067 = arith.constant 0 : i32
      %swap3A_1068 = tpu.memref_slice %arg8[%scan3A_206, %swap3A_1066, %swap3A_1067] : memref<6x128x128xf32, #tpu.memory_space<vmem>> -> memref<1x128x128xf32, #tpu.memory_space<vmem>>
      %swap3A_1069 = tpu.memref_squeeze %swap3A_1068 : memref<1x128x128xf32, #tpu.memory_space<vmem>> -> memref<128x128xf32, #tpu.memory_space<vmem>>
      %swap3A_1070 = arith.index_cast %scan3A_944 : i32 to index
      %swap3A_1071 = arith.constant 80 : index
      %swap3A_1072 = tpu.vector_load %swap3A_1069[%swap3A_1070, %swap3A_1071] {strides = array<i32>} : memref<128x128xf32, #tpu.memory_space<vmem>>, vector<1x16xf32>,
      %swap3A_1073 = vector.shape_cast %swap3A_1072 : vector<1x16xf32> to vector<16xf32>
      %swap3A_1074 = vector.shape_cast %add3A_1065 : vector<16xf32> to vector<1x16xf32>
      tpu.vector_store %swap3A_1069[%swap3A_1070, %swap3A_1071], %swap3A_1074 {strides = array<i32>} : memref<128x128xf32, #tpu.memory_space<vmem>>, vector<1x16xf32>,
      %get3A_1075 = arith.constant 0 : i32
      %get3A_1076 = arith.constant 0 : i32
      %get3A_1077 = tpu.memref_slice %arg8[%scan3A_206, %get3A_1075, %get3A_1076] : memref<6x128x128xf32, #tpu.memory_space<vmem>> -> memref<1x128x128xf32, #tpu.memory_space<vmem>>
      %get3A_1078 = tpu.memref_squeeze %get3A_1077 : memref<1x128x128xf32, #tpu.memory_space<vmem>> -> memref<128x128xf32, #tpu.memory_space<vmem>>
      %get3A_1079 = arith.index_cast %scan3A_944 : i32 to index
      %get3A_1080 = arith.constant 96 : index
      %get3A_1081 = tpu.vector_load %get3A_1078[%get3A_1079, %get3A_1080] {strides = array<i32>} : memref<128x128xf32, #tpu.memory_space<vmem>>, vector<1x16xf32>,
      %get3A_1082 = vector.shape_cast %get3A_1081 : vector<1x16xf32> to vector<16xf32>
      %get3A_1083 = arith.index_cast %scan3A_944 : i32 to index
      %get3A_1084 = arith.constant 96 : index
      %get3A_1085 = tpu.vector_load %arg7[%get3A_1083, %get3A_1084] {strides = array<i32>} : memref<128x128xf32, #tpu.memory_space<vmem>>, vector<1x16xf32>,
      %get3A_1086 = vector.shape_cast %get3A_1085 : vector<1x16xf32> to vector<16xf32>
      %add3A_1087 = arith.addf %get3A_1082, %get3A_1086 : vector<16xf32>
      %swap3A_1088 = arith.constant 0 : i32
      %swap3A_1089 = arith.constant 0 : i32
      %swap3A_1090 = tpu.memref_slice %arg8[%scan3A_206, %swap3A_1088, %swap3A_1089] : memref<6x128x128xf32, #tpu.memory_space<vmem>> -> memref<1x128x128xf32, #tpu.memory_space<vmem>>
      %swap3A_1091 = tpu.memref_squeeze %swap3A_1090 : memref<1x128x128xf32, #tpu.memory_space<vmem>> -> memref<128x128xf32, #tpu.memory_space<vmem>>
      %swap3A_1092 = arith.index_cast %scan3A_944 : i32 to index
      %swap3A_1093 = arith.constant 96 : index
      %swap3A_1094 = tpu.vector_load %swap3A_1091[%swap3A_1092, %swap3A_1093] {strides = array<i32>} : memref<128x128xf32, #tpu.memory_space<vmem>>, vector<1x16xf32>,
      %swap3A_1095 = vector.shape_cast %swap3A_1094 : vector<1x16xf32> to vector<16xf32>
      %swap3A_1096 = vector.shape_cast %add3A_1087 : vector<16xf32> to vector<1x16xf32>
      tpu.vector_store %swap3A_1091[%swap3A_1092, %swap3A_1093], %swap3A_1096 {strides = array<i32>} : memref<128x128xf32, #tpu.memory_space<vmem>>, vector<1x16xf32>,
      %get3A_1097 = arith.constant 0 : i32
      %get3A_1098 = arith.constant 0 : i32
      %get3A_1099 = tpu.memref_slice %arg8[%scan3A_206, %get3A_1097, %get3A_1098] : memref<6x128x128xf32, #tpu.memory_space<vmem>> -> memref<1x128x128xf32, #tpu.memory_space<vmem>>
      %get3A_1100 = tpu.memref_squeeze %get3A_1099 : memref<1x128x128xf32, #tpu.memory_space<vmem>> -> memref<128x128xf32, #tpu.memory_space<vmem>>
      %get3A_1101 = arith.index_cast %scan3A_944 : i32 to index
      %get3A_1102 = arith.constant 112 : index
      %get3A_1103 = tpu.vector_load %get3A_1100[%get3A_1101, %get3A_1102] {strides = array<i32>} : memref<128x128xf32, #tpu.memory_space<vmem>>, vector<1x16xf32>,
      %get3A_1104 = vector.shape_cast %get3A_1103 : vector<1x16xf32> to vector<16xf32>
      %get3A_1105 = arith.index_cast %scan3A_944 : i32 to index
      %get3A_1106 = arith.constant 112 : index
      %get3A_1107 = tpu.vector_load %arg7[%get3A_1105, %get3A_1106] {strides = array<i32>} : memref<128x128xf32, #tpu.memory_space<vmem>>, vector<1x16xf32>,
      %get3A_1108 = vector.shape_cast %get3A_1107 : vector<1x16xf32> to vector<16xf32>
      %add3A_1109 = arith.addf %get3A_1104, %get3A_1108 : vector<16xf32>
      %swap3A_1110 = arith.constant 0 : i32
      %swap3A_1111 = arith.constant 0 : i32
      %swap3A_1112 = tpu.memref_slice %arg8[%scan3A_206, %swap3A_1110, %swap3A_1111] : memref<6x128x128xf32, #tpu.memory_space<vmem>> -> memref<1x128x128xf32, #tpu.memory_space<vmem>>
      %swap3A_1113 = tpu.memref_squeeze %swap3A_1112 : memref<1x128x128xf32, #tpu.memory_space<vmem>> -> memref<128x128xf32, #tpu.memory_space<vmem>>
      %swap3A_1114 = arith.index_cast %scan3A_944 : i32 to index
      %swap3A_1115 = arith.constant 112 : index
      %swap3A_1116 = tpu.vector_load %swap3A_1113[%swap3A_1114, %swap3A_1115] {strides = array<i32>} : memref<128x128xf32, #tpu.memory_space<vmem>>, vector<1x16xf32>,
      %swap3A_1117 = vector.shape_cast %swap3A_1116 : vector<1x16xf32> to vector<16xf32>
      %swap3A_1118 = vector.shape_cast %add3A_1109 : vector<16xf32> to vector<1x16xf32>
      tpu.vector_store %swap3A_1113[%swap3A_1114, %swap3A_1115], %swap3A_1118 {strides = array<i32>} : memref<128x128xf32, #tpu.memory_space<vmem>>, vector<1x16xf32>,
    }
    %scan3A_211 = arith.constant 128 : i32
    %dma_start3A_212 = arith.constant 1 : i32
    %dma_start3A_213 = arith.constant 2 : i32
    %dma_start3A_214 = arith.constant 1 : i32
    %dma_start3A_215 = arith.constant 0 : i32
    %dma_start3A_216 = arith.constant 0 : i32
    %dma_start3A_217 = tpu.memref_slice %arg8[%dma_start3A_212, %dma_start3A_215, %dma_start3A_216] : memref<6x128x128xf32, #tpu.memory_space<vmem>> -> memref<1x64x128xf32, #tpu.memory_space<vmem>>
    %dma_start3A_218 = tpu.memref_squeeze %dma_start3A_217 : memref<1x64x128xf32, #tpu.memory_space<vmem>> -> memref<64x128xf32, #tpu.memory_space<vmem>>
    %dma_start3A_219 = arith.constant 0 : i32
    %dma_start3A_220 = tpu.memref_slice %arg5[%dma_start3A_213, %mul3A_2, %dma_start3A_219] : memref<16x2048x128xf32, #tpu.memory_space<hbm>> -> memref<1x64x128xf32, #tpu.memory_space<hbm>>
    %dma_start3A_221 = tpu.memref_squeeze %dma_start3A_220 : memref<1x64x128xf32, #tpu.memory_space<hbm>> -> memref<64x128xf32, #tpu.memory_space<hbm>>
    %dma_start3A_222 = tpu.memref_slice %arg10[%dma_start3A_214] : memref<6x!tpu.dma_semaphore, #tpu.memory_space<semaphore_mem>> -> memref<1x!tpu.dma_semaphore, #tpu.memory_space<semaphore_mem>>
    %dma_start3A_223 = tpu.memref_squeeze %dma_start3A_222 : memref<1x!tpu.dma_semaphore, #tpu.memory_space<semaphore_mem>> -> memref<!tpu.dma_semaphore, #tpu.memory_space<semaphore_mem>>
    %dma_start3A_224 = arith.constant 0 : i32
    %dma_start3A_225 = tpu.memref_slice %arg5[%dma_start3A_213, %mul3A_2, %dma_start3A_224] : memref<16x2048x128xf32, #tpu.memory_space<hbm>> -> memref<1x64x128xf32, #tpu.memory_space<hbm>>
    %dma_start3A_226 = tpu.memref_squeeze %dma_start3A_225 : memref<1x64x128xf32, #tpu.memory_space<hbm>> -> memref<64x128xf32, #tpu.memory_space<hbm>>
    %dma_start3A_227 = arith.constant 0 : i32
    %dma_start3A_228 = arith.constant 0 : i32
    %dma_start3A_229 = tpu.memref_slice %arg8[%dma_start3A_212, %dma_start3A_227, %dma_start3A_228] : memref<6x128x128xf32, #tpu.memory_space<vmem>> -> memref<1x64x128xf32, #tpu.memory_space<vmem>>
    %dma_start3A_230 = tpu.memref_squeeze %dma_start3A_229 : memref<1x64x128xf32, #tpu.memory_space<vmem>> -> memref<64x128xf32, #tpu.memory_space<vmem>>
    tpu.enqueue_dma source(%dma_start3A_230 : memref<64x128xf32, #tpu.memory_space<vmem>>) target(%dma_start3A_226 : memref<64x128xf32, #tpu.memory_space<hbm>>) target_semaphore(%dma_start3A_223 : memref<!tpu.dma_semaphore, #tpu.memory_space<semaphore_mem>>)
    %dma_start3A_231 = arith.constant 1 : i32
    %dma_start3A_232 = arith.constant 3 : i32
    %dma_start3A_233 = arith.constant 1 : i32
    %dma_start3A_234 = arith.constant 64 : i32
    %dma_start3A_235 = arith.constant 0 : i32
    %dma_start3A_236 = tpu.memref_slice %arg8[%dma_start3A_231, %dma_start3A_234, %dma_start3A_235] : memref<6x128x128xf32, #tpu.memory_space<vmem>> -> memref<1x64x128xf32, #tpu.memory_space<vmem>>
    %dma_start3A_237 = tpu.memref_squeeze %dma_start3A_236 : memref<1x64x128xf32, #tpu.memory_space<vmem>> -> memref<64x128xf32, #tpu.memory_space<vmem>>
    %dma_start3A_238 = arith.constant 0 : i32
    %dma_start3A_239 = tpu.memref_slice %arg5[%dma_start3A_232, %mul3A_2, %dma_start3A_238] : memref<16x2048x128xf32, #tpu.memory_space<hbm>> -> memref<1x64x128xf32, #tpu.memory_space<hbm>>
    %dma_start3A_240 = tpu.memref_squeeze %dma_start3A_239 : memref<1x64x128xf32, #tpu.memory_space<hbm>> -> memref<64x128xf32, #tpu.memory_space<hbm>>
    %dma_start3A_241 = tpu.memref_slice %arg10[%dma_start3A_233] : memref<6x!tpu.dma_semaphore, #tpu.memory_space<semaphore_mem>> -> memref<1x!tpu.dma_semaphore, #tpu.memory_space<semaphore_mem>>
    %dma_start3A_242 = tpu.memref_squeeze %dma_start3A_241 : memref<1x!tpu.dma_semaphore, #tpu.memory_space<semaphore_mem>> -> memref<!tpu.dma_semaphore, #tpu.memory_space<semaphore_mem>>
    %dma_start3A_243 = arith.constant 0 : i32
    %dma_start3A_244 = tpu.memref_slice %arg5[%dma_start3A_232, %mul3A_2, %dma_start3A_243] : memref<16x2048x128xf32, #tpu.memory_space<hbm>> -> memref<1x64x128xf32, #tpu.memory_space<hbm>>
    %dma_start3A_245 = tpu.memref_squeeze %dma_start3A_244 : memref<1x64x128xf32, #tpu.memory_space<hbm>> -> memref<64x128xf32, #tpu.memory_space<hbm>>
    %dma_start3A_246 = arith.constant 64 : i32
    %dma_start3A_247 = arith.constant 0 : i32
    %dma_start3A_248 = tpu.memref_slice %arg8[%dma_start3A_231, %dma_start3A_246, %dma_start3A_247] : memref<6x128x128xf32, #tpu.memory_space<vmem>> -> memref<1x64x128xf32, #tpu.memory_space<vmem>>
    %dma_start3A_249 = tpu.memref_squeeze %dma_start3A_248 : memref<1x64x128xf32, #tpu.memory_space<vmem>> -> memref<64x128xf32, #tpu.memory_space<vmem>>
    tpu.enqueue_dma source(%dma_start3A_249 : memref<64x128xf32, #tpu.memory_space<vmem>>) target(%dma_start3A_245 : memref<64x128xf32, #tpu.memory_space<hbm>>) target_semaphore(%dma_start3A_242 : memref<!tpu.dma_semaphore, #tpu.memory_space<semaphore_mem>>)
    %dma_wait3A_250 = arith.constant 0 : i32
    %dma_wait3A_251 = arith.constant 0 : i32
    %dma_wait3A_252 = arith.constant 0 : i32
    %dma_wait3A_253 = arith.constant 0 : i32
    %dma_wait3A_254 = arith.constant 0 : i32
    %dma_wait3A_255 = tpu.memref_slice %arg8[%dma_wait3A_250, %dma_wait3A_253, %dma_wait3A_254] : memref<6x128x128xf32, #tpu.memory_space<vmem>> -> memref<1x64x128xf32, #tpu.memory_space<vmem>>
    %dma_wait3A_256 = tpu.memref_squeeze %dma_wait3A_255 : memref<1x64x128xf32, #tpu.memory_space<vmem>> -> memref<64x128xf32, #tpu.memory_space<vmem>>
    %dma_wait3A_257 = arith.constant 0 : i32
    %dma_wait3A_258 = tpu.memref_slice %arg5[%dma_wait3A_251, %mul3A_2, %dma_wait3A_257] : memref<16x2048x128xf32, #tpu.memory_space<hbm>> -> memref<1x64x128xf32, #tpu.memory_space<hbm>>
    %dma_wait3A_259 = tpu.memref_squeeze %dma_wait3A_258 : memref<1x64x128xf32, #tpu.memory_space<hbm>> -> memref<64x128xf32, #tpu.memory_space<hbm>>
    %dma_wait3A_260 = tpu.memref_slice %arg10[%dma_wait3A_252] : memref<6x!tpu.dma_semaphore, #tpu.memory_space<semaphore_mem>> -> memref<1x!tpu.dma_semaphore, #tpu.memory_space<semaphore_mem>>
    %dma_wait3A_261 = tpu.memref_squeeze %dma_wait3A_260 : memref<1x!tpu.dma_semaphore, #tpu.memory_space<semaphore_mem>> -> memref<!tpu.dma_semaphore, #tpu.memory_space<semaphore_mem>>
    %dma_wait3A_262 = arith.constant 0 : i32
    %dma_wait3A_263 = tpu.memref_slice %arg5[%dma_wait3A_251, %mul3A_2, %dma_wait3A_262] : memref<16x2048x128xf32, #tpu.memory_space<hbm>> -> memref<1x64x128xf32, #tpu.memory_space<hbm>>
    %dma_wait3A_264 = tpu.memref_squeeze %dma_wait3A_263 : memref<1x64x128xf32, #tpu.memory_space<hbm>> -> memref<64x128xf32, #tpu.memory_space<hbm>>
    %dma_wait3A_265 = arith.constant 0 : i32
    %dma_wait3A_266 = arith.constant 0 : i32
    %dma_wait3A_267 = tpu.memref_slice %arg8[%dma_wait3A_250, %dma_wait3A_265, %dma_wait3A_266] : memref<6x128x128xf32, #tpu.memory_space<vmem>> -> memref<1x64x128xf32, #tpu.memory_space<vmem>>
    %dma_wait3A_268 = tpu.memref_squeeze %dma_wait3A_267 : memref<1x64x128xf32, #tpu.memory_space<vmem>> -> memref<64x128xf32, #tpu.memory_space<vmem>>
    tpu.wait_dma2 semaphore(%dma_wait3A_261 : memref<!tpu.dma_semaphore, #tpu.memory_space<semaphore_mem>>) src(%dma_wait3A_268 : memref<64x128xf32, #tpu.memory_space<vmem>>) dst(%dma_wait3A_264 : memref<64x128xf32, #tpu.memory_space<hbm>>)
    %dma_wait3A_269 = arith.constant 0 : i32
    %dma_wait3A_270 = arith.constant 1 : i32
    %dma_wait3A_271 = arith.constant 0 : i32
    %dma_wait3A_272 = arith.constant 64 : i32
    %dma_wait3A_273 = arith.constant 0 : i32
    %dma_wait3A_274 = tpu.memref_slice %arg8[%dma_wait3A_269, %dma_wait3A_272, %dma_wait3A_273] : memref<6x128x128xf32, #tpu.memory_space<vmem>> -> memref<1x64x128xf32, #tpu.memory_space<vmem>>
    %dma_wait3A_275 = tpu.memref_squeeze %dma_wait3A_274 : memref<1x64x128xf32, #tpu.memory_space<vmem>> -> memref<64x128xf32, #tpu.memory_space<vmem>>
    %dma_wait3A_276 = arith.constant 0 : i32
    %dma_wait3A_277 = tpu.memref_slice %arg5[%dma_wait3A_270, %mul3A_2, %dma_wait3A_276] : memref<16x2048x128xf32, #tpu.memory_space<hbm>> -> memref<1x64x128xf32, #tpu.memory_space<hbm>>
    %dma_wait3A_278 = tpu.memref_squeeze %dma_wait3A_277 : memref<1x64x128xf32, #tpu.memory_space<hbm>> -> memref<64x128xf32, #tpu.memory_space<hbm>>
    %dma_wait3A_279 = tpu.memref_slice %arg10[%dma_wait3A_271] : memref<6x!tpu.dma_semaphore, #tpu.memory_space<semaphore_mem>> -> memref<1x!tpu.dma_semaphore, #tpu.memory_space<semaphore_mem>>
    %dma_wait3A_280 = tpu.memref_squeeze %dma_wait3A_279 : memref<1x!tpu.dma_semaphore, #tpu.memory_space<semaphore_mem>> -> memref<!tpu.dma_semaphore, #tpu.memory_space<semaphore_mem>>
    %dma_wait3A_281 = arith.constant 0 : i32
    %dma_wait3A_282 = tpu.memref_slice %arg5[%dma_wait3A_270, %mul3A_2, %dma_wait3A_281] : memref<16x2048x128xf32, #tpu.memory_space<hbm>> -> memref<1x64x128xf32, #tpu.memory_space<hbm>>
    %dma_wait3A_283 = tpu.memref_squeeze %dma_wait3A_282 : memref<1x64x128xf32, #tpu.memory_space<hbm>> -> memref<64x128xf32, #tpu.memory_space<hbm>>
    %dma_wait3A_284 = arith.constant 64 : i32
    %dma_wait3A_285 = arith.constant 0 : i32
    %dma_wait3A_286 = tpu.memref_slice %arg8[%dma_wait3A_269, %dma_wait3A_284, %dma_wait3A_285] : memref<6x128x128xf32, #tpu.memory_space<vmem>> -> memref<1x64x128xf32, #tpu.memory_space<vmem>>
    %dma_wait3A_287 = tpu.memref_squeeze %dma_wait3A_286 : memref<1x64x128xf32, #tpu.memory_space<vmem>> -> memref<64x128xf32, #tpu.memory_space<vmem>>
    tpu.wait_dma2 semaphore(%dma_wait3A_280 : memref<!tpu.dma_semaphore, #tpu.memory_space<semaphore_mem>>) src(%dma_wait3A_287 : memref<64x128xf32, #tpu.memory_space<vmem>>) dst(%dma_wait3A_283 : memref<64x128xf32, #tpu.memory_space<hbm>>)
    %dma_start3A_288 = arith.constant 6 : i32
    %dma_start3A_289 = arith.constant 0 : i32
    %dma_start3A_290 = arith.constant 0 : i32
    %dma_start3A_291 = arith.constant 0 : i32
    %dma_start3A_292 = arith.constant 0 : i32
    %dma_start3A_293 = tpu.memref_slice %arg8[%dma_start3A_289, %dma_start3A_291, %dma_start3A_292] : memref<6x128x128xf32, #tpu.memory_space<vmem>> -> memref<1x128x128xf32, #tpu.memory_space<vmem>>
    %dma_start3A_294 = tpu.memref_squeeze %dma_start3A_293 : memref<1x128x128xf32, #tpu.memory_space<vmem>> -> memref<128x128xf32, #tpu.memory_space<vmem>>
    %dma_start3A_295 = arith.constant 0 : i32
    %dma_start3A_296 = tpu.memref_slice %arg6[%dma_start3A_288, %dma_start3A_295] : memref<8x128xi32, #tpu.memory_space<vmem>> -> memref<1x128xi32, #tpu.memory_space<vmem>>
    %dma_start3A_297 = tpu.memref_squeeze %dma_start3A_296 : memref<1x128xi32, #tpu.memory_space<vmem>> -> memref<128xi32, #tpu.memory_space<vmem>>
    %dma_start3A_298 = arith.constant 0 : i32
    %dma_start3A_299 = arith.constant 0 : i32
    %dma_start3A_300 = tpu.memref_slice %arg3[%dma_start3A_298, %dma_start3A_299] : memref<100000x128xf32, #tpu.memory_space<hbm>> -> memref<100000x128xf32, #tpu.memory_space<hbm>>
    %dma_start3A_301 = tpu.memref_slice %arg9[%dma_start3A_290] : memref<6x!tpu.dma_semaphore, #tpu.memory_space<semaphore_mem>> -> memref<1x!tpu.dma_semaphore, #tpu.memory_space<semaphore_mem>>
    %dma_start3A_302 = tpu.memref_squeeze %dma_start3A_301 : memref<1x!tpu.dma_semaphore, #tpu.memory_space<semaphore_mem>> -> memref<!tpu.dma_semaphore, #tpu.memory_space<semaphore_mem>>
    tpu.enqueue_indirect_dma source(%dma_start3A_300 : memref<100000x128xf32, #tpu.memory_space<hbm>>) target(%dma_start3A_294 : memref<128x128xf32, #tpu.memory_space<vmem>>) offsets(%dma_start3A_297 : memref<128xi32, #tpu.memory_space<vmem>>) semaphore(%dma_start3A_302 : memref<!tpu.dma_semaphore, #tpu.memory_space<semaphore_mem>>)
    %dma_wait3A_303 = arith.constant 2 : i32
    %dma_wait3A_304 = arith.constant 2 : i32
    %dma_wait3A_305 = arith.constant 2 : i32
    %dma_wait3A_306 = arith.constant 0 : i32
    %dma_wait3A_307 = arith.constant 0 : i32
    %dma_wait3A_308 = tpu.memref_slice %arg8[%dma_wait3A_304, %dma_wait3A_306, %dma_wait3A_307] : memref<6x128x128xf32, #tpu.memory_space<vmem>> -> memref<1x128x128xf32, #tpu.memory_space<vmem>>
    %dma_wait3A_309 = tpu.memref_squeeze %dma_wait3A_308 : memref<1x128x128xf32, #tpu.memory_space<vmem>> -> memref<128x128xf32, #tpu.memory_space<vmem>>
    %dma_wait3A_310 = arith.constant 0 : i32
    %dma_wait3A_311 = tpu.memref_slice %arg6[%dma_wait3A_303, %dma_wait3A_310] : memref<8x128xi32, #tpu.memory_space<vmem>> -> memref<1x128xi32, #tpu.memory_space<vmem>>
    %dma_wait3A_312 = tpu.memref_squeeze %dma_wait3A_311 : memref<1x128xi32, #tpu.memory_space<vmem>> -> memref<128xi32, #tpu.memory_space<vmem>>
    %dma_wait3A_313 = arith.constant 0 : i32
    %dma_wait3A_314 = arith.constant 0 : i32
    %dma_wait3A_315 = tpu.memref_slice %arg3[%dma_wait3A_313, %dma_wait3A_314] : memref<100000x128xf32, #tpu.memory_space<hbm>> -> memref<100000x128xf32, #tpu.memory_space<hbm>>
    %dma_wait3A_316 = tpu.memref_slice %arg9[%dma_wait3A_305] : memref<6x!tpu.dma_semaphore, #tpu.memory_space<semaphore_mem>> -> memref<1x!tpu.dma_semaphore, #tpu.memory_space<semaphore_mem>>
    %dma_wait3A_317 = tpu.memref_squeeze %dma_wait3A_316 : memref<1x!tpu.dma_semaphore, #tpu.memory_space<semaphore_mem>> -> memref<!tpu.dma_semaphore, #tpu.memory_space<semaphore_mem>>
    tpu.wait_indirect_dma semaphore(%dma_wait3A_317 : memref<!tpu.dma_semaphore, #tpu.memory_space<semaphore_mem>>) src(%dma_wait3A_315 : memref<100000x128xf32, #tpu.memory_space<hbm>>) dst(%dma_wait3A_309 : memref<128x128xf32, #tpu.memory_space<vmem>>)
    %scan3A_318 = arith.constant 0 : i32
    %scan3A_319 = arith.constant 2 : i32
    %scan3A_320 = arith.constant 0 : i32
    %scan3A_321 = arith.constant 128 : i32
    %scan3A_322 = arith.addi %scan3A_320, %scan3A_321 : i32
    %scan3A_323 = arith.constant 1 : i32
    scf.for %scan3A_944 = %scan3A_320 to %scan3A_322 step %scan3A_323  : i32 {
      %get3A = arith.constant 0 : i32
      %get3A_945 = arith.constant 0 : i32
      %get3A_946 = tpu.memref_slice %arg8[%scan3A_319, %get3A, %get3A_945] : memref<6x128x128xf32, #tpu.memory_space<vmem>> -> memref<1x128x128xf32, #tpu.memory_space<vmem>>
      %get3A_947 = tpu.memref_squeeze %get3A_946 : memref<1x128x128xf32, #tpu.memory_space<vmem>> -> memref<128x128xf32, #tpu.memory_space<vmem>>
      %get3A_948 = arith.index_cast %scan3A_944 : i32 to index
      %get3A_949 = arith.constant 0 : index
      %get3A_950 = tpu.vector_load %get3A_947[%get3A_948, %get3A_949] {strides = array<i32>} : memref<128x128xf32, #tpu.memory_space<vmem>>, vector<1x16xf32>,
      %get3A_951 = vector.shape_cast %get3A_950 : vector<1x16xf32> to vector<16xf32>
      %get3A_952 = arith.index_cast %scan3A_944 : i32 to index
      %get3A_953 = arith.constant 0 : index
      %get3A_954 = tpu.vector_load %arg7[%get3A_952, %get3A_953] {strides = array<i32>} : memref<128x128xf32, #tpu.memory_space<vmem>>, vector<1x16xf32>,
      %get3A_955 = vector.shape_cast %get3A_954 : vector<1x16xf32> to vector<16xf32>
      %add3A_956 = arith.addf %get3A_951, %get3A_955 : vector<16xf32>
      %swap3A = arith.constant 0 : i32
      %swap3A_957 = arith.constant 0 : i32
      %swap3A_958 = tpu.memref_slice %arg8[%scan3A_319, %swap3A, %swap3A_957] : memref<6x128x128xf32, #tpu.memory_space<vmem>> -> memref<1x128x128xf32, #tpu.memory_space<vmem>>
      %swap3A_959 = tpu.memref_squeeze %swap3A_958 : memref<1x128x128xf32, #tpu.memory_space<vmem>> -> memref<128x128xf32, #tpu.memory_space<vmem>>
      %swap3A_960 = arith.index_cast %scan3A_944 : i32 to index
      %swap3A_961 = arith.constant 0 : index
      %swap3A_962 = tpu.vector_load %swap3A_959[%swap3A_960, %swap3A_961] {strides = array<i32>} : memref<128x128xf32, #tpu.memory_space<vmem>>, vector<1x16xf32>,
      %swap3A_963 = vector.shape_cast %swap3A_962 : vector<1x16xf32> to vector<16xf32>
      %swap3A_964 = vector.shape_cast %add3A_956 : vector<16xf32> to vector<1x16xf32>
      tpu.vector_store %swap3A_959[%swap3A_960, %swap3A_961], %swap3A_964 {strides = array<i32>} : memref<128x128xf32, #tpu.memory_space<vmem>>, vector<1x16xf32>,
      %get3A_965 = arith.constant 0 : i32
      %get3A_966 = arith.constant 0 : i32
      %get3A_967 = tpu.memref_slice %arg8[%scan3A_319, %get3A_965, %get3A_966] : memref<6x128x128xf32, #tpu.memory_space<vmem>> -> memref<1x128x128xf32, #tpu.memory_space<vmem>>
      %get3A_968 = tpu.memref_squeeze %get3A_967 : memref<1x128x128xf32, #tpu.memory_space<vmem>> -> memref<128x128xf32, #tpu.memory_space<vmem>>
      %get3A_969 = arith.index_cast %scan3A_944 : i32 to index
      %get3A_970 = arith.constant 16 : index
      %get3A_971 = tpu.vector_load %get3A_968[%get3A_969, %get3A_970] {strides = array<i32>} : memref<128x128xf32, #tpu.memory_space<vmem>>, vector<1x16xf32>,
      %get3A_972 = vector.shape_cast %get3A_971 : vector<1x16xf32> to vector<16xf32>
      %get3A_973 = arith.index_cast %scan3A_944 : i32 to index
      %get3A_974 = arith.constant 16 : index
      %get3A_975 = tpu.vector_load %arg7[%get3A_973, %get3A_974] {strides = array<i32>} : memref<128x128xf32, #tpu.memory_space<vmem>>, vector<1x16xf32>,
      %get3A_976 = vector.shape_cast %get3A_975 : vector<1x16xf32> to vector<16xf32>
      %add3A_977 = arith.addf %get3A_972, %get3A_976 : vector<16xf32>
      %swap3A_978 = arith.constant 0 : i32
      %swap3A_979 = arith.constant 0 : i32
      %swap3A_980 = tpu.memref_slice %arg8[%scan3A_319, %swap3A_978, %swap3A_979] : memref<6x128x128xf32, #tpu.memory_space<vmem>> -> memref<1x128x128xf32, #tpu.memory_space<vmem>>
      %swap3A_981 = tpu.memref_squeeze %swap3A_980 : memref<1x128x128xf32, #tpu.memory_space<vmem>> -> memref<128x128xf32, #tpu.memory_space<vmem>>
      %swap3A_982 = arith.index_cast %scan3A_944 : i32 to index
      %swap3A_983 = arith.constant 16 : index
      %swap3A_984 = tpu.vector_load %swap3A_981[%swap3A_982, %swap3A_983] {strides = array<i32>} : memref<128x128xf32, #tpu.memory_space<vmem>>, vector<1x16xf32>,
      %swap3A_985 = vector.shape_cast %swap3A_984 : vector<1x16xf32> to vector<16xf32>
      %swap3A_986 = vector.shape_cast %add3A_977 : vector<16xf32> to vector<1x16xf32>
      tpu.vector_store %swap3A_981[%swap3A_982, %swap3A_983], %swap3A_986 {strides = array<i32>} : memref<128x128xf32, #tpu.memory_space<vmem>>, vector<1x16xf32>,
      %get3A_987 = arith.constant 0 : i32
      %get3A_988 = arith.constant 0 : i32
      %get3A_989 = tpu.memref_slice %arg8[%scan3A_319, %get3A_987, %get3A_988] : memref<6x128x128xf32, #tpu.memory_space<vmem>> -> memref<1x128x128xf32, #tpu.memory_space<vmem>>
      %get3A_990 = tpu.memref_squeeze %get3A_989 : memref<1x128x128xf32, #tpu.memory_space<vmem>> -> memref<128x128xf32, #tpu.memory_space<vmem>>
      %get3A_991 = arith.index_cast %scan3A_944 : i32 to index
      %get3A_992 = arith.constant 32 : index
      %get3A_993 = tpu.vector_load %get3A_990[%get3A_991, %get3A_992] {strides = array<i32>} : memref<128x128xf32, #tpu.memory_space<vmem>>, vector<1x16xf32>,
      %get3A_994 = vector.shape_cast %get3A_993 : vector<1x16xf32> to vector<16xf32>
      %get3A_995 = arith.index_cast %scan3A_944 : i32 to index
      %get3A_996 = arith.constant 32 : index
      %get3A_997 = tpu.vector_load %arg7[%get3A_995, %get3A_996] {strides = array<i32>} : memref<128x128xf32, #tpu.memory_space<vmem>>, vector<1x16xf32>,
      %get3A_998 = vector.shape_cast %get3A_997 : vector<1x16xf32> to vector<16xf32>
      %add3A_999 = arith.addf %get3A_994, %get3A_998 : vector<16xf32>
      %swap3A_1000 = arith.constant 0 : i32
      %swap3A_1001 = arith.constant 0 : i32
      %swap3A_1002 = tpu.memref_slice %arg8[%scan3A_319, %swap3A_1000, %swap3A_1001] : memref<6x128x128xf32, #tpu.memory_space<vmem>> -> memref<1x128x128xf32, #tpu.memory_space<vmem>>
      %swap3A_1003 = tpu.memref_squeeze %swap3A_1002 : memref<1x128x128xf32, #tpu.memory_space<vmem>> -> memref<128x128xf32, #tpu.memory_space<vmem>>
      %swap3A_1004 = arith.index_cast %scan3A_944 : i32 to index
      %swap3A_1005 = arith.constant 32 : index
      %swap3A_1006 = tpu.vector_load %swap3A_1003[%swap3A_1004, %swap3A_1005] {strides = array<i32>} : memref<128x128xf32, #tpu.memory_space<vmem>>, vector<1x16xf32>,
      %swap3A_1007 = vector.shape_cast %swap3A_1006 : vector<1x16xf32> to vector<16xf32>
      %swap3A_1008 = vector.shape_cast %add3A_999 : vector<16xf32> to vector<1x16xf32>
      tpu.vector_store %swap3A_1003[%swap3A_1004, %swap3A_1005], %swap3A_1008 {strides = array<i32>} : memref<128x128xf32, #tpu.memory_space<vmem>>, vector<1x16xf32>,
      %get3A_1009 = arith.constant 0 : i32
      %get3A_1010 = arith.constant 0 : i32
      %get3A_1011 = tpu.memref_slice %arg8[%scan3A_319, %get3A_1009, %get3A_1010] : memref<6x128x128xf32, #tpu.memory_space<vmem>> -> memref<1x128x128xf32, #tpu.memory_space<vmem>>
      %get3A_1012 = tpu.memref_squeeze %get3A_1011 : memref<1x128x128xf32, #tpu.memory_space<vmem>> -> memref<128x128xf32, #tpu.memory_space<vmem>>
      %get3A_1013 = arith.index_cast %scan3A_944 : i32 to index
      %get3A_1014 = arith.constant 48 : index
      %get3A_1015 = tpu.vector_load %get3A_1012[%get3A_1013, %get3A_1014] {strides = array<i32>} : memref<128x128xf32, #tpu.memory_space<vmem>>, vector<1x16xf32>,
      %get3A_1016 = vector.shape_cast %get3A_1015 : vector<1x16xf32> to vector<16xf32>
      %get3A_1017 = arith.index_cast %scan3A_944 : i32 to index
      %get3A_1018 = arith.constant 48 : index
      %get3A_1019 = tpu.vector_load %arg7[%get3A_1017, %get3A_1018] {strides = array<i32>} : memref<128x128xf32, #tpu.memory_space<vmem>>, vector<1x16xf32>,
      %get3A_1020 = vector.shape_cast %get3A_1019 : vector<1x16xf32> to vector<16xf32>
      %add3A_1021 = arith.addf %get3A_1016, %get3A_1020 : vector<16xf32>
      %swap3A_1022 = arith.constant 0 : i32
      %swap3A_1023 = arith.constant 0 : i32
      %swap3A_1024 = tpu.memref_slice %arg8[%scan3A_319, %swap3A_1022, %swap3A_1023] : memref<6x128x128xf32, #tpu.memory_space<vmem>> -> memref<1x128x128xf32, #tpu.memory_space<vmem>>
      %swap3A_1025 = tpu.memref_squeeze %swap3A_1024 : memref<1x128x128xf32, #tpu.memory_space<vmem>> -> memref<128x128xf32, #tpu.memory_space<vmem>>
      %swap3A_1026 = arith.index_cast %scan3A_944 : i32 to index
      %swap3A_1027 = arith.constant 48 : index
      %swap3A_1028 = tpu.vector_load %swap3A_1025[%swap3A_1026, %swap3A_1027] {strides = array<i32>} : memref<128x128xf32, #tpu.memory_space<vmem>>, vector<1x16xf32>,
      %swap3A_1029 = vector.shape_cast %swap3A_1028 : vector<1x16xf32> to vector<16xf32>
      %swap3A_1030 = vector.shape_cast %add3A_1021 : vector<16xf32> to vector<1x16xf32>
      tpu.vector_store %swap3A_1025[%swap3A_1026, %swap3A_1027], %swap3A_1030 {strides = array<i32>} : memref<128x128xf32, #tpu.memory_space<vmem>>, vector<1x16xf32>,
      %get3A_1031 = arith.constant 0 : i32
      %get3A_1032 = arith.constant 0 : i32
      %get3A_1033 = tpu.memref_slice %arg8[%scan3A_319, %get3A_1031, %get3A_1032] : memref<6x128x128xf32, #tpu.memory_space<vmem>> -> memref<1x128x128xf32, #tpu.memory_space<vmem>>
      %get3A_1034 = tpu.memref_squeeze %get3A_1033 : memref<1x128x128xf32, #tpu.memory_space<vmem>> -> memref<128x128xf32, #tpu.memory_space<vmem>>
      %get3A_1035 = arith.index_cast %scan3A_944 : i32 to index
      %get3A_1036 = arith.constant 64 : index
      %get3A_1037 = tpu.vector_load %get3A_1034[%get3A_1035, %get3A_1036] {strides = array<i32>} : memref<128x128xf32, #tpu.memory_space<vmem>>, vector<1x16xf32>,
      %get3A_1038 = vector.shape_cast %get3A_1037 : vector<1x16xf32> to vector<16xf32>
      %get3A_1039 = arith.index_cast %scan3A_944 : i32 to index
      %get3A_1040 = arith.constant 64 : index
      %get3A_1041 = tpu.vector_load %arg7[%get3A_1039, %get3A_1040] {strides = array<i32>} : memref<128x128xf32, #tpu.memory_space<vmem>>, vector<1x16xf32>,
      %get3A_1042 = vector.shape_cast %get3A_1041 : vector<1x16xf32> to vector<16xf32>
      %add3A_1043 = arith.addf %get3A_1038, %get3A_1042 : vector<16xf32>
      %swap3A_1044 = arith.constant 0 : i32
      %swap3A_1045 = arith.constant 0 : i32
      %swap3A_1046 = tpu.memref_slice %arg8[%scan3A_319, %swap3A_1044, %swap3A_1045] : memref<6x128x128xf32, #tpu.memory_space<vmem>> -> memref<1x128x128xf32, #tpu.memory_space<vmem>>
      %swap3A_1047 = tpu.memref_squeeze %swap3A_1046 : memref<1x128x128xf32, #tpu.memory_space<vmem>> -> memref<128x128xf32, #tpu.memory_space<vmem>>
      %swap3A_1048 = arith.index_cast %scan3A_944 : i32 to index
      %swap3A_1049 = arith.constant 64 : index
      %swap3A_1050 = tpu.vector_load %swap3A_1047[%swap3A_1048, %swap3A_1049] {strides = array<i32>} : memref<128x128xf32, #tpu.memory_space<vmem>>, vector<1x16xf32>,
      %swap3A_1051 = vector.shape_cast %swap3A_1050 : vector<1x16xf32> to vector<16xf32>
      %swap3A_1052 = vector.shape_cast %add3A_1043 : vector<16xf32> to vector<1x16xf32>
      tpu.vector_store %swap3A_1047[%swap3A_1048, %swap3A_1049], %swap3A_1052 {strides = array<i32>} : memref<128x128xf32, #tpu.memory_space<vmem>>, vector<1x16xf32>,
      %get3A_1053 = arith.constant 0 : i32
      %get3A_1054 = arith.constant 0 : i32
      %get3A_1055 = tpu.memref_slice %arg8[%scan3A_319, %get3A_1053, %get3A_1054] : memref<6x128x128xf32, #tpu.memory_space<vmem>> -> memref<1x128x128xf32, #tpu.memory_space<vmem>>
      %get3A_1056 = tpu.memref_squeeze %get3A_1055 : memref<1x128x128xf32, #tpu.memory_space<vmem>> -> memref<128x128xf32, #tpu.memory_space<vmem>>
      %get3A_1057 = arith.index_cast %scan3A_944 : i32 to index
      %get3A_1058 = arith.constant 80 : index
      %get3A_1059 = tpu.vector_load %get3A_1056[%get3A_1057, %get3A_1058] {strides = array<i32>} : memref<128x128xf32, #tpu.memory_space<vmem>>, vector<1x16xf32>,
      %get3A_1060 = vector.shape_cast %get3A_1059 : vector<1x16xf32> to vector<16xf32>
      %get3A_1061 = arith.index_cast %scan3A_944 : i32 to index
      %get3A_1062 = arith.constant 80 : index
      %get3A_1063 = tpu.vector_load %arg7[%get3A_1061, %get3A_1062] {strides = array<i32>} : memref<128x128xf32, #tpu.memory_space<vmem>>, vector<1x16xf32>,
      %get3A_1064 = vector.shape_cast %get3A_1063 : vector<1x16xf32> to vector<16xf32>
      %add3A_1065 = arith.addf %get3A_1060, %get3A_1064 : vector<16xf32>
      %swap3A_1066 = arith.constant 0 : i32
      %swap3A_1067 = arith.constant 0 : i32
      %swap3A_1068 = tpu.memref_slice %arg8[%scan3A_319, %swap3A_1066, %swap3A_1067] : memref<6x128x128xf32, #tpu.memory_space<vmem>> -> memref<1x128x128xf32, #tpu.memory_space<vmem>>
      %swap3A_1069 = tpu.memref_squeeze %swap3A_1068 : memref<1x128x128xf32, #tpu.memory_space<vmem>> -> memref<128x128xf32, #tpu.memory_space<vmem>>
      %swap3A_1070 = arith.index_cast %scan3A_944 : i32 to index
      %swap3A_1071 = arith.constant 80 : index
      %swap3A_1072 = tpu.vector_load %swap3A_1069[%swap3A_1070, %swap3A_1071] {strides = array<i32>} : memref<128x128xf32, #tpu.memory_space<vmem>>, vector<1x16xf32>,
      %swap3A_1073 = vector.shape_cast %swap3A_1072 : vector<1x16xf32> to vector<16xf32>
      %swap3A_1074 = vector.shape_cast %add3A_1065 : vector<16xf32> to vector<1x16xf32>
      tpu.vector_store %swap3A_1069[%swap3A_1070, %swap3A_1071], %swap3A_1074 {strides = array<i32>} : memref<128x128xf32, #tpu.memory_space<vmem>>, vector<1x16xf32>,
      %get3A_1075 = arith.constant 0 : i32
      %get3A_1076 = arith.constant 0 : i32
      %get3A_1077 = tpu.memref_slice %arg8[%scan3A_319, %get3A_1075, %get3A_1076] : memref<6x128x128xf32, #tpu.memory_space<vmem>> -> memref<1x128x128xf32, #tpu.memory_space<vmem>>
      %get3A_1078 = tpu.memref_squeeze %get3A_1077 : memref<1x128x128xf32, #tpu.memory_space<vmem>> -> memref<128x128xf32, #tpu.memory_space<vmem>>
      %get3A_1079 = arith.index_cast %scan3A_944 : i32 to index
      %get3A_1080 = arith.constant 96 : index
      %get3A_1081 = tpu.vector_load %get3A_1078[%get3A_1079, %get3A_1080] {strides = array<i32>} : memref<128x128xf32, #tpu.memory_space<vmem>>, vector<1x16xf32>,
      %get3A_1082 = vector.shape_cast %get3A_1081 : vector<1x16xf32> to vector<16xf32>
      %get3A_1083 = arith.index_cast %scan3A_944 : i32 to index
      %get3A_1084 = arith.constant 96 : index
      %get3A_1085 = tpu.vector_load %arg7[%get3A_1083, %get3A_1084] {strides = array<i32>} : memref<128x128xf32, #tpu.memory_space<vmem>>, vector<1x16xf32>,
      %get3A_1086 = vector.shape_cast %get3A_1085 : vector<1x16xf32> to vector<16xf32>
      %add3A_1087 = arith.addf %get3A_1082, %get3A_1086 : vector<16xf32>
      %swap3A_1088 = arith.constant 0 : i32
      %swap3A_1089 = arith.constant 0 : i32
      %swap3A_1090 = tpu.memref_slice %arg8[%scan3A_319, %swap3A_1088, %swap3A_1089] : memref<6x128x128xf32, #tpu.memory_space<vmem>> -> memref<1x128x128xf32, #tpu.memory_space<vmem>>
      %swap3A_1091 = tpu.memref_squeeze %swap3A_1090 : memref<1x128x128xf32, #tpu.memory_space<vmem>> -> memref<128x128xf32, #tpu.memory_space<vmem>>
      %swap3A_1092 = arith.index_cast %scan3A_944 : i32 to index
      %swap3A_1093 = arith.constant 96 : index
      %swap3A_1094 = tpu.vector_load %swap3A_1091[%swap3A_1092, %swap3A_1093] {strides = array<i32>} : memref<128x128xf32, #tpu.memory_space<vmem>>, vector<1x16xf32>,
      %swap3A_1095 = vector.shape_cast %swap3A_1094 : vector<1x16xf32> to vector<16xf32>
      %swap3A_1096 = vector.shape_cast %add3A_1087 : vector<16xf32> to vector<1x16xf32>
      tpu.vector_store %swap3A_1091[%swap3A_1092, %swap3A_1093], %swap3A_1096 {strides = array<i32>} : memref<128x128xf32, #tpu.memory_space<vmem>>, vector<1x16xf32>,
      %get3A_1097 = arith.constant 0 : i32
      %get3A_1098 = arith.constant 0 : i32
      %get3A_1099 = tpu.memref_slice %arg8[%scan3A_319, %get3A_1097, %get3A_1098] : memref<6x128x128xf32, #tpu.memory_space<vmem>> -> memref<1x128x128xf32, #tpu.memory_space<vmem>>
      %get3A_1100 = tpu.memref_squeeze %get3A_1099 : memref<1x128x128xf32, #tpu.memory_space<vmem>> -> memref<128x128xf32, #tpu.memory_space<vmem>>
      %get3A_1101 = arith.index_cast %scan3A_944 : i32 to index
      %get3A_1102 = arith.constant 112 : index
      %get3A_1103 = tpu.vector_load %get3A_1100[%get3A_1101, %get3A_1102] {strides = array<i32>} : memref<128x128xf32, #tpu.memory_space<vmem>>, vector<1x16xf32>,
      %get3A_1104 = vector.shape_cast %get3A_1103 : vector<1x16xf32> to vector<16xf32>
      %get3A_1105 = arith.index_cast %scan3A_944 : i32 to index
      %get3A_1106 = arith.constant 112 : index
      %get3A_1107 = tpu.vector_load %arg7[%get3A_1105, %get3A_1106] {strides = array<i32>} : memref<128x128xf32, #tpu.memory_space<vmem>>, vector<1x16xf32>,
      %get3A_1108 = vector.shape_cast %get3A_1107 : vector<1x16xf32> to vector<16xf32>
      %add3A_1109 = arith.addf %get3A_1104, %get3A_1108 : vector<16xf32>
      %swap3A_1110 = arith.constant 0 : i32
      %swap3A_1111 = arith.constant 0 : i32
      %swap3A_1112 = tpu.memref_slice %arg8[%scan3A_319, %swap3A_1110, %swap3A_1111] : memref<6x128x128xf32, #tpu.memory_space<vmem>> -> memref<1x128x128xf32, #tpu.memory_space<vmem>>
      %swap3A_1113 = tpu.memref_squeeze %swap3A_1112 : memref<1x128x128xf32, #tpu.memory_space<vmem>> -> memref<128x128xf32, #tpu.memory_space<vmem>>
      %swap3A_1114 = arith.index_cast %scan3A_944 : i32 to index
      %swap3A_1115 = arith.constant 112 : index
      %swap3A_1116 = tpu.vector_load %swap3A_1113[%swap3A_1114, %swap3A_1115] {strides = array<i32>} : memref<128x128xf32, #tpu.memory_space<vmem>>, vector<1x16xf32>,
      %swap3A_1117 = vector.shape_cast %swap3A_1116 : vector<1x16xf32> to vector<16xf32>
      %swap3A_1118 = vector.shape_cast %add3A_1109 : vector<16xf32> to vector<1x16xf32>
      tpu.vector_store %swap3A_1113[%swap3A_1114, %swap3A_1115], %swap3A_1118 {strides = array<i32>} : memref<128x128xf32, #tpu.memory_space<vmem>>, vector<1x16xf32>,
    }
    %scan3A_324 = arith.constant 128 : i32
    %dma_start3A_325 = arith.constant 2 : i32
    %dma_start3A_326 = arith.constant 4 : i32
    %dma_start3A_327 = arith.constant 2 : i32
    %dma_start3A_328 = arith.constant 0 : i32
    %dma_start3A_329 = arith.constant 0 : i32
    %dma_start3A_330 = tpu.memref_slice %arg8[%dma_start3A_325, %dma_start3A_328, %dma_start3A_329] : memref<6x128x128xf32, #tpu.memory_space<vmem>> -> memref<1x64x128xf32, #tpu.memory_space<vmem>>
    %dma_start3A_331 = tpu.memref_squeeze %dma_start3A_330 : memref<1x64x128xf32, #tpu.memory_space<vmem>> -> memref<64x128xf32, #tpu.memory_space<vmem>>
    %dma_start3A_332 = arith.constant 0 : i32
    %dma_start3A_333 = tpu.memref_slice %arg5[%dma_start3A_326, %mul3A_2, %dma_start3A_332] : memref<16x2048x128xf32, #tpu.memory_space<hbm>> -> memref<1x64x128xf32, #tpu.memory_space<hbm>>
    %dma_start3A_334 = tpu.memref_squeeze %dma_start3A_333 : memref<1x64x128xf32, #tpu.memory_space<hbm>> -> memref<64x128xf32, #tpu.memory_space<hbm>>
    %dma_start3A_335 = tpu.memref_slice %arg10[%dma_start3A_327] : memref<6x!tpu.dma_semaphore, #tpu.memory_space<semaphore_mem>> -> memref<1x!tpu.dma_semaphore, #tpu.memory_space<semaphore_mem>>
    %dma_start3A_336 = tpu.memref_squeeze %dma_start3A_335 : memref<1x!tpu.dma_semaphore, #tpu.memory_space<semaphore_mem>> -> memref<!tpu.dma_semaphore, #tpu.memory_space<semaphore_mem>>
    %dma_start3A_337 = arith.constant 0 : i32
    %dma_start3A_338 = tpu.memref_slice %arg5[%dma_start3A_326, %mul3A_2, %dma_start3A_337] : memref<16x2048x128xf32, #tpu.memory_space<hbm>> -> memref<1x64x128xf32, #tpu.memory_space<hbm>>
    %dma_start3A_339 = tpu.memref_squeeze %dma_start3A_338 : memref<1x64x128xf32, #tpu.memory_space<hbm>> -> memref<64x128xf32, #tpu.memory_space<hbm>>
    %dma_start3A_340 = arith.constant 0 : i32
    %dma_start3A_341 = arith.constant 0 : i32
    %dma_start3A_342 = tpu.memref_slice %arg8[%dma_start3A_325, %dma_start3A_340, %dma_start3A_341] : memref<6x128x128xf32, #tpu.memory_space<vmem>> -> memref<1x64x128xf32, #tpu.memory_space<vmem>>
    %dma_start3A_343 = tpu.memref_squeeze %dma_start3A_342 : memref<1x64x128xf32, #tpu.memory_space<vmem>> -> memref<64x128xf32, #tpu.memory_space<vmem>>
    tpu.enqueue_dma source(%dma_start3A_343 : memref<64x128xf32, #tpu.memory_space<vmem>>) target(%dma_start3A_339 : memref<64x128xf32, #tpu.memory_space<hbm>>) target_semaphore(%dma_start3A_336 : memref<!tpu.dma_semaphore, #tpu.memory_space<semaphore_mem>>)
    %dma_start3A_344 = arith.constant 2 : i32
    %dma_start3A_345 = arith.constant 5 : i32
    %dma_start3A_346 = arith.constant 2 : i32
    %dma_start3A_347 = arith.constant 64 : i32
    %dma_start3A_348 = arith.constant 0 : i32
    %dma_start3A_349 = tpu.memref_slice %arg8[%dma_start3A_344, %dma_start3A_347, %dma_start3A_348] : memref<6x128x128xf32, #tpu.memory_space<vmem>> -> memref<1x64x128xf32, #tpu.memory_space<vmem>>
    %dma_start3A_350 = tpu.memref_squeeze %dma_start3A_349 : memref<1x64x128xf32, #tpu.memory_space<vmem>> -> memref<64x128xf32, #tpu.memory_space<vmem>>
    %dma_start3A_351 = arith.constant 0 : i32
    %dma_start3A_352 = tpu.memref_slice %arg5[%dma_start3A_345, %mul3A_2, %dma_start3A_351] : memref<16x2048x128xf32, #tpu.memory_space<hbm>> -> memref<1x64x128xf32, #tpu.memory_space<hbm>>
    %dma_start3A_353 = tpu.memref_squeeze %dma_start3A_352 : memref<1x64x128xf32, #tpu.memory_space<hbm>> -> memref<64x128xf32, #tpu.memory_space<hbm>>
    %dma_start3A_354 = tpu.memref_slice %arg10[%dma_start3A_346] : memref<6x!tpu.dma_semaphore, #tpu.memory_space<semaphore_mem>> -> memref<1x!tpu.dma_semaphore, #tpu.memory_space<semaphore_mem>>
    %dma_start3A_355 = tpu.memref_squeeze %dma_start3A_354 : memref<1x!tpu.dma_semaphore, #tpu.memory_space<semaphore_mem>> -> memref<!tpu.dma_semaphore, #tpu.memory_space<semaphore_mem>>
    %dma_start3A_356 = arith.constant 0 : i32
    %dma_start3A_357 = tpu.memref_slice %arg5[%dma_start3A_345, %mul3A_2, %dma_start3A_356] : memref<16x2048x128xf32, #tpu.memory_space<hbm>> -> memref<1x64x128xf32, #tpu.memory_space<hbm>>
    %dma_start3A_358 = tpu.memref_squeeze %dma_start3A_357 : memref<1x64x128xf32, #tpu.memory_space<hbm>> -> memref<64x128xf32, #tpu.memory_space<hbm>>
    %dma_start3A_359 = arith.constant 64 : i32
    %dma_start3A_360 = arith.constant 0 : i32
    %dma_start3A_361 = tpu.memref_slice %arg8[%dma_start3A_344, %dma_start3A_359, %dma_start3A_360] : memref<6x128x128xf32, #tpu.memory_space<vmem>> -> memref<1x64x128xf32, #tpu.memory_space<vmem>>
    %dma_start3A_362 = tpu.memref_squeeze %dma_start3A_361 : memref<1x64x128xf32, #tpu.memory_space<vmem>> -> memref<64x128xf32, #tpu.memory_space<vmem>>
    tpu.enqueue_dma source(%dma_start3A_362 : memref<64x128xf32, #tpu.memory_space<vmem>>) target(%dma_start3A_358 : memref<64x128xf32, #tpu.memory_space<hbm>>) target_semaphore(%dma_start3A_355 : memref<!tpu.dma_semaphore, #tpu.memory_space<semaphore_mem>>)
    %dma_wait3A_363 = arith.constant 1 : i32
    %dma_wait3A_364 = arith.constant 2 : i32
    %dma_wait3A_365 = arith.constant 1 : i32
    %dma_wait3A_366 = arith.constant 0 : i32
    %dma_wait3A_367 = arith.constant 0 : i32
    %dma_wait3A_368 = tpu.memref_slice %arg8[%dma_wait3A_363, %dma_wait3A_366, %dma_wait3A_367] : memref<6x128x128xf32, #tpu.memory_space<vmem>> -> memref<1x64x128xf32, #tpu.memory_space<vmem>>
    %dma_wait3A_369 = tpu.memref_squeeze %dma_wait3A_368 : memref<1x64x128xf32, #tpu.memory_space<vmem>> -> memref<64x128xf32, #tpu.memory_space<vmem>>
    %dma_wait3A_370 = arith.constant 0 : i32
    %dma_wait3A_371 = tpu.memref_slice %arg5[%dma_wait3A_364, %mul3A_2, %dma_wait3A_370] : memref<16x2048x128xf32, #tpu.memory_space<hbm>> -> memref<1x64x128xf32, #tpu.memory_space<hbm>>
    %dma_wait3A_372 = tpu.memref_squeeze %dma_wait3A_371 : memref<1x64x128xf32, #tpu.memory_space<hbm>> -> memref<64x128xf32, #tpu.memory_space<hbm>>
    %dma_wait3A_373 = tpu.memref_slice %arg10[%dma_wait3A_365] : memref<6x!tpu.dma_semaphore, #tpu.memory_space<semaphore_mem>> -> memref<1x!tpu.dma_semaphore, #tpu.memory_space<semaphore_mem>>
    %dma_wait3A_374 = tpu.memref_squeeze %dma_wait3A_373 : memref<1x!tpu.dma_semaphore, #tpu.memory_space<semaphore_mem>> -> memref<!tpu.dma_semaphore, #tpu.memory_space<semaphore_mem>>
    %dma_wait3A_375 = arith.constant 0 : i32
    %dma_wait3A_376 = tpu.memref_slice %arg5[%dma_wait3A_364, %mul3A_2, %dma_wait3A_375] : memref<16x2048x128xf32, #tpu.memory_space<hbm>> -> memref<1x64x128xf32, #tpu.memory_space<hbm>>
    %dma_wait3A_377 = tpu.memref_squeeze %dma_wait3A_376 : memref<1x64x128xf32, #tpu.memory_space<hbm>> -> memref<64x128xf32, #tpu.memory_space<hbm>>
    %dma_wait3A_378 = arith.constant 0 : i32
    %dma_wait3A_379 = arith.constant 0 : i32
    %dma_wait3A_380 = tpu.memref_slice %arg8[%dma_wait3A_363, %dma_wait3A_378, %dma_wait3A_379] : memref<6x128x128xf32, #tpu.memory_space<vmem>> -> memref<1x64x128xf32, #tpu.memory_space<vmem>>
    %dma_wait3A_381 = tpu.memref_squeeze %dma_wait3A_380 : memref<1x64x128xf32, #tpu.memory_space<vmem>> -> memref<64x128xf32, #tpu.memory_space<vmem>>
    tpu.wait_dma2 semaphore(%dma_wait3A_374 : memref<!tpu.dma_semaphore, #tpu.memory_space<semaphore_mem>>) src(%dma_wait3A_381 : memref<64x128xf32, #tpu.memory_space<vmem>>) dst(%dma_wait3A_377 : memref<64x128xf32, #tpu.memory_space<hbm>>)
    %dma_wait3A_382 = arith.constant 1 : i32
    %dma_wait3A_383 = arith.constant 3 : i32
    %dma_wait3A_384 = arith.constant 1 : i32
    %dma_wait3A_385 = arith.constant 64 : i32
    %dma_wait3A_386 = arith.constant 0 : i32
    %dma_wait3A_387 = tpu.memref_slice %arg8[%dma_wait3A_382, %dma_wait3A_385, %dma_wait3A_386] : memref<6x128x128xf32, #tpu.memory_space<vmem>> -> memref<1x64x128xf32, #tpu.memory_space<vmem>>
    %dma_wait3A_388 = tpu.memref_squeeze %dma_wait3A_387 : memref<1x64x128xf32, #tpu.memory_space<vmem>> -> memref<64x128xf32, #tpu.memory_space<vmem>>
    %dma_wait3A_389 = arith.constant 0 : i32
    %dma_wait3A_390 = tpu.memref_slice %arg5[%dma_wait3A_383, %mul3A_2, %dma_wait3A_389] : memref<16x2048x128xf32, #tpu.memory_space<hbm>> -> memref<1x64x128xf32, #tpu.memory_space<hbm>>
    %dma_wait3A_391 = tpu.memref_squeeze %dma_wait3A_390 : memref<1x64x128xf32, #tpu.memory_space<hbm>> -> memref<64x128xf32, #tpu.memory_space<hbm>>
    %dma_wait3A_392 = tpu.memref_slice %arg10[%dma_wait3A_384] : memref<6x!tpu.dma_semaphore, #tpu.memory_space<semaphore_mem>> -> memref<1x!tpu.dma_semaphore, #tpu.memory_space<semaphore_mem>>
    %dma_wait3A_393 = tpu.memref_squeeze %dma_wait3A_392 : memref<1x!tpu.dma_semaphore, #tpu.memory_space<semaphore_mem>> -> memref<!tpu.dma_semaphore, #tpu.memory_space<semaphore_mem>>
    %dma_wait3A_394 = arith.constant 0 : i32
    %dma_wait3A_395 = tpu.memref_slice %arg5[%dma_wait3A_383, %mul3A_2, %dma_wait3A_394] : memref<16x2048x128xf32, #tpu.memory_space<hbm>> -> memref<1x64x128xf32, #tpu.memory_space<hbm>>
    %dma_wait3A_396 = tpu.memref_squeeze %dma_wait3A_395 : memref<1x64x128xf32, #tpu.memory_space<hbm>> -> memref<64x128xf32, #tpu.memory_space<hbm>>
    %dma_wait3A_397 = arith.constant 64 : i32
    %dma_wait3A_398 = arith.constant 0 : i32
    %dma_wait3A_399 = tpu.memref_slice %arg8[%dma_wait3A_382, %dma_wait3A_397, %dma_wait3A_398] : memref<6x128x128xf32, #tpu.memory_space<vmem>> -> memref<1x64x128xf32, #tpu.memory_space<vmem>>
    %dma_wait3A_400 = tpu.memref_squeeze %dma_wait3A_399 : memref<1x64x128xf32, #tpu.memory_space<vmem>> -> memref<64x128xf32, #tpu.memory_space<vmem>>
    tpu.wait_dma2 semaphore(%dma_wait3A_393 : memref<!tpu.dma_semaphore, #tpu.memory_space<semaphore_mem>>) src(%dma_wait3A_400 : memref<64x128xf32, #tpu.memory_space<vmem>>) dst(%dma_wait3A_396 : memref<64x128xf32, #tpu.memory_space<hbm>>)
    %dma_start3A_401 = arith.constant 7 : i32
    %dma_start3A_402 = arith.constant 1 : i32
    %dma_start3A_403 = arith.constant 1 : i32
    %dma_start3A_404 = arith.constant 0 : i32
    %dma_start3A_405 = arith.constant 0 : i32
    %dma_start3A_406 = tpu.memref_slice %arg8[%dma_start3A_402, %dma_start3A_404, %dma_start3A_405] : memref<6x128x128xf32, #tpu.memory_space<vmem>> -> memref<1x128x128xf32, #tpu.memory_space<vmem>>
    %dma_start3A_407 = tpu.memref_squeeze %dma_start3A_406 : memref<1x128x128xf32, #tpu.memory_space<vmem>> -> memref<128x128xf32, #tpu.memory_space<vmem>>
    %dma_start3A_408 = arith.constant 0 : i32
    %dma_start3A_409 = tpu.memref_slice %arg6[%dma_start3A_401, %dma_start3A_408] : memref<8x128xi32, #tpu.memory_space<vmem>> -> memref<1x128xi32, #tpu.memory_space<vmem>>
    %dma_start3A_410 = tpu.memref_squeeze %dma_start3A_409 : memref<1x128xi32, #tpu.memory_space<vmem>> -> memref<128xi32, #tpu.memory_space<vmem>>
    %dma_start3A_411 = arith.constant 0 : i32
    %dma_start3A_412 = arith.constant 0 : i32
    %dma_start3A_413 = tpu.memref_slice %arg3[%dma_start3A_411, %dma_start3A_412] : memref<100000x128xf32, #tpu.memory_space<hbm>> -> memref<100000x128xf32, #tpu.memory_space<hbm>>
    %dma_start3A_414 = tpu.memref_slice %arg9[%dma_start3A_403] : memref<6x!tpu.dma_semaphore, #tpu.memory_space<semaphore_mem>> -> memref<1x!tpu.dma_semaphore, #tpu.memory_space<semaphore_mem>>
    %dma_start3A_415 = tpu.memref_squeeze %dma_start3A_414 : memref<1x!tpu.dma_semaphore, #tpu.memory_space<semaphore_mem>> -> memref<!tpu.dma_semaphore, #tpu.memory_space<semaphore_mem>>
    tpu.enqueue_indirect_dma source(%dma_start3A_413 : memref<100000x128xf32, #tpu.memory_space<hbm>>) target(%dma_start3A_407 : memref<128x128xf32, #tpu.memory_space<vmem>>) offsets(%dma_start3A_410 : memref<128xi32, #tpu.memory_space<vmem>>) semaphore(%dma_start3A_415 : memref<!tpu.dma_semaphore, #tpu.memory_space<semaphore_mem>>)
    %dma_wait3A_416 = arith.constant 3 : i32
    %dma_wait3A_417 = arith.constant 3 : i32
    %dma_wait3A_418 = arith.constant 3 : i32
    %dma_wait3A_419 = arith.constant 0 : i32
    %dma_wait3A_420 = arith.constant 0 : i32
    %dma_wait3A_421 = tpu.memref_slice %arg8[%dma_wait3A_417, %dma_wait3A_419, %dma_wait3A_420] : memref<6x128x128xf32, #tpu.memory_space<vmem>> -> memref<1x128x128xf32, #tpu.memory_space<vmem>>
    %dma_wait3A_422 = tpu.memref_squeeze %dma_wait3A_421 : memref<1x128x128xf32, #tpu.memory_space<vmem>> -> memref<128x128xf32, #tpu.memory_space<vmem>>
    %dma_wait3A_423 = arith.constant 0 : i32
    %dma_wait3A_424 = tpu.memref_slice %arg6[%dma_wait3A_416, %dma_wait3A_423] : memref<8x128xi32, #tpu.memory_space<vmem>> -> memref<1x128xi32, #tpu.memory_space<vmem>>
    %dma_wait3A_425 = tpu.memref_squeeze %dma_wait3A_424 : memref<1x128xi32, #tpu.memory_space<vmem>> -> memref<128xi32, #tpu.memory_space<vmem>>
    %dma_wait3A_426 = arith.constant 0 : i32
    %dma_wait3A_427 = arith.constant 0 : i32
    %dma_wait3A_428 = tpu.memref_slice %arg3[%dma_wait3A_426, %dma_wait3A_427] : memref<100000x128xf32, #tpu.memory_space<hbm>> -> memref<100000x128xf32, #tpu.memory_space<hbm>>
    %dma_wait3A_429 = tpu.memref_slice %arg9[%dma_wait3A_418] : memref<6x!tpu.dma_semaphore, #tpu.memory_space<semaphore_mem>> -> memref<1x!tpu.dma_semaphore, #tpu.memory_space<semaphore_mem>>
    %dma_wait3A_430 = tpu.memref_squeeze %dma_wait3A_429 : memref<1x!tpu.dma_semaphore, #tpu.memory_space<semaphore_mem>> -> memref<!tpu.dma_semaphore, #tpu.memory_space<semaphore_mem>>
    tpu.wait_indirect_dma semaphore(%dma_wait3A_430 : memref<!tpu.dma_semaphore, #tpu.memory_space<semaphore_mem>>) src(%dma_wait3A_428 : memref<100000x128xf32, #tpu.memory_space<hbm>>) dst(%dma_wait3A_422 : memref<128x128xf32, #tpu.memory_space<vmem>>)
    %scan3A_431 = arith.constant 0 : i32
    %scan3A_432 = arith.constant 3 : i32
    %scan3A_433 = arith.constant 0 : i32
    %scan3A_434 = arith.constant 128 : i32
    %scan3A_435 = arith.addi %scan3A_433, %scan3A_434 : i32
    %scan3A_436 = arith.constant 1 : i32
    scf.for %scan3A_944 = %scan3A_433 to %scan3A_435 step %scan3A_436  : i32 {
      %get3A = arith.constant 0 : i32
      %get3A_945 = arith.constant 0 : i32
      %get3A_946 = tpu.memref_slice %arg8[%scan3A_432, %get3A, %get3A_945] : memref<6x128x128xf32, #tpu.memory_space<vmem>> -> memref<1x128x128xf32, #tpu.memory_space<vmem>>
      %get3A_947 = tpu.memref_squeeze %get3A_946 : memref<1x128x128xf32, #tpu.memory_space<vmem>> -> memref<128x128xf32, #tpu.memory_space<vmem>>
      %get3A_948 = arith.index_cast %scan3A_944 : i32 to index
      %get3A_949 = arith.constant 0 : index
      %get3A_950 = tpu.vector_load %get3A_947[%get3A_948, %get3A_949] {strides = array<i32>} : memref<128x128xf32, #tpu.memory_space<vmem>>, vector<1x16xf32>,
      %get3A_951 = vector.shape_cast %get3A_950 : vector<1x16xf32> to vector<16xf32>
      %get3A_952 = arith.index_cast %scan3A_944 : i32 to index
      %get3A_953 = arith.constant 0 : index
      %get3A_954 = tpu.vector_load %arg7[%get3A_952, %get3A_953] {strides = array<i32>} : memref<128x128xf32, #tpu.memory_space<vmem>>, vector<1x16xf32>,
      %get3A_955 = vector.shape_cast %get3A_954 : vector<1x16xf32> to vector<16xf32>
      %add3A_956 = arith.addf %get3A_951, %get3A_955 : vector<16xf32>
      %swap3A = arith.constant 0 : i32
      %swap3A_957 = arith.constant 0 : i32
      %swap3A_958 = tpu.memref_slice %arg8[%scan3A_432, %swap3A, %swap3A_957] : memref<6x128x128xf32, #tpu.memory_space<vmem>> -> memref<1x128x128xf32, #tpu.memory_space<vmem>>
      %swap3A_959 = tpu.memref_squeeze %swap3A_958 : memref<1x128x128xf32, #tpu.memory_space<vmem>> -> memref<128x128xf32, #tpu.memory_space<vmem>>
      %swap3A_960 = arith.index_cast %scan3A_944 : i32 to index
      %swap3A_961 = arith.constant 0 : index
      %swap3A_962 = tpu.vector_load %swap3A_959[%swap3A_960, %swap3A_961] {strides = array<i32>} : memref<128x128xf32, #tpu.memory_space<vmem>>, vector<1x16xf32>,
      %swap3A_963 = vector.shape_cast %swap3A_962 : vector<1x16xf32> to vector<16xf32>
      %swap3A_964 = vector.shape_cast %add3A_956 : vector<16xf32> to vector<1x16xf32>
      tpu.vector_store %swap3A_959[%swap3A_960, %swap3A_961], %swap3A_964 {strides = array<i32>} : memref<128x128xf32, #tpu.memory_space<vmem>>, vector<1x16xf32>,
      %get3A_965 = arith.constant 0 : i32
      %get3A_966 = arith.constant 0 : i32
      %get3A_967 = tpu.memref_slice %arg8[%scan3A_432, %get3A_965, %get3A_966] : memref<6x128x128xf32, #tpu.memory_space<vmem>> -> memref<1x128x128xf32, #tpu.memory_space<vmem>>
      %get3A_968 = tpu.memref_squeeze %get3A_967 : memref<1x128x128xf32, #tpu.memory_space<vmem>> -> memref<128x128xf32, #tpu.memory_space<vmem>>
      %get3A_969 = arith.index_cast %scan3A_944 : i32 to index
      %get3A_970 = arith.constant 16 : index
      %get3A_971 = tpu.vector_load %get3A_968[%get3A_969, %get3A_970] {strides = array<i32>} : memref<128x128xf32, #tpu.memory_space<vmem>>, vector<1x16xf32>,
      %get3A_972 = vector.shape_cast %get3A_971 : vector<1x16xf32> to vector<16xf32>
      %get3A_973 = arith.index_cast %scan3A_944 : i32 to index
      %get3A_974 = arith.constant 16 : index
      %get3A_975 = tpu.vector_load %arg7[%get3A_973, %get3A_974] {strides = array<i32>} : memref<128x128xf32, #tpu.memory_space<vmem>>, vector<1x16xf32>,
      %get3A_976 = vector.shape_cast %get3A_975 : vector<1x16xf32> to vector<16xf32>
      %add3A_977 = arith.addf %get3A_972, %get3A_976 : vector<16xf32>
      %swap3A_978 = arith.constant 0 : i32
      %swap3A_979 = arith.constant 0 : i32
      %swap3A_980 = tpu.memref_slice %arg8[%scan3A_432, %swap3A_978, %swap3A_979] : memref<6x128x128xf32, #tpu.memory_space<vmem>> -> memref<1x128x128xf32, #tpu.memory_space<vmem>>
      %swap3A_981 = tpu.memref_squeeze %swap3A_980 : memref<1x128x128xf32, #tpu.memory_space<vmem>> -> memref<128x128xf32, #tpu.memory_space<vmem>>
      %swap3A_982 = arith.index_cast %scan3A_944 : i32 to index
      %swap3A_983 = arith.constant 16 : index
      %swap3A_984 = tpu.vector_load %swap3A_981[%swap3A_982, %swap3A_983] {strides = array<i32>} : memref<128x128xf32, #tpu.memory_space<vmem>>, vector<1x16xf32>,
      %swap3A_985 = vector.shape_cast %swap3A_984 : vector<1x16xf32> to vector<16xf32>
      %swap3A_986 = vector.shape_cast %add3A_977 : vector<16xf32> to vector<1x16xf32>
      tpu.vector_store %swap3A_981[%swap3A_982, %swap3A_983], %swap3A_986 {strides = array<i32>} : memref<128x128xf32, #tpu.memory_space<vmem>>, vector<1x16xf32>,
      %get3A_987 = arith.constant 0 : i32
      %get3A_988 = arith.constant 0 : i32
      %get3A_989 = tpu.memref_slice %arg8[%scan3A_432, %get3A_987, %get3A_988] : memref<6x128x128xf32, #tpu.memory_space<vmem>> -> memref<1x128x128xf32, #tpu.memory_space<vmem>>
      %get3A_990 = tpu.memref_squeeze %get3A_989 : memref<1x128x128xf32, #tpu.memory_space<vmem>> -> memref<128x128xf32, #tpu.memory_space<vmem>>
      %get3A_991 = arith.index_cast %scan3A_944 : i32 to index
      %get3A_992 = arith.constant 32 : index
      %get3A_993 = tpu.vector_load %get3A_990[%get3A_991, %get3A_992] {strides = array<i32>} : memref<128x128xf32, #tpu.memory_space<vmem>>, vector<1x16xf32>,
      %get3A_994 = vector.shape_cast %get3A_993 : vector<1x16xf32> to vector<16xf32>
      %get3A_995 = arith.index_cast %scan3A_944 : i32 to index
      %get3A_996 = arith.constant 32 : index
      %get3A_997 = tpu.vector_load %arg7[%get3A_995, %get3A_996] {strides = array<i32>} : memref<128x128xf32, #tpu.memory_space<vmem>>, vector<1x16xf32>,
      %get3A_998 = vector.shape_cast %get3A_997 : vector<1x16xf32> to vector<16xf32>
      %add3A_999 = arith.addf %get3A_994, %get3A_998 : vector<16xf32>
      %swap3A_1000 = arith.constant 0 : i32
      %swap3A_1001 = arith.constant 0 : i32
      %swap3A_1002 = tpu.memref_slice %arg8[%scan3A_432, %swap3A_1000, %swap3A_1001] : memref<6x128x128xf32, #tpu.memory_space<vmem>> -> memref<1x128x128xf32, #tpu.memory_space<vmem>>
      %swap3A_1003 = tpu.memref_squeeze %swap3A_1002 : memref<1x128x128xf32, #tpu.memory_space<vmem>> -> memref<128x128xf32, #tpu.memory_space<vmem>>
      %swap3A_1004 = arith.index_cast %scan3A_944 : i32 to index
      %swap3A_1005 = arith.constant 32 : index
      %swap3A_1006 = tpu.vector_load %swap3A_1003[%swap3A_1004, %swap3A_1005] {strides = array<i32>} : memref<128x128xf32, #tpu.memory_space<vmem>>, vector<1x16xf32>,
      %swap3A_1007 = vector.shape_cast %swap3A_1006 : vector<1x16xf32> to vector<16xf32>
      %swap3A_1008 = vector.shape_cast %add3A_999 : vector<16xf32> to vector<1x16xf32>
      tpu.vector_store %swap3A_1003[%swap3A_1004, %swap3A_1005], %swap3A_1008 {strides = array<i32>} : memref<128x128xf32, #tpu.memory_space<vmem>>, vector<1x16xf32>,
      %get3A_1009 = arith.constant 0 : i32
      %get3A_1010 = arith.constant 0 : i32
      %get3A_1011 = tpu.memref_slice %arg8[%scan3A_432, %get3A_1009, %get3A_1010] : memref<6x128x128xf32, #tpu.memory_space<vmem>> -> memref<1x128x128xf32, #tpu.memory_space<vmem>>
      %get3A_1012 = tpu.memref_squeeze %get3A_1011 : memref<1x128x128xf32, #tpu.memory_space<vmem>> -> memref<128x128xf32, #tpu.memory_space<vmem>>
      %get3A_1013 = arith.index_cast %scan3A_944 : i32 to index
      %get3A_1014 = arith.constant 48 : index
      %get3A_1015 = tpu.vector_load %get3A_1012[%get3A_1013, %get3A_1014] {strides = array<i32>} : memref<128x128xf32, #tpu.memory_space<vmem>>, vector<1x16xf32>,
      %get3A_1016 = vector.shape_cast %get3A_1015 : vector<1x16xf32> to vector<16xf32>
      %get3A_1017 = arith.index_cast %scan3A_944 : i32 to index
      %get3A_1018 = arith.constant 48 : index
      %get3A_1019 = tpu.vector_load %arg7[%get3A_1017, %get3A_1018] {strides = array<i32>} : memref<128x128xf32, #tpu.memory_space<vmem>>, vector<1x16xf32>,
      %get3A_1020 = vector.shape_cast %get3A_1019 : vector<1x16xf32> to vector<16xf32>
      %add3A_1021 = arith.addf %get3A_1016, %get3A_1020 : vector<16xf32>
      %swap3A_1022 = arith.constant 0 : i32
      %swap3A_1023 = arith.constant 0 : i32
      %swap3A_1024 = tpu.memref_slice %arg8[%scan3A_432, %swap3A_1022, %swap3A_1023] : memref<6x128x128xf32, #tpu.memory_space<vmem>> -> memref<1x128x128xf32, #tpu.memory_space<vmem>>
      %swap3A_1025 = tpu.memref_squeeze %swap3A_1024 : memref<1x128x128xf32, #tpu.memory_space<vmem>> -> memref<128x128xf32, #tpu.memory_space<vmem>>
      %swap3A_1026 = arith.index_cast %scan3A_944 : i32 to index
      %swap3A_1027 = arith.constant 48 : index
      %swap3A_1028 = tpu.vector_load %swap3A_1025[%swap3A_1026, %swap3A_1027] {strides = array<i32>} : memref<128x128xf32, #tpu.memory_space<vmem>>, vector<1x16xf32>,
      %swap3A_1029 = vector.shape_cast %swap3A_1028 : vector<1x16xf32> to vector<16xf32>
      %swap3A_1030 = vector.shape_cast %add3A_1021 : vector<16xf32> to vector<1x16xf32>
      tpu.vector_store %swap3A_1025[%swap3A_1026, %swap3A_1027], %swap3A_1030 {strides = array<i32>} : memref<128x128xf32, #tpu.memory_space<vmem>>, vector<1x16xf32>,
      %get3A_1031 = arith.constant 0 : i32
      %get3A_1032 = arith.constant 0 : i32
      %get3A_1033 = tpu.memref_slice %arg8[%scan3A_432, %get3A_1031, %get3A_1032] : memref<6x128x128xf32, #tpu.memory_space<vmem>> -> memref<1x128x128xf32, #tpu.memory_space<vmem>>
      %get3A_1034 = tpu.memref_squeeze %get3A_1033 : memref<1x128x128xf32, #tpu.memory_space<vmem>> -> memref<128x128xf32, #tpu.memory_space<vmem>>
      %get3A_1035 = arith.index_cast %scan3A_944 : i32 to index
      %get3A_1036 = arith.constant 64 : index
      %get3A_1037 = tpu.vector_load %get3A_1034[%get3A_1035, %get3A_1036] {strides = array<i32>} : memref<128x128xf32, #tpu.memory_space<vmem>>, vector<1x16xf32>,
      %get3A_1038 = vector.shape_cast %get3A_1037 : vector<1x16xf32> to vector<16xf32>
      %get3A_1039 = arith.index_cast %scan3A_944 : i32 to index
      %get3A_1040 = arith.constant 64 : index
      %get3A_1041 = tpu.vector_load %arg7[%get3A_1039, %get3A_1040] {strides = array<i32>} : memref<128x128xf32, #tpu.memory_space<vmem>>, vector<1x16xf32>,
      %get3A_1042 = vector.shape_cast %get3A_1041 : vector<1x16xf32> to vector<16xf32>
      %add3A_1043 = arith.addf %get3A_1038, %get3A_1042 : vector<16xf32>
      %swap3A_1044 = arith.constant 0 : i32
      %swap3A_1045 = arith.constant 0 : i32
      %swap3A_1046 = tpu.memref_slice %arg8[%scan3A_432, %swap3A_1044, %swap3A_1045] : memref<6x128x128xf32, #tpu.memory_space<vmem>> -> memref<1x128x128xf32, #tpu.memory_space<vmem>>
      %swap3A_1047 = tpu.memref_squeeze %swap3A_1046 : memref<1x128x128xf32, #tpu.memory_space<vmem>> -> memref<128x128xf32, #tpu.memory_space<vmem>>
      %swap3A_1048 = arith.index_cast %scan3A_944 : i32 to index
      %swap3A_1049 = arith.constant 64 : index
      %swap3A_1050 = tpu.vector_load %swap3A_1047[%swap3A_1048, %swap3A_1049] {strides = array<i32>} : memref<128x128xf32, #tpu.memory_space<vmem>>, vector<1x16xf32>,
      %swap3A_1051 = vector.shape_cast %swap3A_1050 : vector<1x16xf32> to vector<16xf32>
      %swap3A_1052 = vector.shape_cast %add3A_1043 : vector<16xf32> to vector<1x16xf32>
      tpu.vector_store %swap3A_1047[%swap3A_1048, %swap3A_1049], %swap3A_1052 {strides = array<i32>} : memref<128x128xf32, #tpu.memory_space<vmem>>, vector<1x16xf32>,
      %get3A_1053 = arith.constant 0 : i32
      %get3A_1054 = arith.constant 0 : i32
      %get3A_1055 = tpu.memref_slice %arg8[%scan3A_432, %get3A_1053, %get3A_1054] : memref<6x128x128xf32, #tpu.memory_space<vmem>> -> memref<1x128x128xf32, #tpu.memory_space<vmem>>
      %get3A_1056 = tpu.memref_squeeze %get3A_1055 : memref<1x128x128xf32, #tpu.memory_space<vmem>> -> memref<128x128xf32, #tpu.memory_space<vmem>>
      %get3A_1057 = arith.index_cast %scan3A_944 : i32 to index
      %get3A_1058 = arith.constant 80 : index
      %get3A_1059 = tpu.vector_load %get3A_1056[%get3A_1057, %get3A_1058] {strides = array<i32>} : memref<128x128xf32, #tpu.memory_space<vmem>>, vector<1x16xf32>,
      %get3A_1060 = vector.shape_cast %get3A_1059 : vector<1x16xf32> to vector<16xf32>
      %get3A_1061 = arith.index_cast %scan3A_944 : i32 to index
      %get3A_1062 = arith.constant 80 : index
      %get3A_1063 = tpu.vector_load %arg7[%get3A_1061, %get3A_1062] {strides = array<i32>} : memref<128x128xf32, #tpu.memory_space<vmem>>, vector<1x16xf32>,
      %get3A_1064 = vector.shape_cast %get3A_1063 : vector<1x16xf32> to vector<16xf32>
      %add3A_1065 = arith.addf %get3A_1060, %get3A_1064 : vector<16xf32>
      %swap3A_1066 = arith.constant 0 : i32
      %swap3A_1067 = arith.constant 0 : i32
      %swap3A_1068 = tpu.memref_slice %arg8[%scan3A_432, %swap3A_1066, %swap3A_1067] : memref<6x128x128xf32, #tpu.memory_space<vmem>> -> memref<1x128x128xf32, #tpu.memory_space<vmem>>
      %swap3A_1069 = tpu.memref_squeeze %swap3A_1068 : memref<1x128x128xf32, #tpu.memory_space<vmem>> -> memref<128x128xf32, #tpu.memory_space<vmem>>
      %swap3A_1070 = arith.index_cast %scan3A_944 : i32 to index
      %swap3A_1071 = arith.constant 80 : index
      %swap3A_1072 = tpu.vector_load %swap3A_1069[%swap3A_1070, %swap3A_1071] {strides = array<i32>} : memref<128x128xf32, #tpu.memory_space<vmem>>, vector<1x16xf32>,
      %swap3A_1073 = vector.shape_cast %swap3A_1072 : vector<1x16xf32> to vector<16xf32>
      %swap3A_1074 = vector.shape_cast %add3A_1065 : vector<16xf32> to vector<1x16xf32>
      tpu.vector_store %swap3A_1069[%swap3A_1070, %swap3A_1071], %swap3A_1074 {strides = array<i32>} : memref<128x128xf32, #tpu.memory_space<vmem>>, vector<1x16xf32>,
      %get3A_1075 = arith.constant 0 : i32
      %get3A_1076 = arith.constant 0 : i32
      %get3A_1077 = tpu.memref_slice %arg8[%scan3A_432, %get3A_1075, %get3A_1076] : memref<6x128x128xf32, #tpu.memory_space<vmem>> -> memref<1x128x128xf32, #tpu.memory_space<vmem>>
      %get3A_1078 = tpu.memref_squeeze %get3A_1077 : memref<1x128x128xf32, #tpu.memory_space<vmem>> -> memref<128x128xf32, #tpu.memory_space<vmem>>
      %get3A_1079 = arith.index_cast %scan3A_944 : i32 to index
      %get3A_1080 = arith.constant 96 : index
      %get3A_1081 = tpu.vector_load %get3A_1078[%get3A_1079, %get3A_1080] {strides = array<i32>} : memref<128x128xf32, #tpu.memory_space<vmem>>, vector<1x16xf32>,
      %get3A_1082 = vector.shape_cast %get3A_1081 : vector<1x16xf32> to vector<16xf32>
      %get3A_1083 = arith.index_cast %scan3A_944 : i32 to index
      %get3A_1084 = arith.constant 96 : index
      %get3A_1085 = tpu.vector_load %arg7[%get3A_1083, %get3A_1084] {strides = array<i32>} : memref<128x128xf32, #tpu.memory_space<vmem>>, vector<1x16xf32>,
      %get3A_1086 = vector.shape_cast %get3A_1085 : vector<1x16xf32> to vector<16xf32>
      %add3A_1087 = arith.addf %get3A_1082, %get3A_1086 : vector<16xf32>
      %swap3A_1088 = arith.constant 0 : i32
      %swap3A_1089 = arith.constant 0 : i32
      %swap3A_1090 = tpu.memref_slice %arg8[%scan3A_432, %swap3A_1088, %swap3A_1089] : memref<6x128x128xf32, #tpu.memory_space<vmem>> -> memref<1x128x128xf32, #tpu.memory_space<vmem>>
      %swap3A_1091 = tpu.memref_squeeze %swap3A_1090 : memref<1x128x128xf32, #tpu.memory_space<vmem>> -> memref<128x128xf32, #tpu.memory_space<vmem>>
      %swap3A_1092 = arith.index_cast %scan3A_944 : i32 to index
      %swap3A_1093 = arith.constant 96 : index
      %swap3A_1094 = tpu.vector_load %swap3A_1091[%swap3A_1092, %swap3A_1093] {strides = array<i32>} : memref<128x128xf32, #tpu.memory_space<vmem>>, vector<1x16xf32>,
      %swap3A_1095 = vector.shape_cast %swap3A_1094 : vector<1x16xf32> to vector<16xf32>
      %swap3A_1096 = vector.shape_cast %add3A_1087 : vector<16xf32> to vector<1x16xf32>
      tpu.vector_store %swap3A_1091[%swap3A_1092, %swap3A_1093], %swap3A_1096 {strides = array<i32>} : memref<128x128xf32, #tpu.memory_space<vmem>>, vector<1x16xf32>,
      %get3A_1097 = arith.constant 0 : i32
      %get3A_1098 = arith.constant 0 : i32
      %get3A_1099 = tpu.memref_slice %arg8[%scan3A_432, %get3A_1097, %get3A_1098] : memref<6x128x128xf32, #tpu.memory_space<vmem>> -> memref<1x128x128xf32, #tpu.memory_space<vmem>>
      %get3A_1100 = tpu.memref_squeeze %get3A_1099 : memref<1x128x128xf32, #tpu.memory_space<vmem>> -> memref<128x128xf32, #tpu.memory_space<vmem>>
      %get3A_1101 = arith.index_cast %scan3A_944 : i32 to index
      %get3A_1102 = arith.constant 112 : index
      %get3A_1103 = tpu.vector_load %get3A_1100[%get3A_1101, %get3A_1102] {strides = array<i32>} : memref<128x128xf32, #tpu.memory_space<vmem>>, vector<1x16xf32>,
      %get3A_1104 = vector.shape_cast %get3A_1103 : vector<1x16xf32> to vector<16xf32>
      %get3A_1105 = arith.index_cast %scan3A_944 : i32 to index
      %get3A_1106 = arith.constant 112 : index
      %get3A_1107 = tpu.vector_load %arg7[%get3A_1105, %get3A_1106] {strides = array<i32>} : memref<128x128xf32, #tpu.memory_space<vmem>>, vector<1x16xf32>,
      %get3A_1108 = vector.shape_cast %get3A_1107 : vector<1x16xf32> to vector<16xf32>
      %add3A_1109 = arith.addf %get3A_1104, %get3A_1108 : vector<16xf32>
      %swap3A_1110 = arith.constant 0 : i32
      %swap3A_1111 = arith.constant 0 : i32
      %swap3A_1112 = tpu.memref_slice %arg8[%scan3A_432, %swap3A_1110, %swap3A_1111] : memref<6x128x128xf32, #tpu.memory_space<vmem>> -> memref<1x128x128xf32, #tpu.memory_space<vmem>>
      %swap3A_1113 = tpu.memref_squeeze %swap3A_1112 : memref<1x128x128xf32, #tpu.memory_space<vmem>> -> memref<128x128xf32, #tpu.memory_space<vmem>>
      %swap3A_1114 = arith.index_cast %scan3A_944 : i32 to index
      %swap3A_1115 = arith.constant 112 : index
      %swap3A_1116 = tpu.vector_load %swap3A_1113[%swap3A_1114, %swap3A_1115] {strides = array<i32>} : memref<128x128xf32, #tpu.memory_space<vmem>>, vector<1x16xf32>,
      %swap3A_1117 = vector.shape_cast %swap3A_1116 : vector<1x16xf32> to vector<16xf32>
      %swap3A_1118 = vector.shape_cast %add3A_1109 : vector<16xf32> to vector<1x16xf32>
      tpu.vector_store %swap3A_1113[%swap3A_1114, %swap3A_1115], %swap3A_1118 {strides = array<i32>} : memref<128x128xf32, #tpu.memory_space<vmem>>, vector<1x16xf32>,
    }
    %scan3A_437 = arith.constant 128 : i32
    %dma_start3A_438 = arith.constant 3 : i32
    %dma_start3A_439 = arith.constant 6 : i32
    %dma_start3A_440 = arith.constant 3 : i32
    %dma_start3A_441 = arith.constant 0 : i32
    %dma_start3A_442 = arith.constant 0 : i32
    %dma_start3A_443 = tpu.memref_slice %arg8[%dma_start3A_438, %dma_start3A_441, %dma_start3A_442] : memref<6x128x128xf32, #tpu.memory_space<vmem>> -> memref<1x64x128xf32, #tpu.memory_space<vmem>>
    %dma_start3A_444 = tpu.memref_squeeze %dma_start3A_443 : memref<1x64x128xf32, #tpu.memory_space<vmem>> -> memref<64x128xf32, #tpu.memory_space<vmem>>
    %dma_start3A_445 = arith.constant 0 : i32
    %dma_start3A_446 = tpu.memref_slice %arg5[%dma_start3A_439, %mul3A_2, %dma_start3A_445] : memref<16x2048x128xf32, #tpu.memory_space<hbm>> -> memref<1x64x128xf32, #tpu.memory_space<hbm>>
    %dma_start3A_447 = tpu.memref_squeeze %dma_start3A_446 : memref<1x64x128xf32, #tpu.memory_space<hbm>> -> memref<64x128xf32, #tpu.memory_space<hbm>>
    %dma_start3A_448 = tpu.memref_slice %arg10[%dma_start3A_440] : memref<6x!tpu.dma_semaphore, #tpu.memory_space<semaphore_mem>> -> memref<1x!tpu.dma_semaphore, #tpu.memory_space<semaphore_mem>>
    %dma_start3A_449 = tpu.memref_squeeze %dma_start3A_448 : memref<1x!tpu.dma_semaphore, #tpu.memory_space<semaphore_mem>> -> memref<!tpu.dma_semaphore, #tpu.memory_space<semaphore_mem>>
    %dma_start3A_450 = arith.constant 0 : i32
    %dma_start3A_451 = tpu.memref_slice %arg5[%dma_start3A_439, %mul3A_2, %dma_start3A_450] : memref<16x2048x128xf32, #tpu.memory_space<hbm>> -> memref<1x64x128xf32, #tpu.memory_space<hbm>>
    %dma_start3A_452 = tpu.memref_squeeze %dma_start3A_451 : memref<1x64x128xf32, #tpu.memory_space<hbm>> -> memref<64x128xf32, #tpu.memory_space<hbm>>
    %dma_start3A_453 = arith.constant 0 : i32
    %dma_start3A_454 = arith.constant 0 : i32
    %dma_start3A_455 = tpu.memref_slice %arg8[%dma_start3A_438, %dma_start3A_453, %dma_start3A_454] : memref<6x128x128xf32, #tpu.memory_space<vmem>> -> memref<1x64x128xf32, #tpu.memory_space<vmem>>
    %dma_start3A_456 = tpu.memref_squeeze %dma_start3A_455 : memref<1x64x128xf32, #tpu.memory_space<vmem>> -> memref<64x128xf32, #tpu.memory_space<vmem>>
    tpu.enqueue_dma source(%dma_start3A_456 : memref<64x128xf32, #tpu.memory_space<vmem>>) target(%dma_start3A_452 : memref<64x128xf32, #tpu.memory_space<hbm>>) target_semaphore(%dma_start3A_449 : memref<!tpu.dma_semaphore, #tpu.memory_space<semaphore_mem>>)
    %dma_start3A_457 = arith.constant 3 : i32
    %dma_start3A_458 = arith.constant 7 : i32
    %dma_start3A_459 = arith.constant 3 : i32
    %dma_start3A_460 = arith.constant 64 : i32
    %dma_start3A_461 = arith.constant 0 : i32
    %dma_start3A_462 = tpu.memref_slice %arg8[%dma_start3A_457, %dma_start3A_460, %dma_start3A_461] : memref<6x128x128xf32, #tpu.memory_space<vmem>> -> memref<1x64x128xf32, #tpu.memory_space<vmem>>
    %dma_start3A_463 = tpu.memref_squeeze %dma_start3A_462 : memref<1x64x128xf32, #tpu.memory_space<vmem>> -> memref<64x128xf32, #tpu.memory_space<vmem>>
    %dma_start3A_464 = arith.constant 0 : i32
    %dma_start3A_465 = tpu.memref_slice %arg5[%dma_start3A_458, %mul3A_2, %dma_start3A_464] : memref<16x2048x128xf32, #tpu.memory_space<hbm>> -> memref<1x64x128xf32, #tpu.memory_space<hbm>>
    %dma_start3A_466 = tpu.memref_squeeze %dma_start3A_465 : memref<1x64x128xf32, #tpu.memory_space<hbm>> -> memref<64x128xf32, #tpu.memory_space<hbm>>
    %dma_start3A_467 = tpu.memref_slice %arg10[%dma_start3A_459] : memref<6x!tpu.dma_semaphore, #tpu.memory_space<semaphore_mem>> -> memref<1x!tpu.dma_semaphore, #tpu.memory_space<semaphore_mem>>
    %dma_start3A_468 = tpu.memref_squeeze %dma_start3A_467 : memref<1x!tpu.dma_semaphore, #tpu.memory_space<semaphore_mem>> -> memref<!tpu.dma_semaphore, #tpu.memory_space<semaphore_mem>>
    %dma_start3A_469 = arith.constant 0 : i32
    %dma_start3A_470 = tpu.memref_slice %arg5[%dma_start3A_458, %mul3A_2, %dma_start3A_469] : memref<16x2048x128xf32, #tpu.memory_space<hbm>> -> memref<1x64x128xf32, #tpu.memory_space<hbm>>
    %dma_start3A_471 = tpu.memref_squeeze %dma_start3A_470 : memref<1x64x128xf32, #tpu.memory_space<hbm>> -> memref<64x128xf32, #tpu.memory_space<hbm>>
    %dma_start3A_472 = arith.constant 64 : i32
    %dma_start3A_473 = arith.constant 0 : i32
    %dma_start3A_474 = tpu.memref_slice %arg8[%dma_start3A_457, %dma_start3A_472, %dma_start3A_473] : memref<6x128x128xf32, #tpu.memory_space<vmem>> -> memref<1x64x128xf32, #tpu.memory_space<vmem>>
    %dma_start3A_475 = tpu.memref_squeeze %dma_start3A_474 : memref<1x64x128xf32, #tpu.memory_space<vmem>> -> memref<64x128xf32, #tpu.memory_space<vmem>>
    tpu.enqueue_dma source(%dma_start3A_475 : memref<64x128xf32, #tpu.memory_space<vmem>>) target(%dma_start3A_471 : memref<64x128xf32, #tpu.memory_space<hbm>>) target_semaphore(%dma_start3A_468 : memref<!tpu.dma_semaphore, #tpu.memory_space<semaphore_mem>>)
    %dma_wait3A_476 = arith.constant 4 : i32
    %dma_wait3A_477 = arith.constant 4 : i32
    %dma_wait3A_478 = arith.constant 4 : i32
    %dma_wait3A_479 = arith.constant 0 : i32
    %dma_wait3A_480 = arith.constant 0 : i32
    %dma_wait3A_481 = tpu.memref_slice %arg8[%dma_wait3A_477, %dma_wait3A_479, %dma_wait3A_480] : memref<6x128x128xf32, #tpu.memory_space<vmem>> -> memref<1x128x128xf32, #tpu.memory_space<vmem>>
    %dma_wait3A_482 = tpu.memref_squeeze %dma_wait3A_481 : memref<1x128x128xf32, #tpu.memory_space<vmem>> -> memref<128x128xf32, #tpu.memory_space<vmem>>
    %dma_wait3A_483 = arith.constant 0 : i32
    %dma_wait3A_484 = tpu.memref_slice %arg6[%dma_wait3A_476, %dma_wait3A_483] : memref<8x128xi32, #tpu.memory_space<vmem>> -> memref<1x128xi32, #tpu.memory_space<vmem>>
    %dma_wait3A_485 = tpu.memref_squeeze %dma_wait3A_484 : memref<1x128xi32, #tpu.memory_space<vmem>> -> memref<128xi32, #tpu.memory_space<vmem>>
    %dma_wait3A_486 = arith.constant 0 : i32
    %dma_wait3A_487 = arith.constant 0 : i32
    %dma_wait3A_488 = tpu.memref_slice %arg3[%dma_wait3A_486, %dma_wait3A_487] : memref<100000x128xf32, #tpu.memory_space<hbm>> -> memref<100000x128xf32, #tpu.memory_space<hbm>>
    %dma_wait3A_489 = tpu.memref_slice %arg9[%dma_wait3A_478] : memref<6x!tpu.dma_semaphore, #tpu.memory_space<semaphore_mem>> -> memref<1x!tpu.dma_semaphore, #tpu.memory_space<semaphore_mem>>
    %dma_wait3A_490 = tpu.memref_squeeze %dma_wait3A_489 : memref<1x!tpu.dma_semaphore, #tpu.memory_space<semaphore_mem>> -> memref<!tpu.dma_semaphore, #tpu.memory_space<semaphore_mem>>
    tpu.wait_indirect_dma semaphore(%dma_wait3A_490 : memref<!tpu.dma_semaphore, #tpu.memory_space<semaphore_mem>>) src(%dma_wait3A_488 : memref<100000x128xf32, #tpu.memory_space<hbm>>) dst(%dma_wait3A_482 : memref<128x128xf32, #tpu.memory_space<vmem>>)
    %scan3A_491 = arith.constant 0 : i32
    %scan3A_492 = arith.constant 4 : i32
    %scan3A_493 = arith.constant 0 : i32
    %scan3A_494 = arith.constant 128 : i32
    %scan3A_495 = arith.addi %scan3A_493, %scan3A_494 : i32
    %scan3A_496 = arith.constant 1 : i32
    scf.for %scan3A_944 = %scan3A_493 to %scan3A_495 step %scan3A_496  : i32 {
      %get3A = arith.constant 0 : i32
      %get3A_945 = arith.constant 0 : i32
      %get3A_946 = tpu.memref_slice %arg8[%scan3A_492, %get3A, %get3A_945] : memref<6x128x128xf32, #tpu.memory_space<vmem>> -> memref<1x128x128xf32, #tpu.memory_space<vmem>>
      %get3A_947 = tpu.memref_squeeze %get3A_946 : memref<1x128x128xf32, #tpu.memory_space<vmem>> -> memref<128x128xf32, #tpu.memory_space<vmem>>
      %get3A_948 = arith.index_cast %scan3A_944 : i32 to index
      %get3A_949 = arith.constant 0 : index
      %get3A_950 = tpu.vector_load %get3A_947[%get3A_948, %get3A_949] {strides = array<i32>} : memref<128x128xf32, #tpu.memory_space<vmem>>, vector<1x16xf32>,
      %get3A_951 = vector.shape_cast %get3A_950 : vector<1x16xf32> to vector<16xf32>
      %get3A_952 = arith.index_cast %scan3A_944 : i32 to index
      %get3A_953 = arith.constant 0 : index
      %get3A_954 = tpu.vector_load %arg7[%get3A_952, %get3A_953] {strides = array<i32>} : memref<128x128xf32, #tpu.memory_space<vmem>>, vector<1x16xf32>,
      %get3A_955 = vector.shape_cast %get3A_954 : vector<1x16xf32> to vector<16xf32>
      %add3A_956 = arith.addf %get3A_951, %get3A_955 : vector<16xf32>
      %swap3A = arith.constant 0 : i32
      %swap3A_957 = arith.constant 0 : i32
      %swap3A_958 = tpu.memref_slice %arg8[%scan3A_492, %swap3A, %swap3A_957] : memref<6x128x128xf32, #tpu.memory_space<vmem>> -> memref<1x128x128xf32, #tpu.memory_space<vmem>>
      %swap3A_959 = tpu.memref_squeeze %swap3A_958 : memref<1x128x128xf32, #tpu.memory_space<vmem>> -> memref<128x128xf32, #tpu.memory_space<vmem>>
      %swap3A_960 = arith.index_cast %scan3A_944 : i32 to index
      %swap3A_961 = arith.constant 0 : index
      %swap3A_962 = tpu.vector_load %swap3A_959[%swap3A_960, %swap3A_961] {strides = array<i32>} : memref<128x128xf32, #tpu.memory_space<vmem>>, vector<1x16xf32>,
      %swap3A_963 = vector.shape_cast %swap3A_962 : vector<1x16xf32> to vector<16xf32>
      %swap3A_964 = vector.shape_cast %add3A_956 : vector<16xf32> to vector<1x16xf32>
      tpu.vector_store %swap3A_959[%swap3A_960, %swap3A_961], %swap3A_964 {strides = array<i32>} : memref<128x128xf32, #tpu.memory_space<vmem>>, vector<1x16xf32>,
      %get3A_965 = arith.constant 0 : i32
      %get3A_966 = arith.constant 0 : i32
      %get3A_967 = tpu.memref_slice %arg8[%scan3A_492, %get3A_965, %get3A_966] : memref<6x128x128xf32, #tpu.memory_space<vmem>> -> memref<1x128x128xf32, #tpu.memory_space<vmem>>
      %get3A_968 = tpu.memref_squeeze %get3A_967 : memref<1x128x128xf32, #tpu.memory_space<vmem>> -> memref<128x128xf32, #tpu.memory_space<vmem>>
      %get3A_969 = arith.index_cast %scan3A_944 : i32 to index
      %get3A_970 = arith.constant 16 : index
      %get3A_971 = tpu.vector_load %get3A_968[%get3A_969, %get3A_970] {strides = array<i32>} : memref<128x128xf32, #tpu.memory_space<vmem>>, vector<1x16xf32>,
      %get3A_972 = vector.shape_cast %get3A_971 : vector<1x16xf32> to vector<16xf32>
      %get3A_973 = arith.index_cast %scan3A_944 : i32 to index
      %get3A_974 = arith.constant 16 : index
      %get3A_975 = tpu.vector_load %arg7[%get3A_973, %get3A_974] {strides = array<i32>} : memref<128x128xf32, #tpu.memory_space<vmem>>, vector<1x16xf32>,
      %get3A_976 = vector.shape_cast %get3A_975 : vector<1x16xf32> to vector<16xf32>
      %add3A_977 = arith.addf %get3A_972, %get3A_976 : vector<16xf32>
      %swap3A_978 = arith.constant 0 : i32
      %swap3A_979 = arith.constant 0 : i32
      %swap3A_980 = tpu.memref_slice %arg8[%scan3A_492, %swap3A_978, %swap3A_979] : memref<6x128x128xf32, #tpu.memory_space<vmem>> -> memref<1x128x128xf32, #tpu.memory_space<vmem>>
      %swap3A_981 = tpu.memref_squeeze %swap3A_980 : memref<1x128x128xf32, #tpu.memory_space<vmem>> -> memref<128x128xf32, #tpu.memory_space<vmem>>
      %swap3A_982 = arith.index_cast %scan3A_944 : i32 to index
      %swap3A_983 = arith.constant 16 : index
      %swap3A_984 = tpu.vector_load %swap3A_981[%swap3A_982, %swap3A_983] {strides = array<i32>} : memref<128x128xf32, #tpu.memory_space<vmem>>, vector<1x16xf32>,
      %swap3A_985 = vector.shape_cast %swap3A_984 : vector<1x16xf32> to vector<16xf32>
      %swap3A_986 = vector.shape_cast %add3A_977 : vector<16xf32> to vector<1x16xf32>
      tpu.vector_store %swap3A_981[%swap3A_982, %swap3A_983], %swap3A_986 {strides = array<i32>} : memref<128x128xf32, #tpu.memory_space<vmem>>, vector<1x16xf32>,
      %get3A_987 = arith.constant 0 : i32
      %get3A_988 = arith.constant 0 : i32
      %get3A_989 = tpu.memref_slice %arg8[%scan3A_492, %get3A_987, %get3A_988] : memref<6x128x128xf32, #tpu.memory_space<vmem>> -> memref<1x128x128xf32, #tpu.memory_space<vmem>>
      %get3A_990 = tpu.memref_squeeze %get3A_989 : memref<1x128x128xf32, #tpu.memory_space<vmem>> -> memref<128x128xf32, #tpu.memory_space<vmem>>
      %get3A_991 = arith.index_cast %scan3A_944 : i32 to index
      %get3A_992 = arith.constant 32 : index
      %get3A_993 = tpu.vector_load %get3A_990[%get3A_991, %get3A_992] {strides = array<i32>} : memref<128x128xf32, #tpu.memory_space<vmem>>, vector<1x16xf32>,
      %get3A_994 = vector.shape_cast %get3A_993 : vector<1x16xf32> to vector<16xf32>
      %get3A_995 = arith.index_cast %scan3A_944 : i32 to index
      %get3A_996 = arith.constant 32 : index
      %get3A_997 = tpu.vector_load %arg7[%get3A_995, %get3A_996] {strides = array<i32>} : memref<128x128xf32, #tpu.memory_space<vmem>>, vector<1x16xf32>,
      %get3A_998 = vector.shape_cast %get3A_997 : vector<1x16xf32> to vector<16xf32>
      %add3A_999 = arith.addf %get3A_994, %get3A_998 : vector<16xf32>
      %swap3A_1000 = arith.constant 0 : i32
      %swap3A_1001 = arith.constant 0 : i32
      %swap3A_1002 = tpu.memref_slice %arg8[%scan3A_492, %swap3A_1000, %swap3A_1001] : memref<6x128x128xf32, #tpu.memory_space<vmem>> -> memref<1x128x128xf32, #tpu.memory_space<vmem>>
      %swap3A_1003 = tpu.memref_squeeze %swap3A_1002 : memref<1x128x128xf32, #tpu.memory_space<vmem>> -> memref<128x128xf32, #tpu.memory_space<vmem>>
      %swap3A_1004 = arith.index_cast %scan3A_944 : i32 to index
      %swap3A_1005 = arith.constant 32 : index
      %swap3A_1006 = tpu.vector_load %swap3A_1003[%swap3A_1004, %swap3A_1005] {strides = array<i32>} : memref<128x128xf32, #tpu.memory_space<vmem>>, vector<1x16xf32>,
      %swap3A_1007 = vector.shape_cast %swap3A_1006 : vector<1x16xf32> to vector<16xf32>
      %swap3A_1008 = vector.shape_cast %add3A_999 : vector<16xf32> to vector<1x16xf32>
      tpu.vector_store %swap3A_1003[%swap3A_1004, %swap3A_1005], %swap3A_1008 {strides = array<i32>} : memref<128x128xf32, #tpu.memory_space<vmem>>, vector<1x16xf32>,
      %get3A_1009 = arith.constant 0 : i32
      %get3A_1010 = arith.constant 0 : i32
      %get3A_1011 = tpu.memref_slice %arg8[%scan3A_492, %get3A_1009, %get3A_1010] : memref<6x128x128xf32, #tpu.memory_space<vmem>> -> memref<1x128x128xf32, #tpu.memory_space<vmem>>
      %get3A_1012 = tpu.memref_squeeze %get3A_1011 : memref<1x128x128xf32, #tpu.memory_space<vmem>> -> memref<128x128xf32, #tpu.memory_space<vmem>>
      %get3A_1013 = arith.index_cast %scan3A_944 : i32 to index
      %get3A_1014 = arith.constant 48 : index
      %get3A_1015 = tpu.vector_load %get3A_1012[%get3A_1013, %get3A_1014] {strides = array<i32>} : memref<128x128xf32, #tpu.memory_space<vmem>>, vector<1x16xf32>,
      %get3A_1016 = vector.shape_cast %get3A_1015 : vector<1x16xf32> to vector<16xf32>
      %get3A_1017 = arith.index_cast %scan3A_944 : i32 to index
      %get3A_1018 = arith.constant 48 : index
      %get3A_1019 = tpu.vector_load %arg7[%get3A_1017, %get3A_1018] {strides = array<i32>} : memref<128x128xf32, #tpu.memory_space<vmem>>, vector<1x16xf32>,
      %get3A_1020 = vector.shape_cast %get3A_1019 : vector<1x16xf32> to vector<16xf32>
      %add3A_1021 = arith.addf %get3A_1016, %get3A_1020 : vector<16xf32>
      %swap3A_1022 = arith.constant 0 : i32
      %swap3A_1023 = arith.constant 0 : i32
      %swap3A_1024 = tpu.memref_slice %arg8[%scan3A_492, %swap3A_1022, %swap3A_1023] : memref<6x128x128xf32, #tpu.memory_space<vmem>> -> memref<1x128x128xf32, #tpu.memory_space<vmem>>
      %swap3A_1025 = tpu.memref_squeeze %swap3A_1024 : memref<1x128x128xf32, #tpu.memory_space<vmem>> -> memref<128x128xf32, #tpu.memory_space<vmem>>
      %swap3A_1026 = arith.index_cast %scan3A_944 : i32 to index
      %swap3A_1027 = arith.constant 48 : index
      %swap3A_1028 = tpu.vector_load %swap3A_1025[%swap3A_1026, %swap3A_1027] {strides = array<i32>} : memref<128x128xf32, #tpu.memory_space<vmem>>, vector<1x16xf32>,
      %swap3A_1029 = vector.shape_cast %swap3A_1028 : vector<1x16xf32> to vector<16xf32>
      %swap3A_1030 = vector.shape_cast %add3A_1021 : vector<16xf32> to vector<1x16xf32>
      tpu.vector_store %swap3A_1025[%swap3A_1026, %swap3A_1027], %swap3A_1030 {strides = array<i32>} : memref<128x128xf32, #tpu.memory_space<vmem>>, vector<1x16xf32>,
      %get3A_1031 = arith.constant 0 : i32
      %get3A_1032 = arith.constant 0 : i32
      %get3A_1033 = tpu.memref_slice %arg8[%scan3A_492, %get3A_1031, %get3A_1032] : memref<6x128x128xf32, #tpu.memory_space<vmem>> -> memref<1x128x128xf32, #tpu.memory_space<vmem>>
      %get3A_1034 = tpu.memref_squeeze %get3A_1033 : memref<1x128x128xf32, #tpu.memory_space<vmem>> -> memref<128x128xf32, #tpu.memory_space<vmem>>
      %get3A_1035 = arith.index_cast %scan3A_944 : i32 to index
      %get3A_1036 = arith.constant 64 : index
      %get3A_1037 = tpu.vector_load %get3A_1034[%get3A_1035, %get3A_1036] {strides = array<i32>} : memref<128x128xf32, #tpu.memory_space<vmem>>, vector<1x16xf32>,
      %get3A_1038 = vector.shape_cast %get3A_1037 : vector<1x16xf32> to vector<16xf32>
      %get3A_1039 = arith.index_cast %scan3A_944 : i32 to index
      %get3A_1040 = arith.constant 64 : index
      %get3A_1041 = tpu.vector_load %arg7[%get3A_1039, %get3A_1040] {strides = array<i32>} : memref<128x128xf32, #tpu.memory_space<vmem>>, vector<1x16xf32>,
      %get3A_1042 = vector.shape_cast %get3A_1041 : vector<1x16xf32> to vector<16xf32>
      %add3A_1043 = arith.addf %get3A_1038, %get3A_1042 : vector<16xf32>
      %swap3A_1044 = arith.constant 0 : i32
      %swap3A_1045 = arith.constant 0 : i32
      %swap3A_1046 = tpu.memref_slice %arg8[%scan3A_492, %swap3A_1044, %swap3A_1045] : memref<6x128x128xf32, #tpu.memory_space<vmem>> -> memref<1x128x128xf32, #tpu.memory_space<vmem>>
      %swap3A_1047 = tpu.memref_squeeze %swap3A_1046 : memref<1x128x128xf32, #tpu.memory_space<vmem>> -> memref<128x128xf32, #tpu.memory_space<vmem>>
      %swap3A_1048 = arith.index_cast %scan3A_944 : i32 to index
      %swap3A_1049 = arith.constant 64 : index
      %swap3A_1050 = tpu.vector_load %swap3A_1047[%swap3A_1048, %swap3A_1049] {strides = array<i32>} : memref<128x128xf32, #tpu.memory_space<vmem>>, vector<1x16xf32>,
      %swap3A_1051 = vector.shape_cast %swap3A_1050 : vector<1x16xf32> to vector<16xf32>
      %swap3A_1052 = vector.shape_cast %add3A_1043 : vector<16xf32> to vector<1x16xf32>
      tpu.vector_store %swap3A_1047[%swap3A_1048, %swap3A_1049], %swap3A_1052 {strides = array<i32>} : memref<128x128xf32, #tpu.memory_space<vmem>>, vector<1x16xf32>,
      %get3A_1053 = arith.constant 0 : i32
      %get3A_1054 = arith.constant 0 : i32
      %get3A_1055 = tpu.memref_slice %arg8[%scan3A_492, %get3A_1053, %get3A_1054] : memref<6x128x128xf32, #tpu.memory_space<vmem>> -> memref<1x128x128xf32, #tpu.memory_space<vmem>>
      %get3A_1056 = tpu.memref_squeeze %get3A_1055 : memref<1x128x128xf32, #tpu.memory_space<vmem>> -> memref<128x128xf32, #tpu.memory_space<vmem>>
      %get3A_1057 = arith.index_cast %scan3A_944 : i32 to index
      %get3A_1058 = arith.constant 80 : index
      %get3A_1059 = tpu.vector_load %get3A_1056[%get3A_1057, %get3A_1058] {strides = array<i32>} : memref<128x128xf32, #tpu.memory_space<vmem>>, vector<1x16xf32>,
      %get3A_1060 = vector.shape_cast %get3A_1059 : vector<1x16xf32> to vector<16xf32>
      %get3A_1061 = arith.index_cast %scan3A_944 : i32 to index
      %get3A_1062 = arith.constant 80 : index
      %get3A_1063 = tpu.vector_load %arg7[%get3A_1061, %get3A_1062] {strides = array<i32>} : memref<128x128xf32, #tpu.memory_space<vmem>>, vector<1x16xf32>,
      %get3A_1064 = vector.shape_cast %get3A_1063 : vector<1x16xf32> to vector<16xf32>
      %add3A_1065 = arith.addf %get3A_1060, %get3A_1064 : vector<16xf32>
      %swap3A_1066 = arith.constant 0 : i32
      %swap3A_1067 = arith.constant 0 : i32
      %swap3A_1068 = tpu.memref_slice %arg8[%scan3A_492, %swap3A_1066, %swap3A_1067] : memref<6x128x128xf32, #tpu.memory_space<vmem>> -> memref<1x128x128xf32, #tpu.memory_space<vmem>>
      %swap3A_1069 = tpu.memref_squeeze %swap3A_1068 : memref<1x128x128xf32, #tpu.memory_space<vmem>> -> memref<128x128xf32, #tpu.memory_space<vmem>>
      %swap3A_1070 = arith.index_cast %scan3A_944 : i32 to index
      %swap3A_1071 = arith.constant 80 : index
      %swap3A_1072 = tpu.vector_load %swap3A_1069[%swap3A_1070, %swap3A_1071] {strides = array<i32>} : memref<128x128xf32, #tpu.memory_space<vmem>>, vector<1x16xf32>,
      %swap3A_1073 = vector.shape_cast %swap3A_1072 : vector<1x16xf32> to vector<16xf32>
      %swap3A_1074 = vector.shape_cast %add3A_1065 : vector<16xf32> to vector<1x16xf32>
      tpu.vector_store %swap3A_1069[%swap3A_1070, %swap3A_1071], %swap3A_1074 {strides = array<i32>} : memref<128x128xf32, #tpu.memory_space<vmem>>, vector<1x16xf32>,
      %get3A_1075 = arith.constant 0 : i32
      %get3A_1076 = arith.constant 0 : i32
      %get3A_1077 = tpu.memref_slice %arg8[%scan3A_492, %get3A_1075, %get3A_1076] : memref<6x128x128xf32, #tpu.memory_space<vmem>> -> memref<1x128x128xf32, #tpu.memory_space<vmem>>
      %get3A_1078 = tpu.memref_squeeze %get3A_1077 : memref<1x128x128xf32, #tpu.memory_space<vmem>> -> memref<128x128xf32, #tpu.memory_space<vmem>>
      %get3A_1079 = arith.index_cast %scan3A_944 : i32 to index
      %get3A_1080 = arith.constant 96 : index
      %get3A_1081 = tpu.vector_load %get3A_1078[%get3A_1079, %get3A_1080] {strides = array<i32>} : memref<128x128xf32, #tpu.memory_space<vmem>>, vector<1x16xf32>,
      %get3A_1082 = vector.shape_cast %get3A_1081 : vector<1x16xf32> to vector<16xf32>
      %get3A_1083 = arith.index_cast %scan3A_944 : i32 to index
      %get3A_1084 = arith.constant 96 : index
      %get3A_1085 = tpu.vector_load %arg7[%get3A_1083, %get3A_1084] {strides = array<i32>} : memref<128x128xf32, #tpu.memory_space<vmem>>, vector<1x16xf32>,
      %get3A_1086 = vector.shape_cast %get3A_1085 : vector<1x16xf32> to vector<16xf32>
      %add3A_1087 = arith.addf %get3A_1082, %get3A_1086 : vector<16xf32>
      %swap3A_1088 = arith.constant 0 : i32
      %swap3A_1089 = arith.constant 0 : i32
      %swap3A_1090 = tpu.memref_slice %arg8[%scan3A_492, %swap3A_1088, %swap3A_1089] : memref<6x128x128xf32, #tpu.memory_space<vmem>> -> memref<1x128x128xf32, #tpu.memory_space<vmem>>
      %swap3A_1091 = tpu.memref_squeeze %swap3A_1090 : memref<1x128x128xf32, #tpu.memory_space<vmem>> -> memref<128x128xf32, #tpu.memory_space<vmem>>
      %swap3A_1092 = arith.index_cast %scan3A_944 : i32 to index
      %swap3A_1093 = arith.constant 96 : index
      %swap3A_1094 = tpu.vector_load %swap3A_1091[%swap3A_1092, %swap3A_1093] {strides = array<i32>} : memref<128x128xf32, #tpu.memory_space<vmem>>, vector<1x16xf32>,
      %swap3A_1095 = vector.shape_cast %swap3A_1094 : vector<1x16xf32> to vector<16xf32>
      %swap3A_1096 = vector.shape_cast %add3A_1087 : vector<16xf32> to vector<1x16xf32>
      tpu.vector_store %swap3A_1091[%swap3A_1092, %swap3A_1093], %swap3A_1096 {strides = array<i32>} : memref<128x128xf32, #tpu.memory_space<vmem>>, vector<1x16xf32>,
      %get3A_1097 = arith.constant 0 : i32
      %get3A_1098 = arith.constant 0 : i32
      %get3A_1099 = tpu.memref_slice %arg8[%scan3A_492, %get3A_1097, %get3A_1098] : memref<6x128x128xf32, #tpu.memory_space<vmem>> -> memref<1x128x128xf32, #tpu.memory_space<vmem>>
      %get3A_1100 = tpu.memref_squeeze %get3A_1099 : memref<1x128x128xf32, #tpu.memory_space<vmem>> -> memref<128x128xf32, #tpu.memory_space<vmem>>
      %get3A_1101 = arith.index_cast %scan3A_944 : i32 to index
      %get3A_1102 = arith.constant 112 : index
      %get3A_1103 = tpu.vector_load %get3A_1100[%get3A_1101, %get3A_1102] {strides = array<i32>} : memref<128x128xf32, #tpu.memory_space<vmem>>, vector<1x16xf32>,
      %get3A_1104 = vector.shape_cast %get3A_1103 : vector<1x16xf32> to vector<16xf32>
      %get3A_1105 = arith.index_cast %scan3A_944 : i32 to index
      %get3A_1106 = arith.constant 112 : index
      %get3A_1107 = tpu.vector_load %arg7[%get3A_1105, %get3A_1106] {strides = array<i32>} : memref<128x128xf32, #tpu.memory_space<vmem>>, vector<1x16xf32>,
      %get3A_1108 = vector.shape_cast %get3A_1107 : vector<1x16xf32> to vector<16xf32>
      %add3A_1109 = arith.addf %get3A_1104, %get3A_1108 : vector<16xf32>
      %swap3A_1110 = arith.constant 0 : i32
      %swap3A_1111 = arith.constant 0 : i32
      %swap3A_1112 = tpu.memref_slice %arg8[%scan3A_492, %swap3A_1110, %swap3A_1111] : memref<6x128x128xf32, #tpu.memory_space<vmem>> -> memref<1x128x128xf32, #tpu.memory_space<vmem>>
      %swap3A_1113 = tpu.memref_squeeze %swap3A_1112 : memref<1x128x128xf32, #tpu.memory_space<vmem>> -> memref<128x128xf32, #tpu.memory_space<vmem>>
      %swap3A_1114 = arith.index_cast %scan3A_944 : i32 to index
      %swap3A_1115 = arith.constant 112 : index
      %swap3A_1116 = tpu.vector_load %swap3A_1113[%swap3A_1114, %swap3A_1115] {strides = array<i32>} : memref<128x128xf32, #tpu.memory_space<vmem>>, vector<1x16xf32>,
      %swap3A_1117 = vector.shape_cast %swap3A_1116 : vector<1x16xf32> to vector<16xf32>
      %swap3A_1118 = vector.shape_cast %add3A_1109 : vector<16xf32> to vector<1x16xf32>
      tpu.vector_store %swap3A_1113[%swap3A_1114, %swap3A_1115], %swap3A_1118 {strides = array<i32>} : memref<128x128xf32, #tpu.memory_space<vmem>>, vector<1x16xf32>,
    }
    %scan3A_497 = arith.constant 128 : i32
    %dma_start3A_498 = arith.constant 4 : i32
    %dma_start3A_499 = arith.constant 8 : i32
    %dma_start3A_500 = arith.constant 4 : i32
    %dma_start3A_501 = arith.constant 0 : i32
    %dma_start3A_502 = arith.constant 0 : i32
    %dma_start3A_503 = tpu.memref_slice %arg8[%dma_start3A_498, %dma_start3A_501, %dma_start3A_502] : memref<6x128x128xf32, #tpu.memory_space<vmem>> -> memref<1x64x128xf32, #tpu.memory_space<vmem>>
    %dma_start3A_504 = tpu.memref_squeeze %dma_start3A_503 : memref<1x64x128xf32, #tpu.memory_space<vmem>> -> memref<64x128xf32, #tpu.memory_space<vmem>>
    %dma_start3A_505 = arith.constant 0 : i32
    %dma_start3A_506 = tpu.memref_slice %arg5[%dma_start3A_499, %mul3A_2, %dma_start3A_505] : memref<16x2048x128xf32, #tpu.memory_space<hbm>> -> memref<1x64x128xf32, #tpu.memory_space<hbm>>
    %dma_start3A_507 = tpu.memref_squeeze %dma_start3A_506 : memref<1x64x128xf32, #tpu.memory_space<hbm>> -> memref<64x128xf32, #tpu.memory_space<hbm>>
    %dma_start3A_508 = tpu.memref_slice %arg10[%dma_start3A_500] : memref<6x!tpu.dma_semaphore, #tpu.memory_space<semaphore_mem>> -> memref<1x!tpu.dma_semaphore, #tpu.memory_space<semaphore_mem>>
    %dma_start3A_509 = tpu.memref_squeeze %dma_start3A_508 : memref<1x!tpu.dma_semaphore, #tpu.memory_space<semaphore_mem>> -> memref<!tpu.dma_semaphore, #tpu.memory_space<semaphore_mem>>
    %dma_start3A_510 = arith.constant 0 : i32
    %dma_start3A_511 = tpu.memref_slice %arg5[%dma_start3A_499, %mul3A_2, %dma_start3A_510] : memref<16x2048x128xf32, #tpu.memory_space<hbm>> -> memref<1x64x128xf32, #tpu.memory_space<hbm>>
    %dma_start3A_512 = tpu.memref_squeeze %dma_start3A_511 : memref<1x64x128xf32, #tpu.memory_space<hbm>> -> memref<64x128xf32, #tpu.memory_space<hbm>>
    %dma_start3A_513 = arith.constant 0 : i32
    %dma_start3A_514 = arith.constant 0 : i32
    %dma_start3A_515 = tpu.memref_slice %arg8[%dma_start3A_498, %dma_start3A_513, %dma_start3A_514] : memref<6x128x128xf32, #tpu.memory_space<vmem>> -> memref<1x64x128xf32, #tpu.memory_space<vmem>>
    %dma_start3A_516 = tpu.memref_squeeze %dma_start3A_515 : memref<1x64x128xf32, #tpu.memory_space<vmem>> -> memref<64x128xf32, #tpu.memory_space<vmem>>
    tpu.enqueue_dma source(%dma_start3A_516 : memref<64x128xf32, #tpu.memory_space<vmem>>) target(%dma_start3A_512 : memref<64x128xf32, #tpu.memory_space<hbm>>) target_semaphore(%dma_start3A_509 : memref<!tpu.dma_semaphore, #tpu.memory_space<semaphore_mem>>)
    %dma_start3A_517 = arith.constant 4 : i32
    %dma_start3A_518 = arith.constant 9 : i32
    %dma_start3A_519 = arith.constant 4 : i32
    %dma_start3A_520 = arith.constant 64 : i32
    %dma_start3A_521 = arith.constant 0 : i32
    %dma_start3A_522 = tpu.memref_slice %arg8[%dma_start3A_517, %dma_start3A_520, %dma_start3A_521] : memref<6x128x128xf32, #tpu.memory_space<vmem>> -> memref<1x64x128xf32, #tpu.memory_space<vmem>>
    %dma_start3A_523 = tpu.memref_squeeze %dma_start3A_522 : memref<1x64x128xf32, #tpu.memory_space<vmem>> -> memref<64x128xf32, #tpu.memory_space<vmem>>
    %dma_start3A_524 = arith.constant 0 : i32
    %dma_start3A_525 = tpu.memref_slice %arg5[%dma_start3A_518, %mul3A_2, %dma_start3A_524] : memref<16x2048x128xf32, #tpu.memory_space<hbm>> -> memref<1x64x128xf32, #tpu.memory_space<hbm>>
    %dma_start3A_526 = tpu.memref_squeeze %dma_start3A_525 : memref<1x64x128xf32, #tpu.memory_space<hbm>> -> memref<64x128xf32, #tpu.memory_space<hbm>>
    %dma_start3A_527 = tpu.memref_slice %arg10[%dma_start3A_519] : memref<6x!tpu.dma_semaphore, #tpu.memory_space<semaphore_mem>> -> memref<1x!tpu.dma_semaphore, #tpu.memory_space<semaphore_mem>>
    %dma_start3A_528 = tpu.memref_squeeze %dma_start3A_527 : memref<1x!tpu.dma_semaphore, #tpu.memory_space<semaphore_mem>> -> memref<!tpu.dma_semaphore, #tpu.memory_space<semaphore_mem>>
    %dma_start3A_529 = arith.constant 0 : i32
    %dma_start3A_530 = tpu.memref_slice %arg5[%dma_start3A_518, %mul3A_2, %dma_start3A_529] : memref<16x2048x128xf32, #tpu.memory_space<hbm>> -> memref<1x64x128xf32, #tpu.memory_space<hbm>>
    %dma_start3A_531 = tpu.memref_squeeze %dma_start3A_530 : memref<1x64x128xf32, #tpu.memory_space<hbm>> -> memref<64x128xf32, #tpu.memory_space<hbm>>
    %dma_start3A_532 = arith.constant 64 : i32
    %dma_start3A_533 = arith.constant 0 : i32
    %dma_start3A_534 = tpu.memref_slice %arg8[%dma_start3A_517, %dma_start3A_532, %dma_start3A_533] : memref<6x128x128xf32, #tpu.memory_space<vmem>> -> memref<1x64x128xf32, #tpu.memory_space<vmem>>
    %dma_start3A_535 = tpu.memref_squeeze %dma_start3A_534 : memref<1x64x128xf32, #tpu.memory_space<vmem>> -> memref<64x128xf32, #tpu.memory_space<vmem>>
    tpu.enqueue_dma source(%dma_start3A_535 : memref<64x128xf32, #tpu.memory_space<vmem>>) target(%dma_start3A_531 : memref<64x128xf32, #tpu.memory_space<hbm>>) target_semaphore(%dma_start3A_528 : memref<!tpu.dma_semaphore, #tpu.memory_space<semaphore_mem>>)
    %dma_wait3A_536 = arith.constant 5 : i32
    %dma_wait3A_537 = arith.constant 5 : i32
    %dma_wait3A_538 = arith.constant 5 : i32
    %dma_wait3A_539 = arith.constant 0 : i32
    %dma_wait3A_540 = arith.constant 0 : i32
    %dma_wait3A_541 = tpu.memref_slice %arg8[%dma_wait3A_537, %dma_wait3A_539, %dma_wait3A_540] : memref<6x128x128xf32, #tpu.memory_space<vmem>> -> memref<1x128x128xf32, #tpu.memory_space<vmem>>
    %dma_wait3A_542 = tpu.memref_squeeze %dma_wait3A_541 : memref<1x128x128xf32, #tpu.memory_space<vmem>> -> memref<128x128xf32, #tpu.memory_space<vmem>>
    %dma_wait3A_543 = arith.constant 0 : i32
    %dma_wait3A_544 = tpu.memref_slice %arg6[%dma_wait3A_536, %dma_wait3A_543] : memref<8x128xi32, #tpu.memory_space<vmem>> -> memref<1x128xi32, #tpu.memory_space<vmem>>
    %dma_wait3A_545 = tpu.memref_squeeze %dma_wait3A_544 : memref<1x128xi32, #tpu.memory_space<vmem>> -> memref<128xi32, #tpu.memory_space<vmem>>
    %dma_wait3A_546 = arith.constant 0 : i32
    %dma_wait3A_547 = arith.constant 0 : i32
    %dma_wait3A_548 = tpu.memref_slice %arg3[%dma_wait3A_546, %dma_wait3A_547] : memref<100000x128xf32, #tpu.memory_space<hbm>> -> memref<100000x128xf32, #tpu.memory_space<hbm>>
    %dma_wait3A_549 = tpu.memref_slice %arg9[%dma_wait3A_538] : memref<6x!tpu.dma_semaphore, #tpu.memory_space<semaphore_mem>> -> memref<1x!tpu.dma_semaphore, #tpu.memory_space<semaphore_mem>>
    %dma_wait3A_550 = tpu.memref_squeeze %dma_wait3A_549 : memref<1x!tpu.dma_semaphore, #tpu.memory_space<semaphore_mem>> -> memref<!tpu.dma_semaphore, #tpu.memory_space<semaphore_mem>>
    tpu.wait_indirect_dma semaphore(%dma_wait3A_550 : memref<!tpu.dma_semaphore, #tpu.memory_space<semaphore_mem>>) src(%dma_wait3A_548 : memref<100000x128xf32, #tpu.memory_space<hbm>>) dst(%dma_wait3A_542 : memref<128x128xf32, #tpu.memory_space<vmem>>)
    %scan3A_551 = arith.constant 0 : i32
    %scan3A_552 = arith.constant 5 : i32
    %scan3A_553 = arith.constant 0 : i32
    %scan3A_554 = arith.constant 128 : i32
    %scan3A_555 = arith.addi %scan3A_553, %scan3A_554 : i32
    %scan3A_556 = arith.constant 1 : i32
    scf.for %scan3A_944 = %scan3A_553 to %scan3A_555 step %scan3A_556  : i32 {
      %get3A = arith.constant 0 : i32
      %get3A_945 = arith.constant 0 : i32
      %get3A_946 = tpu.memref_slice %arg8[%scan3A_552, %get3A, %get3A_945] : memref<6x128x128xf32, #tpu.memory_space<vmem>> -> memref<1x128x128xf32, #tpu.memory_space<vmem>>
      %get3A_947 = tpu.memref_squeeze %get3A_946 : memref<1x128x128xf32, #tpu.memory_space<vmem>> -> memref<128x128xf32, #tpu.memory_space<vmem>>
      %get3A_948 = arith.index_cast %scan3A_944 : i32 to index
      %get3A_949 = arith.constant 0 : index
      %get3A_950 = tpu.vector_load %get3A_947[%get3A_948, %get3A_949] {strides = array<i32>} : memref<128x128xf32, #tpu.memory_space<vmem>>, vector<1x16xf32>,
      %get3A_951 = vector.shape_cast %get3A_950 : vector<1x16xf32> to vector<16xf32>
      %get3A_952 = arith.index_cast %scan3A_944 : i32 to index
      %get3A_953 = arith.constant 0 : index
      %get3A_954 = tpu.vector_load %arg7[%get3A_952, %get3A_953] {strides = array<i32>} : memref<128x128xf32, #tpu.memory_space<vmem>>, vector<1x16xf32>,
      %get3A_955 = vector.shape_cast %get3A_954 : vector<1x16xf32> to vector<16xf32>
      %add3A_956 = arith.addf %get3A_951, %get3A_955 : vector<16xf32>
      %swap3A = arith.constant 0 : i32
      %swap3A_957 = arith.constant 0 : i32
      %swap3A_958 = tpu.memref_slice %arg8[%scan3A_552, %swap3A, %swap3A_957] : memref<6x128x128xf32, #tpu.memory_space<vmem>> -> memref<1x128x128xf32, #tpu.memory_space<vmem>>
      %swap3A_959 = tpu.memref_squeeze %swap3A_958 : memref<1x128x128xf32, #tpu.memory_space<vmem>> -> memref<128x128xf32, #tpu.memory_space<vmem>>
      %swap3A_960 = arith.index_cast %scan3A_944 : i32 to index
      %swap3A_961 = arith.constant 0 : index
      %swap3A_962 = tpu.vector_load %swap3A_959[%swap3A_960, %swap3A_961] {strides = array<i32>} : memref<128x128xf32, #tpu.memory_space<vmem>>, vector<1x16xf32>,
      %swap3A_963 = vector.shape_cast %swap3A_962 : vector<1x16xf32> to vector<16xf32>
      %swap3A_964 = vector.shape_cast %add3A_956 : vector<16xf32> to vector<1x16xf32>
      tpu.vector_store %swap3A_959[%swap3A_960, %swap3A_961], %swap3A_964 {strides = array<i32>} : memref<128x128xf32, #tpu.memory_space<vmem>>, vector<1x16xf32>,
      %get3A_965 = arith.constant 0 : i32
      %get3A_966 = arith.constant 0 : i32
      %get3A_967 = tpu.memref_slice %arg8[%scan3A_552, %get3A_965, %get3A_966] : memref<6x128x128xf32, #tpu.memory_space<vmem>> -> memref<1x128x128xf32, #tpu.memory_space<vmem>>
      %get3A_968 = tpu.memref_squeeze %get3A_967 : memref<1x128x128xf32, #tpu.memory_space<vmem>> -> memref<128x128xf32, #tpu.memory_space<vmem>>
      %get3A_969 = arith.index_cast %scan3A_944 : i32 to index
      %get3A_970 = arith.constant 16 : index
      %get3A_971 = tpu.vector_load %get3A_968[%get3A_969, %get3A_970] {strides = array<i32>} : memref<128x128xf32, #tpu.memory_space<vmem>>, vector<1x16xf32>,
      %get3A_972 = vector.shape_cast %get3A_971 : vector<1x16xf32> to vector<16xf32>
      %get3A_973 = arith.index_cast %scan3A_944 : i32 to index
      %get3A_974 = arith.constant 16 : index
      %get3A_975 = tpu.vector_load %arg7[%get3A_973, %get3A_974] {strides = array<i32>} : memref<128x128xf32, #tpu.memory_space<vmem>>, vector<1x16xf32>,
      %get3A_976 = vector.shape_cast %get3A_975 : vector<1x16xf32> to vector<16xf32>
      %add3A_977 = arith.addf %get3A_972, %get3A_976 : vector<16xf32>
      %swap3A_978 = arith.constant 0 : i32
      %swap3A_979 = arith.constant 0 : i32
      %swap3A_980 = tpu.memref_slice %arg8[%scan3A_552, %swap3A_978, %swap3A_979] : memref<6x128x128xf32, #tpu.memory_space<vmem>> -> memref<1x128x128xf32, #tpu.memory_space<vmem>>
      %swap3A_981 = tpu.memref_squeeze %swap3A_980 : memref<1x128x128xf32, #tpu.memory_space<vmem>> -> memref<128x128xf32, #tpu.memory_space<vmem>>
      %swap3A_982 = arith.index_cast %scan3A_944 : i32 to index
      %swap3A_983 = arith.constant 16 : index
      %swap3A_984 = tpu.vector_load %swap3A_981[%swap3A_982, %swap3A_983] {strides = array<i32>} : memref<128x128xf32, #tpu.memory_space<vmem>>, vector<1x16xf32>,
      %swap3A_985 = vector.shape_cast %swap3A_984 : vector<1x16xf32> to vector<16xf32>
      %swap3A_986 = vector.shape_cast %add3A_977 : vector<16xf32> to vector<1x16xf32>
      tpu.vector_store %swap3A_981[%swap3A_982, %swap3A_983], %swap3A_986 {strides = array<i32>} : memref<128x128xf32, #tpu.memory_space<vmem>>, vector<1x16xf32>,
      %get3A_987 = arith.constant 0 : i32
      %get3A_988 = arith.constant 0 : i32
      %get3A_989 = tpu.memref_slice %arg8[%scan3A_552, %get3A_987, %get3A_988] : memref<6x128x128xf32, #tpu.memory_space<vmem>> -> memref<1x128x128xf32, #tpu.memory_space<vmem>>
      %get3A_990 = tpu.memref_squeeze %get3A_989 : memref<1x128x128xf32, #tpu.memory_space<vmem>> -> memref<128x128xf32, #tpu.memory_space<vmem>>
      %get3A_991 = arith.index_cast %scan3A_944 : i32 to index
      %get3A_992 = arith.constant 32 : index
      %get3A_993 = tpu.vector_load %get3A_990[%get3A_991, %get3A_992] {strides = array<i32>} : memref<128x128xf32, #tpu.memory_space<vmem>>, vector<1x16xf32>,
      %get3A_994 = vector.shape_cast %get3A_993 : vector<1x16xf32> to vector<16xf32>
      %get3A_995 = arith.index_cast %scan3A_944 : i32 to index
      %get3A_996 = arith.constant 32 : index
      %get3A_997 = tpu.vector_load %arg7[%get3A_995, %get3A_996] {strides = array<i32>} : memref<128x128xf32, #tpu.memory_space<vmem>>, vector<1x16xf32>,
      %get3A_998 = vector.shape_cast %get3A_997 : vector<1x16xf32> to vector<16xf32>
      %add3A_999 = arith.addf %get3A_994, %get3A_998 : vector<16xf32>
      %swap3A_1000 = arith.constant 0 : i32
      %swap3A_1001 = arith.constant 0 : i32
      %swap3A_1002 = tpu.memref_slice %arg8[%scan3A_552, %swap3A_1000, %swap3A_1001] : memref<6x128x128xf32, #tpu.memory_space<vmem>> -> memref<1x128x128xf32, #tpu.memory_space<vmem>>
      %swap3A_1003 = tpu.memref_squeeze %swap3A_1002 : memref<1x128x128xf32, #tpu.memory_space<vmem>> -> memref<128x128xf32, #tpu.memory_space<vmem>>
      %swap3A_1004 = arith.index_cast %scan3A_944 : i32 to index
      %swap3A_1005 = arith.constant 32 : index
      %swap3A_1006 = tpu.vector_load %swap3A_1003[%swap3A_1004, %swap3A_1005] {strides = array<i32>} : memref<128x128xf32, #tpu.memory_space<vmem>>, vector<1x16xf32>,
      %swap3A_1007 = vector.shape_cast %swap3A_1006 : vector<1x16xf32> to vector<16xf32>
      %swap3A_1008 = vector.shape_cast %add3A_999 : vector<16xf32> to vector<1x16xf32>
      tpu.vector_store %swap3A_1003[%swap3A_1004, %swap3A_1005], %swap3A_1008 {strides = array<i32>} : memref<128x128xf32, #tpu.memory_space<vmem>>, vector<1x16xf32>,
      %get3A_1009 = arith.constant 0 : i32
      %get3A_1010 = arith.constant 0 : i32
      %get3A_1011 = tpu.memref_slice %arg8[%scan3A_552, %get3A_1009, %get3A_1010] : memref<6x128x128xf32, #tpu.memory_space<vmem>> -> memref<1x128x128xf32, #tpu.memory_space<vmem>>
      %get3A_1012 = tpu.memref_squeeze %get3A_1011 : memref<1x128x128xf32, #tpu.memory_space<vmem>> -> memref<128x128xf32, #tpu.memory_space<vmem>>
      %get3A_1013 = arith.index_cast %scan3A_944 : i32 to index
      %get3A_1014 = arith.constant 48 : index
      %get3A_1015 = tpu.vector_load %get3A_1012[%get3A_1013, %get3A_1014] {strides = array<i32>} : memref<128x128xf32, #tpu.memory_space<vmem>>, vector<1x16xf32>,
      %get3A_1016 = vector.shape_cast %get3A_1015 : vector<1x16xf32> to vector<16xf32>
      %get3A_1017 = arith.index_cast %scan3A_944 : i32 to index
      %get3A_1018 = arith.constant 48 : index
      %get3A_1019 = tpu.vector_load %arg7[%get3A_1017, %get3A_1018] {strides = array<i32>} : memref<128x128xf32, #tpu.memory_space<vmem>>, vector<1x16xf32>,
      %get3A_1020 = vector.shape_cast %get3A_1019 : vector<1x16xf32> to vector<16xf32>
      %add3A_1021 = arith.addf %get3A_1016, %get3A_1020 : vector<16xf32>
      %swap3A_1022 = arith.constant 0 : i32
      %swap3A_1023 = arith.constant 0 : i32
      %swap3A_1024 = tpu.memref_slice %arg8[%scan3A_552, %swap3A_1022, %swap3A_1023] : memref<6x128x128xf32, #tpu.memory_space<vmem>> -> memref<1x128x128xf32, #tpu.memory_space<vmem>>
      %swap3A_1025 = tpu.memref_squeeze %swap3A_1024 : memref<1x128x128xf32, #tpu.memory_space<vmem>> -> memref<128x128xf32, #tpu.memory_space<vmem>>
      %swap3A_1026 = arith.index_cast %scan3A_944 : i32 to index
      %swap3A_1027 = arith.constant 48 : index
      %swap3A_1028 = tpu.vector_load %swap3A_1025[%swap3A_1026, %swap3A_1027] {strides = array<i32>} : memref<128x128xf32, #tpu.memory_space<vmem>>, vector<1x16xf32>,
      %swap3A_1029 = vector.shape_cast %swap3A_1028 : vector<1x16xf32> to vector<16xf32>
      %swap3A_1030 = vector.shape_cast %add3A_1021 : vector<16xf32> to vector<1x16xf32>
      tpu.vector_store %swap3A_1025[%swap3A_1026, %swap3A_1027], %swap3A_1030 {strides = array<i32>} : memref<128x128xf32, #tpu.memory_space<vmem>>, vector<1x16xf32>,
      %get3A_1031 = arith.constant 0 : i32
      %get3A_1032 = arith.constant 0 : i32
      %get3A_1033 = tpu.memref_slice %arg8[%scan3A_552, %get3A_1031, %get3A_1032] : memref<6x128x128xf32, #tpu.memory_space<vmem>> -> memref<1x128x128xf32, #tpu.memory_space<vmem>>
      %get3A_1034 = tpu.memref_squeeze %get3A_1033 : memref<1x128x128xf32, #tpu.memory_space<vmem>> -> memref<128x128xf32, #tpu.memory_space<vmem>>
      %get3A_1035 = arith.index_cast %scan3A_944 : i32 to index
      %get3A_1036 = arith.constant 64 : index
      %get3A_1037 = tpu.vector_load %get3A_1034[%get3A_1035, %get3A_1036] {strides = array<i32>} : memref<128x128xf32, #tpu.memory_space<vmem>>, vector<1x16xf32>,
      %get3A_1038 = vector.shape_cast %get3A_1037 : vector<1x16xf32> to vector<16xf32>
      %get3A_1039 = arith.index_cast %scan3A_944 : i32 to index
      %get3A_1040 = arith.constant 64 : index
      %get3A_1041 = tpu.vector_load %arg7[%get3A_1039, %get3A_1040] {strides = array<i32>} : memref<128x128xf32, #tpu.memory_space<vmem>>, vector<1x16xf32>,
      %get3A_1042 = vector.shape_cast %get3A_1041 : vector<1x16xf32> to vector<16xf32>
      %add3A_1043 = arith.addf %get3A_1038, %get3A_1042 : vector<16xf32>
      %swap3A_1044 = arith.constant 0 : i32
      %swap3A_1045 = arith.constant 0 : i32
      %swap3A_1046 = tpu.memref_slice %arg8[%scan3A_552, %swap3A_1044, %swap3A_1045] : memref<6x128x128xf32, #tpu.memory_space<vmem>> -> memref<1x128x128xf32, #tpu.memory_space<vmem>>
      %swap3A_1047 = tpu.memref_squeeze %swap3A_1046 : memref<1x128x128xf32, #tpu.memory_space<vmem>> -> memref<128x128xf32, #tpu.memory_space<vmem>>
      %swap3A_1048 = arith.index_cast %scan3A_944 : i32 to index
      %swap3A_1049 = arith.constant 64 : index
      %swap3A_1050 = tpu.vector_load %swap3A_1047[%swap3A_1048, %swap3A_1049] {strides = array<i32>} : memref<128x128xf32, #tpu.memory_space<vmem>>, vector<1x16xf32>,
      %swap3A_1051 = vector.shape_cast %swap3A_1050 : vector<1x16xf32> to vector<16xf32>
      %swap3A_1052 = vector.shape_cast %add3A_1043 : vector<16xf32> to vector<1x16xf32>
      tpu.vector_store %swap3A_1047[%swap3A_1048, %swap3A_1049], %swap3A_1052 {strides = array<i32>} : memref<128x128xf32, #tpu.memory_space<vmem>>, vector<1x16xf32>,
      %get3A_1053 = arith.constant 0 : i32
      %get3A_1054 = arith.constant 0 : i32
      %get3A_1055 = tpu.memref_slice %arg8[%scan3A_552, %get3A_1053, %get3A_1054] : memref<6x128x128xf32, #tpu.memory_space<vmem>> -> memref<1x128x128xf32, #tpu.memory_space<vmem>>
      %get3A_1056 = tpu.memref_squeeze %get3A_1055 : memref<1x128x128xf32, #tpu.memory_space<vmem>> -> memref<128x128xf32, #tpu.memory_space<vmem>>
      %get3A_1057 = arith.index_cast %scan3A_944 : i32 to index
      %get3A_1058 = arith.constant 80 : index
      %get3A_1059 = tpu.vector_load %get3A_1056[%get3A_1057, %get3A_1058] {strides = array<i32>} : memref<128x128xf32, #tpu.memory_space<vmem>>, vector<1x16xf32>,
      %get3A_1060 = vector.shape_cast %get3A_1059 : vector<1x16xf32> to vector<16xf32>
      %get3A_1061 = arith.index_cast %scan3A_944 : i32 to index
      %get3A_1062 = arith.constant 80 : index
      %get3A_1063 = tpu.vector_load %arg7[%get3A_1061, %get3A_1062] {strides = array<i32>} : memref<128x128xf32, #tpu.memory_space<vmem>>, vector<1x16xf32>,
      %get3A_1064 = vector.shape_cast %get3A_1063 : vector<1x16xf32> to vector<16xf32>
      %add3A_1065 = arith.addf %get3A_1060, %get3A_1064 : vector<16xf32>
      %swap3A_1066 = arith.constant 0 : i32
      %swap3A_1067 = arith.constant 0 : i32
      %swap3A_1068 = tpu.memref_slice %arg8[%scan3A_552, %swap3A_1066, %swap3A_1067] : memref<6x128x128xf32, #tpu.memory_space<vmem>> -> memref<1x128x128xf32, #tpu.memory_space<vmem>>
      %swap3A_1069 = tpu.memref_squeeze %swap3A_1068 : memref<1x128x128xf32, #tpu.memory_space<vmem>> -> memref<128x128xf32, #tpu.memory_space<vmem>>
      %swap3A_1070 = arith.index_cast %scan3A_944 : i32 to index
      %swap3A_1071 = arith.constant 80 : index
      %swap3A_1072 = tpu.vector_load %swap3A_1069[%swap3A_1070, %swap3A_1071] {strides = array<i32>} : memref<128x128xf32, #tpu.memory_space<vmem>>, vector<1x16xf32>,
      %swap3A_1073 = vector.shape_cast %swap3A_1072 : vector<1x16xf32> to vector<16xf32>
      %swap3A_1074 = vector.shape_cast %add3A_1065 : vector<16xf32> to vector<1x16xf32>
      tpu.vector_store %swap3A_1069[%swap3A_1070, %swap3A_1071], %swap3A_1074 {strides = array<i32>} : memref<128x128xf32, #tpu.memory_space<vmem>>, vector<1x16xf32>,
      %get3A_1075 = arith.constant 0 : i32
      %get3A_1076 = arith.constant 0 : i32
      %get3A_1077 = tpu.memref_slice %arg8[%scan3A_552, %get3A_1075, %get3A_1076] : memref<6x128x128xf32, #tpu.memory_space<vmem>> -> memref<1x128x128xf32, #tpu.memory_space<vmem>>
      %get3A_1078 = tpu.memref_squeeze %get3A_1077 : memref<1x128x128xf32, #tpu.memory_space<vmem>> -> memref<128x128xf32, #tpu.memory_space<vmem>>
      %get3A_1079 = arith.index_cast %scan3A_944 : i32 to index
      %get3A_1080 = arith.constant 96 : index
      %get3A_1081 = tpu.vector_load %get3A_1078[%get3A_1079, %get3A_1080] {strides = array<i32>} : memref<128x128xf32, #tpu.memory_space<vmem>>, vector<1x16xf32>,
      %get3A_1082 = vector.shape_cast %get3A_1081 : vector<1x16xf32> to vector<16xf32>
      %get3A_1083 = arith.index_cast %scan3A_944 : i32 to index
      %get3A_1084 = arith.constant 96 : index
      %get3A_1085 = tpu.vector_load %arg7[%get3A_1083, %get3A_1084] {strides = array<i32>} : memref<128x128xf32, #tpu.memory_space<vmem>>, vector<1x16xf32>,
      %get3A_1086 = vector.shape_cast %get3A_1085 : vector<1x16xf32> to vector<16xf32>
      %add3A_1087 = arith.addf %get3A_1082, %get3A_1086 : vector<16xf32>
      %swap3A_1088 = arith.constant 0 : i32
      %swap3A_1089 = arith.constant 0 : i32
      %swap3A_1090 = tpu.memref_slice %arg8[%scan3A_552, %swap3A_1088, %swap3A_1089] : memref<6x128x128xf32, #tpu.memory_space<vmem>> -> memref<1x128x128xf32, #tpu.memory_space<vmem>>
      %swap3A_1091 = tpu.memref_squeeze %swap3A_1090 : memref<1x128x128xf32, #tpu.memory_space<vmem>> -> memref<128x128xf32, #tpu.memory_space<vmem>>
      %swap3A_1092 = arith.index_cast %scan3A_944 : i32 to index
      %swap3A_1093 = arith.constant 96 : index
      %swap3A_1094 = tpu.vector_load %swap3A_1091[%swap3A_1092, %swap3A_1093] {strides = array<i32>} : memref<128x128xf32, #tpu.memory_space<vmem>>, vector<1x16xf32>,
      %swap3A_1095 = vector.shape_cast %swap3A_1094 : vector<1x16xf32> to vector<16xf32>
      %swap3A_1096 = vector.shape_cast %add3A_1087 : vector<16xf32> to vector<1x16xf32>
      tpu.vector_store %swap3A_1091[%swap3A_1092, %swap3A_1093], %swap3A_1096 {strides = array<i32>} : memref<128x128xf32, #tpu.memory_space<vmem>>, vector<1x16xf32>,
      %get3A_1097 = arith.constant 0 : i32
      %get3A_1098 = arith.constant 0 : i32
      %get3A_1099 = tpu.memref_slice %arg8[%scan3A_552, %get3A_1097, %get3A_1098] : memref<6x128x128xf32, #tpu.memory_space<vmem>> -> memref<1x128x128xf32, #tpu.memory_space<vmem>>
      %get3A_1100 = tpu.memref_squeeze %get3A_1099 : memref<1x128x128xf32, #tpu.memory_space<vmem>> -> memref<128x128xf32, #tpu.memory_space<vmem>>
      %get3A_1101 = arith.index_cast %scan3A_944 : i32 to index
      %get3A_1102 = arith.constant 112 : index
      %get3A_1103 = tpu.vector_load %get3A_1100[%get3A_1101, %get3A_1102] {strides = array<i32>} : memref<128x128xf32, #tpu.memory_space<vmem>>, vector<1x16xf32>,
      %get3A_1104 = vector.shape_cast %get3A_1103 : vector<1x16xf32> to vector<16xf32>
      %get3A_1105 = arith.index_cast %scan3A_944 : i32 to index
      %get3A_1106 = arith.constant 112 : index
      %get3A_1107 = tpu.vector_load %arg7[%get3A_1105, %get3A_1106] {strides = array<i32>} : memref<128x128xf32, #tpu.memory_space<vmem>>, vector<1x16xf32>,
      %get3A_1108 = vector.shape_cast %get3A_1107 : vector<1x16xf32> to vector<16xf32>
      %add3A_1109 = arith.addf %get3A_1104, %get3A_1108 : vector<16xf32>
      %swap3A_1110 = arith.constant 0 : i32
      %swap3A_1111 = arith.constant 0 : i32
      %swap3A_1112 = tpu.memref_slice %arg8[%scan3A_552, %swap3A_1110, %swap3A_1111] : memref<6x128x128xf32, #tpu.memory_space<vmem>> -> memref<1x128x128xf32, #tpu.memory_space<vmem>>
      %swap3A_1113 = tpu.memref_squeeze %swap3A_1112 : memref<1x128x128xf32, #tpu.memory_space<vmem>> -> memref<128x128xf32, #tpu.memory_space<vmem>>
      %swap3A_1114 = arith.index_cast %scan3A_944 : i32 to index
      %swap3A_1115 = arith.constant 112 : index
      %swap3A_1116 = tpu.vector_load %swap3A_1113[%swap3A_1114, %swap3A_1115] {strides = array<i32>} : memref<128x128xf32, #tpu.memory_space<vmem>>, vector<1x16xf32>,
      %swap3A_1117 = vector.shape_cast %swap3A_1116 : vector<1x16xf32> to vector<16xf32>
      %swap3A_1118 = vector.shape_cast %add3A_1109 : vector<16xf32> to vector<1x16xf32>
      tpu.vector_store %swap3A_1113[%swap3A_1114, %swap3A_1115], %swap3A_1118 {strides = array<i32>} : memref<128x128xf32, #tpu.memory_space<vmem>>, vector<1x16xf32>,
    }
    %scan3A_557 = arith.constant 128 : i32
    %dma_start3A_558 = arith.constant 5 : i32
    %dma_start3A_559 = arith.constant 10 : i32
    %dma_start3A_560 = arith.constant 5 : i32
    %dma_start3A_561 = arith.constant 0 : i32
    %dma_start3A_562 = arith.constant 0 : i32
    %dma_start3A_563 = tpu.memref_slice %arg8[%dma_start3A_558, %dma_start3A_561, %dma_start3A_562] : memref<6x128x128xf32, #tpu.memory_space<vmem>> -> memref<1x64x128xf32, #tpu.memory_space<vmem>>
    %dma_start3A_564 = tpu.memref_squeeze %dma_start3A_563 : memref<1x64x128xf32, #tpu.memory_space<vmem>> -> memref<64x128xf32, #tpu.memory_space<vmem>>
    %dma_start3A_565 = arith.constant 0 : i32
    %dma_start3A_566 = tpu.memref_slice %arg5[%dma_start3A_559, %mul3A_2, %dma_start3A_565] : memref<16x2048x128xf32, #tpu.memory_space<hbm>> -> memref<1x64x128xf32, #tpu.memory_space<hbm>>
    %dma_start3A_567 = tpu.memref_squeeze %dma_start3A_566 : memref<1x64x128xf32, #tpu.memory_space<hbm>> -> memref<64x128xf32, #tpu.memory_space<hbm>>
    %dma_start3A_568 = tpu.memref_slice %arg10[%dma_start3A_560] : memref<6x!tpu.dma_semaphore, #tpu.memory_space<semaphore_mem>> -> memref<1x!tpu.dma_semaphore, #tpu.memory_space<semaphore_mem>>
    %dma_start3A_569 = tpu.memref_squeeze %dma_start3A_568 : memref<1x!tpu.dma_semaphore, #tpu.memory_space<semaphore_mem>> -> memref<!tpu.dma_semaphore, #tpu.memory_space<semaphore_mem>>
    %dma_start3A_570 = arith.constant 0 : i32
    %dma_start3A_571 = tpu.memref_slice %arg5[%dma_start3A_559, %mul3A_2, %dma_start3A_570] : memref<16x2048x128xf32, #tpu.memory_space<hbm>> -> memref<1x64x128xf32, #tpu.memory_space<hbm>>
    %dma_start3A_572 = tpu.memref_squeeze %dma_start3A_571 : memref<1x64x128xf32, #tpu.memory_space<hbm>> -> memref<64x128xf32, #tpu.memory_space<hbm>>
    %dma_start3A_573 = arith.constant 0 : i32
    %dma_start3A_574 = arith.constant 0 : i32
    %dma_start3A_575 = tpu.memref_slice %arg8[%dma_start3A_558, %dma_start3A_573, %dma_start3A_574] : memref<6x128x128xf32, #tpu.memory_space<vmem>> -> memref<1x64x128xf32, #tpu.memory_space<vmem>>
    %dma_start3A_576 = tpu.memref_squeeze %dma_start3A_575 : memref<1x64x128xf32, #tpu.memory_space<vmem>> -> memref<64x128xf32, #tpu.memory_space<vmem>>
    tpu.enqueue_dma source(%dma_start3A_576 : memref<64x128xf32, #tpu.memory_space<vmem>>) target(%dma_start3A_572 : memref<64x128xf32, #tpu.memory_space<hbm>>) target_semaphore(%dma_start3A_569 : memref<!tpu.dma_semaphore, #tpu.memory_space<semaphore_mem>>)
    %dma_start3A_577 = arith.constant 5 : i32
    %dma_start3A_578 = arith.constant 11 : i32
    %dma_start3A_579 = arith.constant 5 : i32
    %dma_start3A_580 = arith.constant 64 : i32
    %dma_start3A_581 = arith.constant 0 : i32
    %dma_start3A_582 = tpu.memref_slice %arg8[%dma_start3A_577, %dma_start3A_580, %dma_start3A_581] : memref<6x128x128xf32, #tpu.memory_space<vmem>> -> memref<1x64x128xf32, #tpu.memory_space<vmem>>
    %dma_start3A_583 = tpu.memref_squeeze %dma_start3A_582 : memref<1x64x128xf32, #tpu.memory_space<vmem>> -> memref<64x128xf32, #tpu.memory_space<vmem>>
    %dma_start3A_584 = arith.constant 0 : i32
    %dma_start3A_585 = tpu.memref_slice %arg5[%dma_start3A_578, %mul3A_2, %dma_start3A_584] : memref<16x2048x128xf32, #tpu.memory_space<hbm>> -> memref<1x64x128xf32, #tpu.memory_space<hbm>>
    %dma_start3A_586 = tpu.memref_squeeze %dma_start3A_585 : memref<1x64x128xf32, #tpu.memory_space<hbm>> -> memref<64x128xf32, #tpu.memory_space<hbm>>
    %dma_start3A_587 = tpu.memref_slice %arg10[%dma_start3A_579] : memref<6x!tpu.dma_semaphore, #tpu.memory_space<semaphore_mem>> -> memref<1x!tpu.dma_semaphore, #tpu.memory_space<semaphore_mem>>
    %dma_start3A_588 = tpu.memref_squeeze %dma_start3A_587 : memref<1x!tpu.dma_semaphore, #tpu.memory_space<semaphore_mem>> -> memref<!tpu.dma_semaphore, #tpu.memory_space<semaphore_mem>>
    %dma_start3A_589 = arith.constant 0 : i32
    %dma_start3A_590 = tpu.memref_slice %arg5[%dma_start3A_578, %mul3A_2, %dma_start3A_589] : memref<16x2048x128xf32, #tpu.memory_space<hbm>> -> memref<1x64x128xf32, #tpu.memory_space<hbm>>
    %dma_start3A_591 = tpu.memref_squeeze %dma_start3A_590 : memref<1x64x128xf32, #tpu.memory_space<hbm>> -> memref<64x128xf32, #tpu.memory_space<hbm>>
    %dma_start3A_592 = arith.constant 64 : i32
    %dma_start3A_593 = arith.constant 0 : i32
    %dma_start3A_594 = tpu.memref_slice %arg8[%dma_start3A_577, %dma_start3A_592, %dma_start3A_593] : memref<6x128x128xf32, #tpu.memory_space<vmem>> -> memref<1x64x128xf32, #tpu.memory_space<vmem>>
    %dma_start3A_595 = tpu.memref_squeeze %dma_start3A_594 : memref<1x64x128xf32, #tpu.memory_space<vmem>> -> memref<64x128xf32, #tpu.memory_space<vmem>>
    tpu.enqueue_dma source(%dma_start3A_595 : memref<64x128xf32, #tpu.memory_space<vmem>>) target(%dma_start3A_591 : memref<64x128xf32, #tpu.memory_space<hbm>>) target_semaphore(%dma_start3A_588 : memref<!tpu.dma_semaphore, #tpu.memory_space<semaphore_mem>>)
    %dma_wait3A_596 = arith.constant 6 : i32
    %dma_wait3A_597 = arith.constant 0 : i32
    %dma_wait3A_598 = arith.constant 0 : i32
    %dma_wait3A_599 = arith.constant 0 : i32
    %dma_wait3A_600 = arith.constant 0 : i32
    %dma_wait3A_601 = tpu.memref_slice %arg8[%dma_wait3A_597, %dma_wait3A_599, %dma_wait3A_600] : memref<6x128x128xf32, #tpu.memory_space<vmem>> -> memref<1x128x128xf32, #tpu.memory_space<vmem>>
    %dma_wait3A_602 = tpu.memref_squeeze %dma_wait3A_601 : memref<1x128x128xf32, #tpu.memory_space<vmem>> -> memref<128x128xf32, #tpu.memory_space<vmem>>
    %dma_wait3A_603 = arith.constant 0 : i32
    %dma_wait3A_604 = tpu.memref_slice %arg6[%dma_wait3A_596, %dma_wait3A_603] : memref<8x128xi32, #tpu.memory_space<vmem>> -> memref<1x128xi32, #tpu.memory_space<vmem>>
    %dma_wait3A_605 = tpu.memref_squeeze %dma_wait3A_604 : memref<1x128xi32, #tpu.memory_space<vmem>> -> memref<128xi32, #tpu.memory_space<vmem>>
    %dma_wait3A_606 = arith.constant 0 : i32
    %dma_wait3A_607 = arith.constant 0 : i32
    %dma_wait3A_608 = tpu.memref_slice %arg3[%dma_wait3A_606, %dma_wait3A_607] : memref<100000x128xf32, #tpu.memory_space<hbm>> -> memref<100000x128xf32, #tpu.memory_space<hbm>>
    %dma_wait3A_609 = tpu.memref_slice %arg9[%dma_wait3A_598] : memref<6x!tpu.dma_semaphore, #tpu.memory_space<semaphore_mem>> -> memref<1x!tpu.dma_semaphore, #tpu.memory_space<semaphore_mem>>
    %dma_wait3A_610 = tpu.memref_squeeze %dma_wait3A_609 : memref<1x!tpu.dma_semaphore, #tpu.memory_space<semaphore_mem>> -> memref<!tpu.dma_semaphore, #tpu.memory_space<semaphore_mem>>
    tpu.wait_indirect_dma semaphore(%dma_wait3A_610 : memref<!tpu.dma_semaphore, #tpu.memory_space<semaphore_mem>>) src(%dma_wait3A_608 : memref<100000x128xf32, #tpu.memory_space<hbm>>) dst(%dma_wait3A_602 : memref<128x128xf32, #tpu.memory_space<vmem>>)
    %scan3A_611 = arith.constant 0 : i32
    %scan3A_612 = arith.constant 0 : i32
    %scan3A_613 = arith.constant 0 : i32
    %scan3A_614 = arith.constant 128 : i32
    %scan3A_615 = arith.addi %scan3A_613, %scan3A_614 : i32
    %scan3A_616 = arith.constant 1 : i32
    scf.for %scan3A_944 = %scan3A_613 to %scan3A_615 step %scan3A_616  : i32 {
      %get3A = arith.constant 0 : i32
      %get3A_945 = arith.constant 0 : i32
      %get3A_946 = tpu.memref_slice %arg8[%scan3A_612, %get3A, %get3A_945] : memref<6x128x128xf32, #tpu.memory_space<vmem>> -> memref<1x128x128xf32, #tpu.memory_space<vmem>>
      %get3A_947 = tpu.memref_squeeze %get3A_946 : memref<1x128x128xf32, #tpu.memory_space<vmem>> -> memref<128x128xf32, #tpu.memory_space<vmem>>
      %get3A_948 = arith.index_cast %scan3A_944 : i32 to index
      %get3A_949 = arith.constant 0 : index
      %get3A_950 = tpu.vector_load %get3A_947[%get3A_948, %get3A_949] {strides = array<i32>} : memref<128x128xf32, #tpu.memory_space<vmem>>, vector<1x16xf32>,
      %get3A_951 = vector.shape_cast %get3A_950 : vector<1x16xf32> to vector<16xf32>
      %get3A_952 = arith.index_cast %scan3A_944 : i32 to index
      %get3A_953 = arith.constant 0 : index
      %get3A_954 = tpu.vector_load %arg7[%get3A_952, %get3A_953] {strides = array<i32>} : memref<128x128xf32, #tpu.memory_space<vmem>>, vector<1x16xf32>,
      %get3A_955 = vector.shape_cast %get3A_954 : vector<1x16xf32> to vector<16xf32>
      %add3A_956 = arith.addf %get3A_951, %get3A_955 : vector<16xf32>
      %swap3A = arith.constant 0 : i32
      %swap3A_957 = arith.constant 0 : i32
      %swap3A_958 = tpu.memref_slice %arg8[%scan3A_612, %swap3A, %swap3A_957] : memref<6x128x128xf32, #tpu.memory_space<vmem>> -> memref<1x128x128xf32, #tpu.memory_space<vmem>>
      %swap3A_959 = tpu.memref_squeeze %swap3A_958 : memref<1x128x128xf32, #tpu.memory_space<vmem>> -> memref<128x128xf32, #tpu.memory_space<vmem>>
      %swap3A_960 = arith.index_cast %scan3A_944 : i32 to index
      %swap3A_961 = arith.constant 0 : index
      %swap3A_962 = tpu.vector_load %swap3A_959[%swap3A_960, %swap3A_961] {strides = array<i32>} : memref<128x128xf32, #tpu.memory_space<vmem>>, vector<1x16xf32>,
      %swap3A_963 = vector.shape_cast %swap3A_962 : vector<1x16xf32> to vector<16xf32>
      %swap3A_964 = vector.shape_cast %add3A_956 : vector<16xf32> to vector<1x16xf32>
      tpu.vector_store %swap3A_959[%swap3A_960, %swap3A_961], %swap3A_964 {strides = array<i32>} : memref<128x128xf32, #tpu.memory_space<vmem>>, vector<1x16xf32>,
      %get3A_965 = arith.constant 0 : i32
      %get3A_966 = arith.constant 0 : i32
      %get3A_967 = tpu.memref_slice %arg8[%scan3A_612, %get3A_965, %get3A_966] : memref<6x128x128xf32, #tpu.memory_space<vmem>> -> memref<1x128x128xf32, #tpu.memory_space<vmem>>
      %get3A_968 = tpu.memref_squeeze %get3A_967 : memref<1x128x128xf32, #tpu.memory_space<vmem>> -> memref<128x128xf32, #tpu.memory_space<vmem>>
      %get3A_969 = arith.index_cast %scan3A_944 : i32 to index
      %get3A_970 = arith.constant 16 : index
      %get3A_971 = tpu.vector_load %get3A_968[%get3A_969, %get3A_970] {strides = array<i32>} : memref<128x128xf32, #tpu.memory_space<vmem>>, vector<1x16xf32>,
      %get3A_972 = vector.shape_cast %get3A_971 : vector<1x16xf32> to vector<16xf32>
      %get3A_973 = arith.index_cast %scan3A_944 : i32 to index
      %get3A_974 = arith.constant 16 : index
      %get3A_975 = tpu.vector_load %arg7[%get3A_973, %get3A_974] {strides = array<i32>} : memref<128x128xf32, #tpu.memory_space<vmem>>, vector<1x16xf32>,
      %get3A_976 = vector.shape_cast %get3A_975 : vector<1x16xf32> to vector<16xf32>
      %add3A_977 = arith.addf %get3A_972, %get3A_976 : vector<16xf32>
      %swap3A_978 = arith.constant 0 : i32
      %swap3A_979 = arith.constant 0 : i32
      %swap3A_980 = tpu.memref_slice %arg8[%scan3A_612, %swap3A_978, %swap3A_979] : memref<6x128x128xf32, #tpu.memory_space<vmem>> -> memref<1x128x128xf32, #tpu.memory_space<vmem>>
      %swap3A_981 = tpu.memref_squeeze %swap3A_980 : memref<1x128x128xf32, #tpu.memory_space<vmem>> -> memref<128x128xf32, #tpu.memory_space<vmem>>
      %swap3A_982 = arith.index_cast %scan3A_944 : i32 to index
      %swap3A_983 = arith.constant 16 : index
      %swap3A_984 = tpu.vector_load %swap3A_981[%swap3A_982, %swap3A_983] {strides = array<i32>} : memref<128x128xf32, #tpu.memory_space<vmem>>, vector<1x16xf32>,
      %swap3A_985 = vector.shape_cast %swap3A_984 : vector<1x16xf32> to vector<16xf32>
      %swap3A_986 = vector.shape_cast %add3A_977 : vector<16xf32> to vector<1x16xf32>
      tpu.vector_store %swap3A_981[%swap3A_982, %swap3A_983], %swap3A_986 {strides = array<i32>} : memref<128x128xf32, #tpu.memory_space<vmem>>, vector<1x16xf32>,
      %get3A_987 = arith.constant 0 : i32
      %get3A_988 = arith.constant 0 : i32
      %get3A_989 = tpu.memref_slice %arg8[%scan3A_612, %get3A_987, %get3A_988] : memref<6x128x128xf32, #tpu.memory_space<vmem>> -> memref<1x128x128xf32, #tpu.memory_space<vmem>>
      %get3A_990 = tpu.memref_squeeze %get3A_989 : memref<1x128x128xf32, #tpu.memory_space<vmem>> -> memref<128x128xf32, #tpu.memory_space<vmem>>
      %get3A_991 = arith.index_cast %scan3A_944 : i32 to index
      %get3A_992 = arith.constant 32 : index
      %get3A_993 = tpu.vector_load %get3A_990[%get3A_991, %get3A_992] {strides = array<i32>} : memref<128x128xf32, #tpu.memory_space<vmem>>, vector<1x16xf32>,
      %get3A_994 = vector.shape_cast %get3A_993 : vector<1x16xf32> to vector<16xf32>
      %get3A_995 = arith.index_cast %scan3A_944 : i32 to index
      %get3A_996 = arith.constant 32 : index
      %get3A_997 = tpu.vector_load %arg7[%get3A_995, %get3A_996] {strides = array<i32>} : memref<128x128xf32, #tpu.memory_space<vmem>>, vector<1x16xf32>,
      %get3A_998 = vector.shape_cast %get3A_997 : vector<1x16xf32> to vector<16xf32>
      %add3A_999 = arith.addf %get3A_994, %get3A_998 : vector<16xf32>
      %swap3A_1000 = arith.constant 0 : i32
      %swap3A_1001 = arith.constant 0 : i32
      %swap3A_1002 = tpu.memref_slice %arg8[%scan3A_612, %swap3A_1000, %swap3A_1001] : memref<6x128x128xf32, #tpu.memory_space<vmem>> -> memref<1x128x128xf32, #tpu.memory_space<vmem>>
      %swap3A_1003 = tpu.memref_squeeze %swap3A_1002 : memref<1x128x128xf32, #tpu.memory_space<vmem>> -> memref<128x128xf32, #tpu.memory_space<vmem>>
      %swap3A_1004 = arith.index_cast %scan3A_944 : i32 to index
      %swap3A_1005 = arith.constant 32 : index
      %swap3A_1006 = tpu.vector_load %swap3A_1003[%swap3A_1004, %swap3A_1005] {strides = array<i32>} : memref<128x128xf32, #tpu.memory_space<vmem>>, vector<1x16xf32>,
      %swap3A_1007 = vector.shape_cast %swap3A_1006 : vector<1x16xf32> to vector<16xf32>
      %swap3A_1008 = vector.shape_cast %add3A_999 : vector<16xf32> to vector<1x16xf32>
      tpu.vector_store %swap3A_1003[%swap3A_1004, %swap3A_1005], %swap3A_1008 {strides = array<i32>} : memref<128x128xf32, #tpu.memory_space<vmem>>, vector<1x16xf32>,
      %get3A_1009 = arith.constant 0 : i32
      %get3A_1010 = arith.constant 0 : i32
      %get3A_1011 = tpu.memref_slice %arg8[%scan3A_612, %get3A_1009, %get3A_1010] : memref<6x128x128xf32, #tpu.memory_space<vmem>> -> memref<1x128x128xf32, #tpu.memory_space<vmem>>
      %get3A_1012 = tpu.memref_squeeze %get3A_1011 : memref<1x128x128xf32, #tpu.memory_space<vmem>> -> memref<128x128xf32, #tpu.memory_space<vmem>>
      %get3A_1013 = arith.index_cast %scan3A_944 : i32 to index
      %get3A_1014 = arith.constant 48 : index
      %get3A_1015 = tpu.vector_load %get3A_1012[%get3A_1013, %get3A_1014] {strides = array<i32>} : memref<128x128xf32, #tpu.memory_space<vmem>>, vector<1x16xf32>,
      %get3A_1016 = vector.shape_cast %get3A_1015 : vector<1x16xf32> to vector<16xf32>
      %get3A_1017 = arith.index_cast %scan3A_944 : i32 to index
      %get3A_1018 = arith.constant 48 : index
      %get3A_1019 = tpu.vector_load %arg7[%get3A_1017, %get3A_1018] {strides = array<i32>} : memref<128x128xf32, #tpu.memory_space<vmem>>, vector<1x16xf32>,
      %get3A_1020 = vector.shape_cast %get3A_1019 : vector<1x16xf32> to vector<16xf32>
      %add3A_1021 = arith.addf %get3A_1016, %get3A_1020 : vector<16xf32>
      %swap3A_1022 = arith.constant 0 : i32
      %swap3A_1023 = arith.constant 0 : i32
      %swap3A_1024 = tpu.memref_slice %arg8[%scan3A_612, %swap3A_1022, %swap3A_1023] : memref<6x128x128xf32, #tpu.memory_space<vmem>> -> memref<1x128x128xf32, #tpu.memory_space<vmem>>
      %swap3A_1025 = tpu.memref_squeeze %swap3A_1024 : memref<1x128x128xf32, #tpu.memory_space<vmem>> -> memref<128x128xf32, #tpu.memory_space<vmem>>
      %swap3A_1026 = arith.index_cast %scan3A_944 : i32 to index
      %swap3A_1027 = arith.constant 48 : index
      %swap3A_1028 = tpu.vector_load %swap3A_1025[%swap3A_1026, %swap3A_1027] {strides = array<i32>} : memref<128x128xf32, #tpu.memory_space<vmem>>, vector<1x16xf32>,
      %swap3A_1029 = vector.shape_cast %swap3A_1028 : vector<1x16xf32> to vector<16xf32>
      %swap3A_1030 = vector.shape_cast %add3A_1021 : vector<16xf32> to vector<1x16xf32>
      tpu.vector_store %swap3A_1025[%swap3A_1026, %swap3A_1027], %swap3A_1030 {strides = array<i32>} : memref<128x128xf32, #tpu.memory_space<vmem>>, vector<1x16xf32>,
      %get3A_1031 = arith.constant 0 : i32
      %get3A_1032 = arith.constant 0 : i32
      %get3A_1033 = tpu.memref_slice %arg8[%scan3A_612, %get3A_1031, %get3A_1032] : memref<6x128x128xf32, #tpu.memory_space<vmem>> -> memref<1x128x128xf32, #tpu.memory_space<vmem>>
      %get3A_1034 = tpu.memref_squeeze %get3A_1033 : memref<1x128x128xf32, #tpu.memory_space<vmem>> -> memref<128x128xf32, #tpu.memory_space<vmem>>
      %get3A_1035 = arith.index_cast %scan3A_944 : i32 to index
      %get3A_1036 = arith.constant 64 : index
      %get3A_1037 = tpu.vector_load %get3A_1034[%get3A_1035, %get3A_1036] {strides = array<i32>} : memref<128x128xf32, #tpu.memory_space<vmem>>, vector<1x16xf32>,
      %get3A_1038 = vector.shape_cast %get3A_1037 : vector<1x16xf32> to vector<16xf32>
      %get3A_1039 = arith.index_cast %scan3A_944 : i32 to index
      %get3A_1040 = arith.constant 64 : index
      %get3A_1041 = tpu.vector_load %arg7[%get3A_1039, %get3A_1040] {strides = array<i32>} : memref<128x128xf32, #tpu.memory_space<vmem>>, vector<1x16xf32>,
      %get3A_1042 = vector.shape_cast %get3A_1041 : vector<1x16xf32> to vector<16xf32>
      %add3A_1043 = arith.addf %get3A_1038, %get3A_1042 : vector<16xf32>
      %swap3A_1044 = arith.constant 0 : i32
      %swap3A_1045 = arith.constant 0 : i32
      %swap3A_1046 = tpu.memref_slice %arg8[%scan3A_612, %swap3A_1044, %swap3A_1045] : memref<6x128x128xf32, #tpu.memory_space<vmem>> -> memref<1x128x128xf32, #tpu.memory_space<vmem>>
      %swap3A_1047 = tpu.memref_squeeze %swap3A_1046 : memref<1x128x128xf32, #tpu.memory_space<vmem>> -> memref<128x128xf32, #tpu.memory_space<vmem>>
      %swap3A_1048 = arith.index_cast %scan3A_944 : i32 to index
      %swap3A_1049 = arith.constant 64 : index
      %swap3A_1050 = tpu.vector_load %swap3A_1047[%swap3A_1048, %swap3A_1049] {strides = array<i32>} : memref<128x128xf32, #tpu.memory_space<vmem>>, vector<1x16xf32>,
      %swap3A_1051 = vector.shape_cast %swap3A_1050 : vector<1x16xf32> to vector<16xf32>
      %swap3A_1052 = vector.shape_cast %add3A_1043 : vector<16xf32> to vector<1x16xf32>
      tpu.vector_store %swap3A_1047[%swap3A_1048, %swap3A_1049], %swap3A_1052 {strides = array<i32>} : memref<128x128xf32, #tpu.memory_space<vmem>>, vector<1x16xf32>,
      %get3A_1053 = arith.constant 0 : i32
      %get3A_1054 = arith.constant 0 : i32
      %get3A_1055 = tpu.memref_slice %arg8[%scan3A_612, %get3A_1053, %get3A_1054] : memref<6x128x128xf32, #tpu.memory_space<vmem>> -> memref<1x128x128xf32, #tpu.memory_space<vmem>>
      %get3A_1056 = tpu.memref_squeeze %get3A_1055 : memref<1x128x128xf32, #tpu.memory_space<vmem>> -> memref<128x128xf32, #tpu.memory_space<vmem>>
      %get3A_1057 = arith.index_cast %scan3A_944 : i32 to index
      %get3A_1058 = arith.constant 80 : index
      %get3A_1059 = tpu.vector_load %get3A_1056[%get3A_1057, %get3A_1058] {strides = array<i32>} : memref<128x128xf32, #tpu.memory_space<vmem>>, vector<1x16xf32>,
      %get3A_1060 = vector.shape_cast %get3A_1059 : vector<1x16xf32> to vector<16xf32>
      %get3A_1061 = arith.index_cast %scan3A_944 : i32 to index
      %get3A_1062 = arith.constant 80 : index
      %get3A_1063 = tpu.vector_load %arg7[%get3A_1061, %get3A_1062] {strides = array<i32>} : memref<128x128xf32, #tpu.memory_space<vmem>>, vector<1x16xf32>,
      %get3A_1064 = vector.shape_cast %get3A_1063 : vector<1x16xf32> to vector<16xf32>
      %add3A_1065 = arith.addf %get3A_1060, %get3A_1064 : vector<16xf32>
      %swap3A_1066 = arith.constant 0 : i32
      %swap3A_1067 = arith.constant 0 : i32
      %swap3A_1068 = tpu.memref_slice %arg8[%scan3A_612, %swap3A_1066, %swap3A_1067] : memref<6x128x128xf32, #tpu.memory_space<vmem>> -> memref<1x128x128xf32, #tpu.memory_space<vmem>>
      %swap3A_1069 = tpu.memref_squeeze %swap3A_1068 : memref<1x128x128xf32, #tpu.memory_space<vmem>> -> memref<128x128xf32, #tpu.memory_space<vmem>>
      %swap3A_1070 = arith.index_cast %scan3A_944 : i32 to index
      %swap3A_1071 = arith.constant 80 : index
      %swap3A_1072 = tpu.vector_load %swap3A_1069[%swap3A_1070, %swap3A_1071] {strides = array<i32>} : memref<128x128xf32, #tpu.memory_space<vmem>>, vector<1x16xf32>,
      %swap3A_1073 = vector.shape_cast %swap3A_1072 : vector<1x16xf32> to vector<16xf32>
      %swap3A_1074 = vector.shape_cast %add3A_1065 : vector<16xf32> to vector<1x16xf32>
      tpu.vector_store %swap3A_1069[%swap3A_1070, %swap3A_1071], %swap3A_1074 {strides = array<i32>} : memref<128x128xf32, #tpu.memory_space<vmem>>, vector<1x16xf32>,
      %get3A_1075 = arith.constant 0 : i32
      %get3A_1076 = arith.constant 0 : i32
      %get3A_1077 = tpu.memref_slice %arg8[%scan3A_612, %get3A_1075, %get3A_1076] : memref<6x128x128xf32, #tpu.memory_space<vmem>> -> memref<1x128x128xf32, #tpu.memory_space<vmem>>
      %get3A_1078 = tpu.memref_squeeze %get3A_1077 : memref<1x128x128xf32, #tpu.memory_space<vmem>> -> memref<128x128xf32, #tpu.memory_space<vmem>>
      %get3A_1079 = arith.index_cast %scan3A_944 : i32 to index
      %get3A_1080 = arith.constant 96 : index
      %get3A_1081 = tpu.vector_load %get3A_1078[%get3A_1079, %get3A_1080] {strides = array<i32>} : memref<128x128xf32, #tpu.memory_space<vmem>>, vector<1x16xf32>,
      %get3A_1082 = vector.shape_cast %get3A_1081 : vector<1x16xf32> to vector<16xf32>
      %get3A_1083 = arith.index_cast %scan3A_944 : i32 to index
      %get3A_1084 = arith.constant 96 : index
      %get3A_1085 = tpu.vector_load %arg7[%get3A_1083, %get3A_1084] {strides = array<i32>} : memref<128x128xf32, #tpu.memory_space<vmem>>, vector<1x16xf32>,
      %get3A_1086 = vector.shape_cast %get3A_1085 : vector<1x16xf32> to vector<16xf32>
      %add3A_1087 = arith.addf %get3A_1082, %get3A_1086 : vector<16xf32>
      %swap3A_1088 = arith.constant 0 : i32
      %swap3A_1089 = arith.constant 0 : i32
      %swap3A_1090 = tpu.memref_slice %arg8[%scan3A_612, %swap3A_1088, %swap3A_1089] : memref<6x128x128xf32, #tpu.memory_space<vmem>> -> memref<1x128x128xf32, #tpu.memory_space<vmem>>
      %swap3A_1091 = tpu.memref_squeeze %swap3A_1090 : memref<1x128x128xf32, #tpu.memory_space<vmem>> -> memref<128x128xf32, #tpu.memory_space<vmem>>
      %swap3A_1092 = arith.index_cast %scan3A_944 : i32 to index
      %swap3A_1093 = arith.constant 96 : index
      %swap3A_1094 = tpu.vector_load %swap3A_1091[%swap3A_1092, %swap3A_1093] {strides = array<i32>} : memref<128x128xf32, #tpu.memory_space<vmem>>, vector<1x16xf32>,
      %swap3A_1095 = vector.shape_cast %swap3A_1094 : vector<1x16xf32> to vector<16xf32>
      %swap3A_1096 = vector.shape_cast %add3A_1087 : vector<16xf32> to vector<1x16xf32>
      tpu.vector_store %swap3A_1091[%swap3A_1092, %swap3A_1093], %swap3A_1096 {strides = array<i32>} : memref<128x128xf32, #tpu.memory_space<vmem>>, vector<1x16xf32>,
      %get3A_1097 = arith.constant 0 : i32
      %get3A_1098 = arith.constant 0 : i32
      %get3A_1099 = tpu.memref_slice %arg8[%scan3A_612, %get3A_1097, %get3A_1098] : memref<6x128x128xf32, #tpu.memory_space<vmem>> -> memref<1x128x128xf32, #tpu.memory_space<vmem>>
      %get3A_1100 = tpu.memref_squeeze %get3A_1099 : memref<1x128x128xf32, #tpu.memory_space<vmem>> -> memref<128x128xf32, #tpu.memory_space<vmem>>
      %get3A_1101 = arith.index_cast %scan3A_944 : i32 to index
      %get3A_1102 = arith.constant 112 : index
      %get3A_1103 = tpu.vector_load %get3A_1100[%get3A_1101, %get3A_1102] {strides = array<i32>} : memref<128x128xf32, #tpu.memory_space<vmem>>, vector<1x16xf32>,
      %get3A_1104 = vector.shape_cast %get3A_1103 : vector<1x16xf32> to vector<16xf32>
      %get3A_1105 = arith.index_cast %scan3A_944 : i32 to index
      %get3A_1106 = arith.constant 112 : index
      %get3A_1107 = tpu.vector_load %arg7[%get3A_1105, %get3A_1106] {strides = array<i32>} : memref<128x128xf32, #tpu.memory_space<vmem>>, vector<1x16xf32>,
      %get3A_1108 = vector.shape_cast %get3A_1107 : vector<1x16xf32> to vector<16xf32>
      %add3A_1109 = arith.addf %get3A_1104, %get3A_1108 : vector<16xf32>
      %swap3A_1110 = arith.constant 0 : i32
      %swap3A_1111 = arith.constant 0 : i32
      %swap3A_1112 = tpu.memref_slice %arg8[%scan3A_612, %swap3A_1110, %swap3A_1111] : memref<6x128x128xf32, #tpu.memory_space<vmem>> -> memref<1x128x128xf32, #tpu.memory_space<vmem>>
      %swap3A_1113 = tpu.memref_squeeze %swap3A_1112 : memref<1x128x128xf32, #tpu.memory_space<vmem>> -> memref<128x128xf32, #tpu.memory_space<vmem>>
      %swap3A_1114 = arith.index_cast %scan3A_944 : i32 to index
      %swap3A_1115 = arith.constant 112 : index
      %swap3A_1116 = tpu.vector_load %swap3A_1113[%swap3A_1114, %swap3A_1115] {strides = array<i32>} : memref<128x128xf32, #tpu.memory_space<vmem>>, vector<1x16xf32>,
      %swap3A_1117 = vector.shape_cast %swap3A_1116 : vector<1x16xf32> to vector<16xf32>
      %swap3A_1118 = vector.shape_cast %add3A_1109 : vector<16xf32> to vector<1x16xf32>
      tpu.vector_store %swap3A_1113[%swap3A_1114, %swap3A_1115], %swap3A_1118 {strides = array<i32>} : memref<128x128xf32, #tpu.memory_space<vmem>>, vector<1x16xf32>,
    }
    %scan3A_617 = arith.constant 128 : i32
    %dma_start3A_618 = arith.constant 0 : i32
    %dma_start3A_619 = arith.constant 12 : i32
    %dma_start3A_620 = arith.constant 0 : i32
    %dma_start3A_621 = arith.constant 0 : i32
    %dma_start3A_622 = arith.constant 0 : i32
    %dma_start3A_623 = tpu.memref_slice %arg8[%dma_start3A_618, %dma_start3A_621, %dma_start3A_622] : memref<6x128x128xf32, #tpu.memory_space<vmem>> -> memref<1x64x128xf32, #tpu.memory_space<vmem>>
    %dma_start3A_624 = tpu.memref_squeeze %dma_start3A_623 : memref<1x64x128xf32, #tpu.memory_space<vmem>> -> memref<64x128xf32, #tpu.memory_space<vmem>>
    %dma_start3A_625 = arith.constant 0 : i32
    %dma_start3A_626 = tpu.memref_slice %arg5[%dma_start3A_619, %mul3A_2, %dma_start3A_625] : memref<16x2048x128xf32, #tpu.memory_space<hbm>> -> memref<1x64x128xf32, #tpu.memory_space<hbm>>
    %dma_start3A_627 = tpu.memref_squeeze %dma_start3A_626 : memref<1x64x128xf32, #tpu.memory_space<hbm>> -> memref<64x128xf32, #tpu.memory_space<hbm>>
    %dma_start3A_628 = tpu.memref_slice %arg10[%dma_start3A_620] : memref<6x!tpu.dma_semaphore, #tpu.memory_space<semaphore_mem>> -> memref<1x!tpu.dma_semaphore, #tpu.memory_space<semaphore_mem>>
    %dma_start3A_629 = tpu.memref_squeeze %dma_start3A_628 : memref<1x!tpu.dma_semaphore, #tpu.memory_space<semaphore_mem>> -> memref<!tpu.dma_semaphore, #tpu.memory_space<semaphore_mem>>
    %dma_start3A_630 = arith.constant 0 : i32
    %dma_start3A_631 = tpu.memref_slice %arg5[%dma_start3A_619, %mul3A_2, %dma_start3A_630] : memref<16x2048x128xf32, #tpu.memory_space<hbm>> -> memref<1x64x128xf32, #tpu.memory_space<hbm>>
    %dma_start3A_632 = tpu.memref_squeeze %dma_start3A_631 : memref<1x64x128xf32, #tpu.memory_space<hbm>> -> memref<64x128xf32, #tpu.memory_space<hbm>>
    %dma_start3A_633 = arith.constant 0 : i32
    %dma_start3A_634 = arith.constant 0 : i32
    %dma_start3A_635 = tpu.memref_slice %arg8[%dma_start3A_618, %dma_start3A_633, %dma_start3A_634] : memref<6x128x128xf32, #tpu.memory_space<vmem>> -> memref<1x64x128xf32, #tpu.memory_space<vmem>>
    %dma_start3A_636 = tpu.memref_squeeze %dma_start3A_635 : memref<1x64x128xf32, #tpu.memory_space<vmem>> -> memref<64x128xf32, #tpu.memory_space<vmem>>
    tpu.enqueue_dma source(%dma_start3A_636 : memref<64x128xf32, #tpu.memory_space<vmem>>) target(%dma_start3A_632 : memref<64x128xf32, #tpu.memory_space<hbm>>) target_semaphore(%dma_start3A_629 : memref<!tpu.dma_semaphore, #tpu.memory_space<semaphore_mem>>)
    %dma_start3A_637 = arith.constant 0 : i32
    %dma_start3A_638 = arith.constant 13 : i32
    %dma_start3A_639 = arith.constant 0 : i32
    %dma_start3A_640 = arith.constant 64 : i32
    %dma_start3A_641 = arith.constant 0 : i32
    %dma_start3A_642 = tpu.memref_slice %arg8[%dma_start3A_637, %dma_start3A_640, %dma_start3A_641] : memref<6x128x128xf32, #tpu.memory_space<vmem>> -> memref<1x64x128xf32, #tpu.memory_space<vmem>>
    %dma_start3A_643 = tpu.memref_squeeze %dma_start3A_642 : memref<1x64x128xf32, #tpu.memory_space<vmem>> -> memref<64x128xf32, #tpu.memory_space<vmem>>
    %dma_start3A_644 = arith.constant 0 : i32
    %dma_start3A_645 = tpu.memref_slice %arg5[%dma_start3A_638, %mul3A_2, %dma_start3A_644] : memref<16x2048x128xf32, #tpu.memory_space<hbm>> -> memref<1x64x128xf32, #tpu.memory_space<hbm>>
    %dma_start3A_646 = tpu.memref_squeeze %dma_start3A_645 : memref<1x64x128xf32, #tpu.memory_space<hbm>> -> memref<64x128xf32, #tpu.memory_space<hbm>>
    %dma_start3A_647 = tpu.memref_slice %arg10[%dma_start3A_639] : memref<6x!tpu.dma_semaphore, #tpu.memory_space<semaphore_mem>> -> memref<1x!tpu.dma_semaphore, #tpu.memory_space<semaphore_mem>>
    %dma_start3A_648 = tpu.memref_squeeze %dma_start3A_647 : memref<1x!tpu.dma_semaphore, #tpu.memory_space<semaphore_mem>> -> memref<!tpu.dma_semaphore, #tpu.memory_space<semaphore_mem>>
    %dma_start3A_649 = arith.constant 0 : i32
    %dma_start3A_650 = tpu.memref_slice %arg5[%dma_start3A_638, %mul3A_2, %dma_start3A_649] : memref<16x2048x128xf32, #tpu.memory_space<hbm>> -> memref<1x64x128xf32, #tpu.memory_space<hbm>>
    %dma_start3A_651 = tpu.memref_squeeze %dma_start3A_650 : memref<1x64x128xf32, #tpu.memory_space<hbm>> -> memref<64x128xf32, #tpu.memory_space<hbm>>
    %dma_start3A_652 = arith.constant 64 : i32
    %dma_start3A_653 = arith.constant 0 : i32
    %dma_start3A_654 = tpu.memref_slice %arg8[%dma_start3A_637, %dma_start3A_652, %dma_start3A_653] : memref<6x128x128xf32, #tpu.memory_space<vmem>> -> memref<1x64x128xf32, #tpu.memory_space<vmem>>
    %dma_start3A_655 = tpu.memref_squeeze %dma_start3A_654 : memref<1x64x128xf32, #tpu.memory_space<vmem>> -> memref<64x128xf32, #tpu.memory_space<vmem>>
    tpu.enqueue_dma source(%dma_start3A_655 : memref<64x128xf32, #tpu.memory_space<vmem>>) target(%dma_start3A_651 : memref<64x128xf32, #tpu.memory_space<hbm>>) target_semaphore(%dma_start3A_648 : memref<!tpu.dma_semaphore, #tpu.memory_space<semaphore_mem>>)
    %dma_wait3A_656 = arith.constant 7 : i32
    %dma_wait3A_657 = arith.constant 1 : i32
    %dma_wait3A_658 = arith.constant 1 : i32
    %dma_wait3A_659 = arith.constant 0 : i32
    %dma_wait3A_660 = arith.constant 0 : i32
    %dma_wait3A_661 = tpu.memref_slice %arg8[%dma_wait3A_657, %dma_wait3A_659, %dma_wait3A_660] : memref<6x128x128xf32, #tpu.memory_space<vmem>> -> memref<1x128x128xf32, #tpu.memory_space<vmem>>
    %dma_wait3A_662 = tpu.memref_squeeze %dma_wait3A_661 : memref<1x128x128xf32, #tpu.memory_space<vmem>> -> memref<128x128xf32, #tpu.memory_space<vmem>>
    %dma_wait3A_663 = arith.constant 0 : i32
    %dma_wait3A_664 = tpu.memref_slice %arg6[%dma_wait3A_656, %dma_wait3A_663] : memref<8x128xi32, #tpu.memory_space<vmem>> -> memref<1x128xi32, #tpu.memory_space<vmem>>
    %dma_wait3A_665 = tpu.memref_squeeze %dma_wait3A_664 : memref<1x128xi32, #tpu.memory_space<vmem>> -> memref<128xi32, #tpu.memory_space<vmem>>
    %dma_wait3A_666 = arith.constant 0 : i32
    %dma_wait3A_667 = arith.constant 0 : i32
    %dma_wait3A_668 = tpu.memref_slice %arg3[%dma_wait3A_666, %dma_wait3A_667] : memref<100000x128xf32, #tpu.memory_space<hbm>> -> memref<100000x128xf32, #tpu.memory_space<hbm>>
    %dma_wait3A_669 = tpu.memref_slice %arg9[%dma_wait3A_658] : memref<6x!tpu.dma_semaphore, #tpu.memory_space<semaphore_mem>> -> memref<1x!tpu.dma_semaphore, #tpu.memory_space<semaphore_mem>>
    %dma_wait3A_670 = tpu.memref_squeeze %dma_wait3A_669 : memref<1x!tpu.dma_semaphore, #tpu.memory_space<semaphore_mem>> -> memref<!tpu.dma_semaphore, #tpu.memory_space<semaphore_mem>>
    tpu.wait_indirect_dma semaphore(%dma_wait3A_670 : memref<!tpu.dma_semaphore, #tpu.memory_space<semaphore_mem>>) src(%dma_wait3A_668 : memref<100000x128xf32, #tpu.memory_space<hbm>>) dst(%dma_wait3A_662 : memref<128x128xf32, #tpu.memory_space<vmem>>)
    %scan3A_671 = arith.constant 0 : i32
    %scan3A_672 = arith.constant 1 : i32
    %scan3A_673 = arith.constant 0 : i32
    %scan3A_674 = arith.constant 128 : i32
    %scan3A_675 = arith.addi %scan3A_673, %scan3A_674 : i32
    %scan3A_676 = arith.constant 1 : i32
    scf.for %scan3A_944 = %scan3A_673 to %scan3A_675 step %scan3A_676  : i32 {
      %get3A = arith.constant 0 : i32
      %get3A_945 = arith.constant 0 : i32
      %get3A_946 = tpu.memref_slice %arg8[%scan3A_672, %get3A, %get3A_945] : memref<6x128x128xf32, #tpu.memory_space<vmem>> -> memref<1x128x128xf32, #tpu.memory_space<vmem>>
      %get3A_947 = tpu.memref_squeeze %get3A_946 : memref<1x128x128xf32, #tpu.memory_space<vmem>> -> memref<128x128xf32, #tpu.memory_space<vmem>>
      %get3A_948 = arith.index_cast %scan3A_944 : i32 to index
      %get3A_949 = arith.constant 0 : index
      %get3A_950 = tpu.vector_load %get3A_947[%get3A_948, %get3A_949] {strides = array<i32>} : memref<128x128xf32, #tpu.memory_space<vmem>>, vector<1x16xf32>,
      %get3A_951 = vector.shape_cast %get3A_950 : vector<1x16xf32> to vector<16xf32>
      %get3A_952 = arith.index_cast %scan3A_944 : i32 to index
      %get3A_953 = arith.constant 0 : index
      %get3A_954 = tpu.vector_load %arg7[%get3A_952, %get3A_953] {strides = array<i32>} : memref<128x128xf32, #tpu.memory_space<vmem>>, vector<1x16xf32>,
      %get3A_955 = vector.shape_cast %get3A_954 : vector<1x16xf32> to vector<16xf32>
      %add3A_956 = arith.addf %get3A_951, %get3A_955 : vector<16xf32>
      %swap3A = arith.constant 0 : i32
      %swap3A_957 = arith.constant 0 : i32
      %swap3A_958 = tpu.memref_slice %arg8[%scan3A_672, %swap3A, %swap3A_957] : memref<6x128x128xf32, #tpu.memory_space<vmem>> -> memref<1x128x128xf32, #tpu.memory_space<vmem>>
      %swap3A_959 = tpu.memref_squeeze %swap3A_958 : memref<1x128x128xf32, #tpu.memory_space<vmem>> -> memref<128x128xf32, #tpu.memory_space<vmem>>
      %swap3A_960 = arith.index_cast %scan3A_944 : i32 to index
      %swap3A_961 = arith.constant 0 : index
      %swap3A_962 = tpu.vector_load %swap3A_959[%swap3A_960, %swap3A_961] {strides = array<i32>} : memref<128x128xf32, #tpu.memory_space<vmem>>, vector<1x16xf32>,
      %swap3A_963 = vector.shape_cast %swap3A_962 : vector<1x16xf32> to vector<16xf32>
      %swap3A_964 = vector.shape_cast %add3A_956 : vector<16xf32> to vector<1x16xf32>
      tpu.vector_store %swap3A_959[%swap3A_960, %swap3A_961], %swap3A_964 {strides = array<i32>} : memref<128x128xf32, #tpu.memory_space<vmem>>, vector<1x16xf32>,
      %get3A_965 = arith.constant 0 : i32
      %get3A_966 = arith.constant 0 : i32
      %get3A_967 = tpu.memref_slice %arg8[%scan3A_672, %get3A_965, %get3A_966] : memref<6x128x128xf32, #tpu.memory_space<vmem>> -> memref<1x128x128xf32, #tpu.memory_space<vmem>>
      %get3A_968 = tpu.memref_squeeze %get3A_967 : memref<1x128x128xf32, #tpu.memory_space<vmem>> -> memref<128x128xf32, #tpu.memory_space<vmem>>
      %get3A_969 = arith.index_cast %scan3A_944 : i32 to index
      %get3A_970 = arith.constant 16 : index
      %get3A_971 = tpu.vector_load %get3A_968[%get3A_969, %get3A_970] {strides = array<i32>} : memref<128x128xf32, #tpu.memory_space<vmem>>, vector<1x16xf32>,
      %get3A_972 = vector.shape_cast %get3A_971 : vector<1x16xf32> to vector<16xf32>
      %get3A_973 = arith.index_cast %scan3A_944 : i32 to index
      %get3A_974 = arith.constant 16 : index
      %get3A_975 = tpu.vector_load %arg7[%get3A_973, %get3A_974] {strides = array<i32>} : memref<128x128xf32, #tpu.memory_space<vmem>>, vector<1x16xf32>,
      %get3A_976 = vector.shape_cast %get3A_975 : vector<1x16xf32> to vector<16xf32>
      %add3A_977 = arith.addf %get3A_972, %get3A_976 : vector<16xf32>
      %swap3A_978 = arith.constant 0 : i32
      %swap3A_979 = arith.constant 0 : i32
      %swap3A_980 = tpu.memref_slice %arg8[%scan3A_672, %swap3A_978, %swap3A_979] : memref<6x128x128xf32, #tpu.memory_space<vmem>> -> memref<1x128x128xf32, #tpu.memory_space<vmem>>
      %swap3A_981 = tpu.memref_squeeze %swap3A_980 : memref<1x128x128xf32, #tpu.memory_space<vmem>> -> memref<128x128xf32, #tpu.memory_space<vmem>>
      %swap3A_982 = arith.index_cast %scan3A_944 : i32 to index
      %swap3A_983 = arith.constant 16 : index
      %swap3A_984 = tpu.vector_load %swap3A_981[%swap3A_982, %swap3A_983] {strides = array<i32>} : memref<128x128xf32, #tpu.memory_space<vmem>>, vector<1x16xf32>,
      %swap3A_985 = vector.shape_cast %swap3A_984 : vector<1x16xf32> to vector<16xf32>
      %swap3A_986 = vector.shape_cast %add3A_977 : vector<16xf32> to vector<1x16xf32>
      tpu.vector_store %swap3A_981[%swap3A_982, %swap3A_983], %swap3A_986 {strides = array<i32>} : memref<128x128xf32, #tpu.memory_space<vmem>>, vector<1x16xf32>,
      %get3A_987 = arith.constant 0 : i32
      %get3A_988 = arith.constant 0 : i32
      %get3A_989 = tpu.memref_slice %arg8[%scan3A_672, %get3A_987, %get3A_988] : memref<6x128x128xf32, #tpu.memory_space<vmem>> -> memref<1x128x128xf32, #tpu.memory_space<vmem>>
      %get3A_990 = tpu.memref_squeeze %get3A_989 : memref<1x128x128xf32, #tpu.memory_space<vmem>> -> memref<128x128xf32, #tpu.memory_space<vmem>>
      %get3A_991 = arith.index_cast %scan3A_944 : i32 to index
      %get3A_992 = arith.constant 32 : index
      %get3A_993 = tpu.vector_load %get3A_990[%get3A_991, %get3A_992] {strides = array<i32>} : memref<128x128xf32, #tpu.memory_space<vmem>>, vector<1x16xf32>,
      %get3A_994 = vector.shape_cast %get3A_993 : vector<1x16xf32> to vector<16xf32>
      %get3A_995 = arith.index_cast %scan3A_944 : i32 to index
      %get3A_996 = arith.constant 32 : index
      %get3A_997 = tpu.vector_load %arg7[%get3A_995, %get3A_996] {strides = array<i32>} : memref<128x128xf32, #tpu.memory_space<vmem>>, vector<1x16xf32>,
      %get3A_998 = vector.shape_cast %get3A_997 : vector<1x16xf32> to vector<16xf32>
      %add3A_999 = arith.addf %get3A_994, %get3A_998 : vector<16xf32>
      %swap3A_1000 = arith.constant 0 : i32
      %swap3A_1001 = arith.constant 0 : i32
      %swap3A_1002 = tpu.memref_slice %arg8[%scan3A_672, %swap3A_1000, %swap3A_1001] : memref<6x128x128xf32, #tpu.memory_space<vmem>> -> memref<1x128x128xf32, #tpu.memory_space<vmem>>
      %swap3A_1003 = tpu.memref_squeeze %swap3A_1002 : memref<1x128x128xf32, #tpu.memory_space<vmem>> -> memref<128x128xf32, #tpu.memory_space<vmem>>
      %swap3A_1004 = arith.index_cast %scan3A_944 : i32 to index
      %swap3A_1005 = arith.constant 32 : index
      %swap3A_1006 = tpu.vector_load %swap3A_1003[%swap3A_1004, %swap3A_1005] {strides = array<i32>} : memref<128x128xf32, #tpu.memory_space<vmem>>, vector<1x16xf32>,
      %swap3A_1007 = vector.shape_cast %swap3A_1006 : vector<1x16xf32> to vector<16xf32>
      %swap3A_1008 = vector.shape_cast %add3A_999 : vector<16xf32> to vector<1x16xf32>
      tpu.vector_store %swap3A_1003[%swap3A_1004, %swap3A_1005], %swap3A_1008 {strides = array<i32>} : memref<128x128xf32, #tpu.memory_space<vmem>>, vector<1x16xf32>,
      %get3A_1009 = arith.constant 0 : i32
      %get3A_1010 = arith.constant 0 : i32
      %get3A_1011 = tpu.memref_slice %arg8[%scan3A_672, %get3A_1009, %get3A_1010] : memref<6x128x128xf32, #tpu.memory_space<vmem>> -> memref<1x128x128xf32, #tpu.memory_space<vmem>>
      %get3A_1012 = tpu.memref_squeeze %get3A_1011 : memref<1x128x128xf32, #tpu.memory_space<vmem>> -> memref<128x128xf32, #tpu.memory_space<vmem>>
      %get3A_1013 = arith.index_cast %scan3A_944 : i32 to index
      %get3A_1014 = arith.constant 48 : index
      %get3A_1015 = tpu.vector_load %get3A_1012[%get3A_1013, %get3A_1014] {strides = array<i32>} : memref<128x128xf32, #tpu.memory_space<vmem>>, vector<1x16xf32>,
      %get3A_1016 = vector.shape_cast %get3A_1015 : vector<1x16xf32> to vector<16xf32>
      %get3A_1017 = arith.index_cast %scan3A_944 : i32 to index
      %get3A_1018 = arith.constant 48 : index
      %get3A_1019 = tpu.vector_load %arg7[%get3A_1017, %get3A_1018] {strides = array<i32>} : memref<128x128xf32, #tpu.memory_space<vmem>>, vector<1x16xf32>,
      %get3A_1020 = vector.shape_cast %get3A_1019 : vector<1x16xf32> to vector<16xf32>
      %add3A_1021 = arith.addf %get3A_1016, %get3A_1020 : vector<16xf32>
      %swap3A_1022 = arith.constant 0 : i32
      %swap3A_1023 = arith.constant 0 : i32
      %swap3A_1024 = tpu.memref_slice %arg8[%scan3A_672, %swap3A_1022, %swap3A_1023] : memref<6x128x128xf32, #tpu.memory_space<vmem>> -> memref<1x128x128xf32, #tpu.memory_space<vmem>>
      %swap3A_1025 = tpu.memref_squeeze %swap3A_1024 : memref<1x128x128xf32, #tpu.memory_space<vmem>> -> memref<128x128xf32, #tpu.memory_space<vmem>>
      %swap3A_1026 = arith.index_cast %scan3A_944 : i32 to index
      %swap3A_1027 = arith.constant 48 : index
      %swap3A_1028 = tpu.vector_load %swap3A_1025[%swap3A_1026, %swap3A_1027] {strides = array<i32>} : memref<128x128xf32, #tpu.memory_space<vmem>>, vector<1x16xf32>,
      %swap3A_1029 = vector.shape_cast %swap3A_1028 : vector<1x16xf32> to vector<16xf32>
      %swap3A_1030 = vector.shape_cast %add3A_1021 : vector<16xf32> to vector<1x16xf32>
      tpu.vector_store %swap3A_1025[%swap3A_1026, %swap3A_1027], %swap3A_1030 {strides = array<i32>} : memref<128x128xf32, #tpu.memory_space<vmem>>, vector<1x16xf32>,
      %get3A_1031 = arith.constant 0 : i32
      %get3A_1032 = arith.constant 0 : i32
      %get3A_1033 = tpu.memref_slice %arg8[%scan3A_672, %get3A_1031, %get3A_1032] : memref<6x128x128xf32, #tpu.memory_space<vmem>> -> memref<1x128x128xf32, #tpu.memory_space<vmem>>
      %get3A_1034 = tpu.memref_squeeze %get3A_1033 : memref<1x128x128xf32, #tpu.memory_space<vmem>> -> memref<128x128xf32, #tpu.memory_space<vmem>>
      %get3A_1035 = arith.index_cast %scan3A_944 : i32 to index
      %get3A_1036 = arith.constant 64 : index
      %get3A_1037 = tpu.vector_load %get3A_1034[%get3A_1035, %get3A_1036] {strides = array<i32>} : memref<128x128xf32, #tpu.memory_space<vmem>>, vector<1x16xf32>,
      %get3A_1038 = vector.shape_cast %get3A_1037 : vector<1x16xf32> to vector<16xf32>
      %get3A_1039 = arith.index_cast %scan3A_944 : i32 to index
      %get3A_1040 = arith.constant 64 : index
      %get3A_1041 = tpu.vector_load %arg7[%get3A_1039, %get3A_1040] {strides = array<i32>} : memref<128x128xf32, #tpu.memory_space<vmem>>, vector<1x16xf32>,
      %get3A_1042 = vector.shape_cast %get3A_1041 : vector<1x16xf32> to vector<16xf32>
      %add3A_1043 = arith.addf %get3A_1038, %get3A_1042 : vector<16xf32>
      %swap3A_1044 = arith.constant 0 : i32
      %swap3A_1045 = arith.constant 0 : i32
      %swap3A_1046 = tpu.memref_slice %arg8[%scan3A_672, %swap3A_1044, %swap3A_1045] : memref<6x128x128xf32, #tpu.memory_space<vmem>> -> memref<1x128x128xf32, #tpu.memory_space<vmem>>
      %swap3A_1047 = tpu.memref_squeeze %swap3A_1046 : memref<1x128x128xf32, #tpu.memory_space<vmem>> -> memref<128x128xf32, #tpu.memory_space<vmem>>
      %swap3A_1048 = arith.index_cast %scan3A_944 : i32 to index
      %swap3A_1049 = arith.constant 64 : index
      %swap3A_1050 = tpu.vector_load %swap3A_1047[%swap3A_1048, %swap3A_1049] {strides = array<i32>} : memref<128x128xf32, #tpu.memory_space<vmem>>, vector<1x16xf32>,
      %swap3A_1051 = vector.shape_cast %swap3A_1050 : vector<1x16xf32> to vector<16xf32>
      %swap3A_1052 = vector.shape_cast %add3A_1043 : vector<16xf32> to vector<1x16xf32>
      tpu.vector_store %swap3A_1047[%swap3A_1048, %swap3A_1049], %swap3A_1052 {strides = array<i32>} : memref<128x128xf32, #tpu.memory_space<vmem>>, vector<1x16xf32>,
      %get3A_1053 = arith.constant 0 : i32
      %get3A_1054 = arith.constant 0 : i32
      %get3A_1055 = tpu.memref_slice %arg8[%scan3A_672, %get3A_1053, %get3A_1054] : memref<6x128x128xf32, #tpu.memory_space<vmem>> -> memref<1x128x128xf32, #tpu.memory_space<vmem>>
      %get3A_1056 = tpu.memref_squeeze %get3A_1055 : memref<1x128x128xf32, #tpu.memory_space<vmem>> -> memref<128x128xf32, #tpu.memory_space<vmem>>
      %get3A_1057 = arith.index_cast %scan3A_944 : i32 to index
      %get3A_1058 = arith.constant 80 : index
      %get3A_1059 = tpu.vector_load %get3A_1056[%get3A_1057, %get3A_1058] {strides = array<i32>} : memref<128x128xf32, #tpu.memory_space<vmem>>, vector<1x16xf32>,
      %get3A_1060 = vector.shape_cast %get3A_1059 : vector<1x16xf32> to vector<16xf32>
      %get3A_1061 = arith.index_cast %scan3A_944 : i32 to index
      %get3A_1062 = arith.constant 80 : index
      %get3A_1063 = tpu.vector_load %arg7[%get3A_1061, %get3A_1062] {strides = array<i32>} : memref<128x128xf32, #tpu.memory_space<vmem>>, vector<1x16xf32>,
      %get3A_1064 = vector.shape_cast %get3A_1063 : vector<1x16xf32> to vector<16xf32>
      %add3A_1065 = arith.addf %get3A_1060, %get3A_1064 : vector<16xf32>
      %swap3A_1066 = arith.constant 0 : i32
      %swap3A_1067 = arith.constant 0 : i32
      %swap3A_1068 = tpu.memref_slice %arg8[%scan3A_672, %swap3A_1066, %swap3A_1067] : memref<6x128x128xf32, #tpu.memory_space<vmem>> -> memref<1x128x128xf32, #tpu.memory_space<vmem>>
      %swap3A_1069 = tpu.memref_squeeze %swap3A_1068 : memref<1x128x128xf32, #tpu.memory_space<vmem>> -> memref<128x128xf32, #tpu.memory_space<vmem>>
      %swap3A_1070 = arith.index_cast %scan3A_944 : i32 to index
      %swap3A_1071 = arith.constant 80 : index
      %swap3A_1072 = tpu.vector_load %swap3A_1069[%swap3A_1070, %swap3A_1071] {strides = array<i32>} : memref<128x128xf32, #tpu.memory_space<vmem>>, vector<1x16xf32>,
      %swap3A_1073 = vector.shape_cast %swap3A_1072 : vector<1x16xf32> to vector<16xf32>
      %swap3A_1074 = vector.shape_cast %add3A_1065 : vector<16xf32> to vector<1x16xf32>
      tpu.vector_store %swap3A_1069[%swap3A_1070, %swap3A_1071], %swap3A_1074 {strides = array<i32>} : memref<128x128xf32, #tpu.memory_space<vmem>>, vector<1x16xf32>,
      %get3A_1075 = arith.constant 0 : i32
      %get3A_1076 = arith.constant 0 : i32
      %get3A_1077 = tpu.memref_slice %arg8[%scan3A_672, %get3A_1075, %get3A_1076] : memref<6x128x128xf32, #tpu.memory_space<vmem>> -> memref<1x128x128xf32, #tpu.memory_space<vmem>>
      %get3A_1078 = tpu.memref_squeeze %get3A_1077 : memref<1x128x128xf32, #tpu.memory_space<vmem>> -> memref<128x128xf32, #tpu.memory_space<vmem>>
      %get3A_1079 = arith.index_cast %scan3A_944 : i32 to index
      %get3A_1080 = arith.constant 96 : index
      %get3A_1081 = tpu.vector_load %get3A_1078[%get3A_1079, %get3A_1080] {strides = array<i32>} : memref<128x128xf32, #tpu.memory_space<vmem>>, vector<1x16xf32>,
      %get3A_1082 = vector.shape_cast %get3A_1081 : vector<1x16xf32> to vector<16xf32>
      %get3A_1083 = arith.index_cast %scan3A_944 : i32 to index
      %get3A_1084 = arith.constant 96 : index
      %get3A_1085 = tpu.vector_load %arg7[%get3A_1083, %get3A_1084] {strides = array<i32>} : memref<128x128xf32, #tpu.memory_space<vmem>>, vector<1x16xf32>,
      %get3A_1086 = vector.shape_cast %get3A_1085 : vector<1x16xf32> to vector<16xf32>
      %add3A_1087 = arith.addf %get3A_1082, %get3A_1086 : vector<16xf32>
      %swap3A_1088 = arith.constant 0 : i32
      %swap3A_1089 = arith.constant 0 : i32
      %swap3A_1090 = tpu.memref_slice %arg8[%scan3A_672, %swap3A_1088, %swap3A_1089] : memref<6x128x128xf32, #tpu.memory_space<vmem>> -> memref<1x128x128xf32, #tpu.memory_space<vmem>>
      %swap3A_1091 = tpu.memref_squeeze %swap3A_1090 : memref<1x128x128xf32, #tpu.memory_space<vmem>> -> memref<128x128xf32, #tpu.memory_space<vmem>>
      %swap3A_1092 = arith.index_cast %scan3A_944 : i32 to index
      %swap3A_1093 = arith.constant 96 : index
      %swap3A_1094 = tpu.vector_load %swap3A_1091[%swap3A_1092, %swap3A_1093] {strides = array<i32>} : memref<128x128xf32, #tpu.memory_space<vmem>>, vector<1x16xf32>,
      %swap3A_1095 = vector.shape_cast %swap3A_1094 : vector<1x16xf32> to vector<16xf32>
      %swap3A_1096 = vector.shape_cast %add3A_1087 : vector<16xf32> to vector<1x16xf32>
      tpu.vector_store %swap3A_1091[%swap3A_1092, %swap3A_1093], %swap3A_1096 {strides = array<i32>} : memref<128x128xf32, #tpu.memory_space<vmem>>, vector<1x16xf32>,
      %get3A_1097 = arith.constant 0 : i32
      %get3A_1098 = arith.constant 0 : i32
      %get3A_1099 = tpu.memref_slice %arg8[%scan3A_672, %get3A_1097, %get3A_1098] : memref<6x128x128xf32, #tpu.memory_space<vmem>> -> memref<1x128x128xf32, #tpu.memory_space<vmem>>
      %get3A_1100 = tpu.memref_squeeze %get3A_1099 : memref<1x128x128xf32, #tpu.memory_space<vmem>> -> memref<128x128xf32, #tpu.memory_space<vmem>>
      %get3A_1101 = arith.index_cast %scan3A_944 : i32 to index
      %get3A_1102 = arith.constant 112 : index
      %get3A_1103 = tpu.vector_load %get3A_1100[%get3A_1101, %get3A_1102] {strides = array<i32>} : memref<128x128xf32, #tpu.memory_space<vmem>>, vector<1x16xf32>,
      %get3A_1104 = vector.shape_cast %get3A_1103 : vector<1x16xf32> to vector<16xf32>
      %get3A_1105 = arith.index_cast %scan3A_944 : i32 to index
      %get3A_1106 = arith.constant 112 : index
      %get3A_1107 = tpu.vector_load %arg7[%get3A_1105, %get3A_1106] {strides = array<i32>} : memref<128x128xf32, #tpu.memory_space<vmem>>, vector<1x16xf32>,
      %get3A_1108 = vector.shape_cast %get3A_1107 : vector<1x16xf32> to vector<16xf32>
      %add3A_1109 = arith.addf %get3A_1104, %get3A_1108 : vector<16xf32>
      %swap3A_1110 = arith.constant 0 : i32
      %swap3A_1111 = arith.constant 0 : i32
      %swap3A_1112 = tpu.memref_slice %arg8[%scan3A_672, %swap3A_1110, %swap3A_1111] : memref<6x128x128xf32, #tpu.memory_space<vmem>> -> memref<1x128x128xf32, #tpu.memory_space<vmem>>
      %swap3A_1113 = tpu.memref_squeeze %swap3A_1112 : memref<1x128x128xf32, #tpu.memory_space<vmem>> -> memref<128x128xf32, #tpu.memory_space<vmem>>
      %swap3A_1114 = arith.index_cast %scan3A_944 : i32 to index
      %swap3A_1115 = arith.constant 112 : index
      %swap3A_1116 = tpu.vector_load %swap3A_1113[%swap3A_1114, %swap3A_1115] {strides = array<i32>} : memref<128x128xf32, #tpu.memory_space<vmem>>, vector<1x16xf32>,
      %swap3A_1117 = vector.shape_cast %swap3A_1116 : vector<1x16xf32> to vector<16xf32>
      %swap3A_1118 = vector.shape_cast %add3A_1109 : vector<16xf32> to vector<1x16xf32>
      tpu.vector_store %swap3A_1113[%swap3A_1114, %swap3A_1115], %swap3A_1118 {strides = array<i32>} : memref<128x128xf32, #tpu.memory_space<vmem>>, vector<1x16xf32>,
    }
    %scan3A_677 = arith.constant 128 : i32
    %dma_start3A_678 = arith.constant 1 : i32
    %dma_start3A_679 = arith.constant 14 : i32
    %dma_start3A_680 = arith.constant 1 : i32
    %dma_start3A_681 = arith.constant 0 : i32
    %dma_start3A_682 = arith.constant 0 : i32
    %dma_start3A_683 = tpu.memref_slice %arg8[%dma_start3A_678, %dma_start3A_681, %dma_start3A_682] : memref<6x128x128xf32, #tpu.memory_space<vmem>> -> memref<1x64x128xf32, #tpu.memory_space<vmem>>
    %dma_start3A_684 = tpu.memref_squeeze %dma_start3A_683 : memref<1x64x128xf32, #tpu.memory_space<vmem>> -> memref<64x128xf32, #tpu.memory_space<vmem>>
    %dma_start3A_685 = arith.constant 0 : i32
    %dma_start3A_686 = tpu.memref_slice %arg5[%dma_start3A_679, %mul3A_2, %dma_start3A_685] : memref<16x2048x128xf32, #tpu.memory_space<hbm>> -> memref<1x64x128xf32, #tpu.memory_space<hbm>>
    %dma_start3A_687 = tpu.memref_squeeze %dma_start3A_686 : memref<1x64x128xf32, #tpu.memory_space<hbm>> -> memref<64x128xf32, #tpu.memory_space<hbm>>
    %dma_start3A_688 = tpu.memref_slice %arg10[%dma_start3A_680] : memref<6x!tpu.dma_semaphore, #tpu.memory_space<semaphore_mem>> -> memref<1x!tpu.dma_semaphore, #tpu.memory_space<semaphore_mem>>
    %dma_start3A_689 = tpu.memref_squeeze %dma_start3A_688 : memref<1x!tpu.dma_semaphore, #tpu.memory_space<semaphore_mem>> -> memref<!tpu.dma_semaphore, #tpu.memory_space<semaphore_mem>>
    %dma_start3A_690 = arith.constant 0 : i32
    %dma_start3A_691 = tpu.memref_slice %arg5[%dma_start3A_679, %mul3A_2, %dma_start3A_690] : memref<16x2048x128xf32, #tpu.memory_space<hbm>> -> memref<1x64x128xf32, #tpu.memory_space<hbm>>
    %dma_start3A_692 = tpu.memref_squeeze %dma_start3A_691 : memref<1x64x128xf32, #tpu.memory_space<hbm>> -> memref<64x128xf32, #tpu.memory_space<hbm>>
    %dma_start3A_693 = arith.constant 0 : i32
    %dma_start3A_694 = arith.constant 0 : i32
    %dma_start3A_695 = tpu.memref_slice %arg8[%dma_start3A_678, %dma_start3A_693, %dma_start3A_694] : memref<6x128x128xf32, #tpu.memory_space<vmem>> -> memref<1x64x128xf32, #tpu.memory_space<vmem>>
    %dma_start3A_696 = tpu.memref_squeeze %dma_start3A_695 : memref<1x64x128xf32, #tpu.memory_space<vmem>> -> memref<64x128xf32, #tpu.memory_space<vmem>>
    tpu.enqueue_dma source(%dma_start3A_696 : memref<64x128xf32, #tpu.memory_space<vmem>>) target(%dma_start3A_692 : memref<64x128xf32, #tpu.memory_space<hbm>>) target_semaphore(%dma_start3A_689 : memref<!tpu.dma_semaphore, #tpu.memory_space<semaphore_mem>>)
    %dma_start3A_697 = arith.constant 1 : i32
    %dma_start3A_698 = arith.constant 15 : i32
    %dma_start3A_699 = arith.constant 1 : i32
    %dma_start3A_700 = arith.constant 64 : i32
    %dma_start3A_701 = arith.constant 0 : i32
    %dma_start3A_702 = tpu.memref_slice %arg8[%dma_start3A_697, %dma_start3A_700, %dma_start3A_701] : memref<6x128x128xf32, #tpu.memory_space<vmem>> -> memref<1x64x128xf32, #tpu.memory_space<vmem>>
    %dma_start3A_703 = tpu.memref_squeeze %dma_start3A_702 : memref<1x64x128xf32, #tpu.memory_space<vmem>> -> memref<64x128xf32, #tpu.memory_space<vmem>>
    %dma_start3A_704 = arith.constant 0 : i32
    %dma_start3A_705 = tpu.memref_slice %arg5[%dma_start3A_698, %mul3A_2, %dma_start3A_704] : memref<16x2048x128xf32, #tpu.memory_space<hbm>> -> memref<1x64x128xf32, #tpu.memory_space<hbm>>
    %dma_start3A_706 = tpu.memref_squeeze %dma_start3A_705 : memref<1x64x128xf32, #tpu.memory_space<hbm>> -> memref<64x128xf32, #tpu.memory_space<hbm>>
    %dma_start3A_707 = tpu.memref_slice %arg10[%dma_start3A_699] : memref<6x!tpu.dma_semaphore, #tpu.memory_space<semaphore_mem>> -> memref<1x!tpu.dma_semaphore, #tpu.memory_space<semaphore_mem>>
    %dma_start3A_708 = tpu.memref_squeeze %dma_start3A_707 : memref<1x!tpu.dma_semaphore, #tpu.memory_space<semaphore_mem>> -> memref<!tpu.dma_semaphore, #tpu.memory_space<semaphore_mem>>
    %dma_start3A_709 = arith.constant 0 : i32
    %dma_start3A_710 = tpu.memref_slice %arg5[%dma_start3A_698, %mul3A_2, %dma_start3A_709] : memref<16x2048x128xf32, #tpu.memory_space<hbm>> -> memref<1x64x128xf32, #tpu.memory_space<hbm>>
    %dma_start3A_711 = tpu.memref_squeeze %dma_start3A_710 : memref<1x64x128xf32, #tpu.memory_space<hbm>> -> memref<64x128xf32, #tpu.memory_space<hbm>>
    %dma_start3A_712 = arith.constant 64 : i32
    %dma_start3A_713 = arith.constant 0 : i32
    %dma_start3A_714 = tpu.memref_slice %arg8[%dma_start3A_697, %dma_start3A_712, %dma_start3A_713] : memref<6x128x128xf32, #tpu.memory_space<vmem>> -> memref<1x64x128xf32, #tpu.memory_space<vmem>>
    %dma_start3A_715 = tpu.memref_squeeze %dma_start3A_714 : memref<1x64x128xf32, #tpu.memory_space<vmem>> -> memref<64x128xf32, #tpu.memory_space<vmem>>
    tpu.enqueue_dma source(%dma_start3A_715 : memref<64x128xf32, #tpu.memory_space<vmem>>) target(%dma_start3A_711 : memref<64x128xf32, #tpu.memory_space<hbm>>) target_semaphore(%dma_start3A_708 : memref<!tpu.dma_semaphore, #tpu.memory_space<semaphore_mem>>)
    %dma_wait3A_716 = arith.constant 2 : i32
    %dma_wait3A_717 = arith.constant 4 : i32
    %dma_wait3A_718 = arith.constant 2 : i32
    %dma_wait3A_719 = arith.constant 0 : i32
    %dma_wait3A_720 = arith.constant 0 : i32
    %dma_wait3A_721 = tpu.memref_slice %arg8[%dma_wait3A_716, %dma_wait3A_719, %dma_wait3A_720] : memref<6x128x128xf32, #tpu.memory_space<vmem>> -> memref<1x64x128xf32, #tpu.memory_space<vmem>>
    %dma_wait3A_722 = tpu.memref_squeeze %dma_wait3A_721 : memref<1x64x128xf32, #tpu.memory_space<vmem>> -> memref<64x128xf32, #tpu.memory_space<vmem>>
    %dma_wait3A_723 = arith.constant 0 : i32
    %dma_wait3A_724 = tpu.memref_slice %arg5[%dma_wait3A_717, %mul3A_2, %dma_wait3A_723] : memref<16x2048x128xf32, #tpu.memory_space<hbm>> -> memref<1x64x128xf32, #tpu.memory_space<hbm>>
    %dma_wait3A_725 = tpu.memref_squeeze %dma_wait3A_724 : memref<1x64x128xf32, #tpu.memory_space<hbm>> -> memref<64x128xf32, #tpu.memory_space<hbm>>
    %dma_wait3A_726 = tpu.memref_slice %arg10[%dma_wait3A_718] : memref<6x!tpu.dma_semaphore, #tpu.memory_space<semaphore_mem>> -> memref<1x!tpu.dma_semaphore, #tpu.memory_space<semaphore_mem>>
    %dma_wait3A_727 = tpu.memref_squeeze %dma_wait3A_726 : memref<1x!tpu.dma_semaphore, #tpu.memory_space<semaphore_mem>> -> memref<!tpu.dma_semaphore, #tpu.memory_space<semaphore_mem>>
    %dma_wait3A_728 = arith.constant 0 : i32
    %dma_wait3A_729 = tpu.memref_slice %arg5[%dma_wait3A_717, %mul3A_2, %dma_wait3A_728] : memref<16x2048x128xf32, #tpu.memory_space<hbm>> -> memref<1x64x128xf32, #tpu.memory_space<hbm>>
    %dma_wait3A_730 = tpu.memref_squeeze %dma_wait3A_729 : memref<1x64x128xf32, #tpu.memory_space<hbm>> -> memref<64x128xf32, #tpu.memory_space<hbm>>
    %dma_wait3A_731 = arith.constant 0 : i32
    %dma_wait3A_732 = arith.constant 0 : i32
    %dma_wait3A_733 = tpu.memref_slice %arg8[%dma_wait3A_716, %dma_wait3A_731, %dma_wait3A_732] : memref<6x128x128xf32, #tpu.memory_space<vmem>> -> memref<1x64x128xf32, #tpu.memory_space<vmem>>
    %dma_wait3A_734 = tpu.memref_squeeze %dma_wait3A_733 : memref<1x64x128xf32, #tpu.memory_space<vmem>> -> memref<64x128xf32, #tpu.memory_space<vmem>>
    tpu.wait_dma2 semaphore(%dma_wait3A_727 : memref<!tpu.dma_semaphore, #tpu.memory_space<semaphore_mem>>) src(%dma_wait3A_734 : memref<64x128xf32, #tpu.memory_space<vmem>>) dst(%dma_wait3A_730 : memref<64x128xf32, #tpu.memory_space<hbm>>)
    %dma_wait3A_735 = arith.constant 2 : i32
    %dma_wait3A_736 = arith.constant 5 : i32
    %dma_wait3A_737 = arith.constant 2 : i32
    %dma_wait3A_738 = arith.constant 64 : i32
    %dma_wait3A_739 = arith.constant 0 : i32
    %dma_wait3A_740 = tpu.memref_slice %arg8[%dma_wait3A_735, %dma_wait3A_738, %dma_wait3A_739] : memref<6x128x128xf32, #tpu.memory_space<vmem>> -> memref<1x64x128xf32, #tpu.memory_space<vmem>>
    %dma_wait3A_741 = tpu.memref_squeeze %dma_wait3A_740 : memref<1x64x128xf32, #tpu.memory_space<vmem>> -> memref<64x128xf32, #tpu.memory_space<vmem>>
    %dma_wait3A_742 = arith.constant 0 : i32
    %dma_wait3A_743 = tpu.memref_slice %arg5[%dma_wait3A_736, %mul3A_2, %dma_wait3A_742] : memref<16x2048x128xf32, #tpu.memory_space<hbm>> -> memref<1x64x128xf32, #tpu.memory_space<hbm>>
    %dma_wait3A_744 = tpu.memref_squeeze %dma_wait3A_743 : memref<1x64x128xf32, #tpu.memory_space<hbm>> -> memref<64x128xf32, #tpu.memory_space<hbm>>
    %dma_wait3A_745 = tpu.memref_slice %arg10[%dma_wait3A_737] : memref<6x!tpu.dma_semaphore, #tpu.memory_space<semaphore_mem>> -> memref<1x!tpu.dma_semaphore, #tpu.memory_space<semaphore_mem>>
    %dma_wait3A_746 = tpu.memref_squeeze %dma_wait3A_745 : memref<1x!tpu.dma_semaphore, #tpu.memory_space<semaphore_mem>> -> memref<!tpu.dma_semaphore, #tpu.memory_space<semaphore_mem>>
    %dma_wait3A_747 = arith.constant 0 : i32
    %dma_wait3A_748 = tpu.memref_slice %arg5[%dma_wait3A_736, %mul3A_2, %dma_wait3A_747] : memref<16x2048x128xf32, #tpu.memory_space<hbm>> -> memref<1x64x128xf32, #tpu.memory_space<hbm>>
    %dma_wait3A_749 = tpu.memref_squeeze %dma_wait3A_748 : memref<1x64x128xf32, #tpu.memory_space<hbm>> -> memref<64x128xf32, #tpu.memory_space<hbm>>
    %dma_wait3A_750 = arith.constant 64 : i32
    %dma_wait3A_751 = arith.constant 0 : i32
    %dma_wait3A_752 = tpu.memref_slice %arg8[%dma_wait3A_735, %dma_wait3A_750, %dma_wait3A_751] : memref<6x128x128xf32, #tpu.memory_space<vmem>> -> memref<1x64x128xf32, #tpu.memory_space<vmem>>
    %dma_wait3A_753 = tpu.memref_squeeze %dma_wait3A_752 : memref<1x64x128xf32, #tpu.memory_space<vmem>> -> memref<64x128xf32, #tpu.memory_space<vmem>>
    tpu.wait_dma2 semaphore(%dma_wait3A_746 : memref<!tpu.dma_semaphore, #tpu.memory_space<semaphore_mem>>) src(%dma_wait3A_753 : memref<64x128xf32, #tpu.memory_space<vmem>>) dst(%dma_wait3A_749 : memref<64x128xf32, #tpu.memory_space<hbm>>)
    %dma_wait3A_754 = arith.constant 3 : i32
    %dma_wait3A_755 = arith.constant 6 : i32
    %dma_wait3A_756 = arith.constant 3 : i32
    %dma_wait3A_757 = arith.constant 0 : i32
    %dma_wait3A_758 = arith.constant 0 : i32
    %dma_wait3A_759 = tpu.memref_slice %arg8[%dma_wait3A_754, %dma_wait3A_757, %dma_wait3A_758] : memref<6x128x128xf32, #tpu.memory_space<vmem>> -> memref<1x64x128xf32, #tpu.memory_space<vmem>>
    %dma_wait3A_760 = tpu.memref_squeeze %dma_wait3A_759 : memref<1x64x128xf32, #tpu.memory_space<vmem>> -> memref<64x128xf32, #tpu.memory_space<vmem>>
    %dma_wait3A_761 = arith.constant 0 : i32
    %dma_wait3A_762 = tpu.memref_slice %arg5[%dma_wait3A_755, %mul3A_2, %dma_wait3A_761] : memref<16x2048x128xf32, #tpu.memory_space<hbm>> -> memref<1x64x128xf32, #tpu.memory_space<hbm>>
    %dma_wait3A_763 = tpu.memref_squeeze %dma_wait3A_762 : memref<1x64x128xf32, #tpu.memory_space<hbm>> -> memref<64x128xf32, #tpu.memory_space<hbm>>
    %dma_wait3A_764 = tpu.memref_slice %arg10[%dma_wait3A_756] : memref<6x!tpu.dma_semaphore, #tpu.memory_space<semaphore_mem>> -> memref<1x!tpu.dma_semaphore, #tpu.memory_space<semaphore_mem>>
    %dma_wait3A_765 = tpu.memref_squeeze %dma_wait3A_764 : memref<1x!tpu.dma_semaphore, #tpu.memory_space<semaphore_mem>> -> memref<!tpu.dma_semaphore, #tpu.memory_space<semaphore_mem>>
    %dma_wait3A_766 = arith.constant 0 : i32
    %dma_wait3A_767 = tpu.memref_slice %arg5[%dma_wait3A_755, %mul3A_2, %dma_wait3A_766] : memref<16x2048x128xf32, #tpu.memory_space<hbm>> -> memref<1x64x128xf32, #tpu.memory_space<hbm>>
    %dma_wait3A_768 = tpu.memref_squeeze %dma_wait3A_767 : memref<1x64x128xf32, #tpu.memory_space<hbm>> -> memref<64x128xf32, #tpu.memory_space<hbm>>
    %dma_wait3A_769 = arith.constant 0 : i32
    %dma_wait3A_770 = arith.constant 0 : i32
    %dma_wait3A_771 = tpu.memref_slice %arg8[%dma_wait3A_754, %dma_wait3A_769, %dma_wait3A_770] : memref<6x128x128xf32, #tpu.memory_space<vmem>> -> memref<1x64x128xf32, #tpu.memory_space<vmem>>
    %dma_wait3A_772 = tpu.memref_squeeze %dma_wait3A_771 : memref<1x64x128xf32, #tpu.memory_space<vmem>> -> memref<64x128xf32, #tpu.memory_space<vmem>>
    tpu.wait_dma2 semaphore(%dma_wait3A_765 : memref<!tpu.dma_semaphore, #tpu.memory_space<semaphore_mem>>) src(%dma_wait3A_772 : memref<64x128xf32, #tpu.memory_space<vmem>>) dst(%dma_wait3A_768 : memref<64x128xf32, #tpu.memory_space<hbm>>)
    %dma_wait3A_773 = arith.constant 3 : i32
    %dma_wait3A_774 = arith.constant 7 : i32
    %dma_wait3A_775 = arith.constant 3 : i32
    %dma_wait3A_776 = arith.constant 64 : i32
    %dma_wait3A_777 = arith.constant 0 : i32
    %dma_wait3A_778 = tpu.memref_slice %arg8[%dma_wait3A_773, %dma_wait3A_776, %dma_wait3A_777] : memref<6x128x128xf32, #tpu.memory_space<vmem>> -> memref<1x64x128xf32, #tpu.memory_space<vmem>>
    %dma_wait3A_779 = tpu.memref_squeeze %dma_wait3A_778 : memref<1x64x128xf32, #tpu.memory_space<vmem>> -> memref<64x128xf32, #tpu.memory_space<vmem>>
    %dma_wait3A_780 = arith.constant 0 : i32
    %dma_wait3A_781 = tpu.memref_slice %arg5[%dma_wait3A_774, %mul3A_2, %dma_wait3A_780] : memref<16x2048x128xf32, #tpu.memory_space<hbm>> -> memref<1x64x128xf32, #tpu.memory_space<hbm>>
    %dma_wait3A_782 = tpu.memref_squeeze %dma_wait3A_781 : memref<1x64x128xf32, #tpu.memory_space<hbm>> -> memref<64x128xf32, #tpu.memory_space<hbm>>
    %dma_wait3A_783 = tpu.memref_slice %arg10[%dma_wait3A_775] : memref<6x!tpu.dma_semaphore, #tpu.memory_space<semaphore_mem>> -> memref<1x!tpu.dma_semaphore, #tpu.memory_space<semaphore_mem>>
    %dma_wait3A_784 = tpu.memref_squeeze %dma_wait3A_783 : memref<1x!tpu.dma_semaphore, #tpu.memory_space<semaphore_mem>> -> memref<!tpu.dma_semaphore, #tpu.memory_space<semaphore_mem>>
    %dma_wait3A_785 = arith.constant 0 : i32
    %dma_wait3A_786 = tpu.memref_slice %arg5[%dma_wait3A_774, %mul3A_2, %dma_wait3A_785] : memref<16x2048x128xf32, #tpu.memory_space<hbm>> -> memref<1x64x128xf32, #tpu.memory_space<hbm>>
    %dma_wait3A_787 = tpu.memref_squeeze %dma_wait3A_786 : memref<1x64x128xf32, #tpu.memory_space<hbm>> -> memref<64x128xf32, #tpu.memory_space<hbm>>
    %dma_wait3A_788 = arith.constant 64 : i32
    %dma_wait3A_789 = arith.constant 0 : i32
    %dma_wait3A_790 = tpu.memref_slice %arg8[%dma_wait3A_773, %dma_wait3A_788, %dma_wait3A_789] : memref<6x128x128xf32, #tpu.memory_space<vmem>> -> memref<1x64x128xf32, #tpu.memory_space<vmem>>
    %dma_wait3A_791 = tpu.memref_squeeze %dma_wait3A_790 : memref<1x64x128xf32, #tpu.memory_space<vmem>> -> memref<64x128xf32, #tpu.memory_space<vmem>>
    tpu.wait_dma2 semaphore(%dma_wait3A_784 : memref<!tpu.dma_semaphore, #tpu.memory_space<semaphore_mem>>) src(%dma_wait3A_791 : memref<64x128xf32, #tpu.memory_space<vmem>>) dst(%dma_wait3A_787 : memref<64x128xf32, #tpu.memory_space<hbm>>)
    %dma_wait3A_792 = arith.constant 4 : i32
    %dma_wait3A_793 = arith.constant 8 : i32
    %dma_wait3A_794 = arith.constant 4 : i32
    %dma_wait3A_795 = arith.constant 0 : i32
    %dma_wait3A_796 = arith.constant 0 : i32
    %dma_wait3A_797 = tpu.memref_slice %arg8[%dma_wait3A_792, %dma_wait3A_795, %dma_wait3A_796] : memref<6x128x128xf32, #tpu.memory_space<vmem>> -> memref<1x64x128xf32, #tpu.memory_space<vmem>>
    %dma_wait3A_798 = tpu.memref_squeeze %dma_wait3A_797 : memref<1x64x128xf32, #tpu.memory_space<vmem>> -> memref<64x128xf32, #tpu.memory_space<vmem>>
    %dma_wait3A_799 = arith.constant 0 : i32
    %dma_wait3A_800 = tpu.memref_slice %arg5[%dma_wait3A_793, %mul3A_2, %dma_wait3A_799] : memref<16x2048x128xf32, #tpu.memory_space<hbm>> -> memref<1x64x128xf32, #tpu.memory_space<hbm>>
    %dma_wait3A_801 = tpu.memref_squeeze %dma_wait3A_800 : memref<1x64x128xf32, #tpu.memory_space<hbm>> -> memref<64x128xf32, #tpu.memory_space<hbm>>
    %dma_wait3A_802 = tpu.memref_slice %arg10[%dma_wait3A_794] : memref<6x!tpu.dma_semaphore, #tpu.memory_space<semaphore_mem>> -> memref<1x!tpu.dma_semaphore, #tpu.memory_space<semaphore_mem>>
    %dma_wait3A_803 = tpu.memref_squeeze %dma_wait3A_802 : memref<1x!tpu.dma_semaphore, #tpu.memory_space<semaphore_mem>> -> memref<!tpu.dma_semaphore, #tpu.memory_space<semaphore_mem>>
    %dma_wait3A_804 = arith.constant 0 : i32
    %dma_wait3A_805 = tpu.memref_slice %arg5[%dma_wait3A_793, %mul3A_2, %dma_wait3A_804] : memref<16x2048x128xf32, #tpu.memory_space<hbm>> -> memref<1x64x128xf32, #tpu.memory_space<hbm>>
    %dma_wait3A_806 = tpu.memref_squeeze %dma_wait3A_805 : memref<1x64x128xf32, #tpu.memory_space<hbm>> -> memref<64x128xf32, #tpu.memory_space<hbm>>
    %dma_wait3A_807 = arith.constant 0 : i32
    %dma_wait3A_808 = arith.constant 0 : i32
    %dma_wait3A_809 = tpu.memref_slice %arg8[%dma_wait3A_792, %dma_wait3A_807, %dma_wait3A_808] : memref<6x128x128xf32, #tpu.memory_space<vmem>> -> memref<1x64x128xf32, #tpu.memory_space<vmem>>
    %dma_wait3A_810 = tpu.memref_squeeze %dma_wait3A_809 : memref<1x64x128xf32, #tpu.memory_space<vmem>> -> memref<64x128xf32, #tpu.memory_space<vmem>>
    tpu.wait_dma2 semaphore(%dma_wait3A_803 : memref<!tpu.dma_semaphore, #tpu.memory_space<semaphore_mem>>) src(%dma_wait3A_810 : memref<64x128xf32, #tpu.memory_space<vmem>>) dst(%dma_wait3A_806 : memref<64x128xf32, #tpu.memory_space<hbm>>)
    %dma_wait3A_811 = arith.constant 4 : i32
    %dma_wait3A_812 = arith.constant 9 : i32
    %dma_wait3A_813 = arith.constant 4 : i32
    %dma_wait3A_814 = arith.constant 64 : i32
    %dma_wait3A_815 = arith.constant 0 : i32
    %dma_wait3A_816 = tpu.memref_slice %arg8[%dma_wait3A_811, %dma_wait3A_814, %dma_wait3A_815] : memref<6x128x128xf32, #tpu.memory_space<vmem>> -> memref<1x64x128xf32, #tpu.memory_space<vmem>>
    %dma_wait3A_817 = tpu.memref_squeeze %dma_wait3A_816 : memref<1x64x128xf32, #tpu.memory_space<vmem>> -> memref<64x128xf32, #tpu.memory_space<vmem>>
    %dma_wait3A_818 = arith.constant 0 : i32
    %dma_wait3A_819 = tpu.memref_slice %arg5[%dma_wait3A_812, %mul3A_2, %dma_wait3A_818] : memref<16x2048x128xf32, #tpu.memory_space<hbm>> -> memref<1x64x128xf32, #tpu.memory_space<hbm>>
    %dma_wait3A_820 = tpu.memref_squeeze %dma_wait3A_819 : memref<1x64x128xf32, #tpu.memory_space<hbm>> -> memref<64x128xf32, #tpu.memory_space<hbm>>
    %dma_wait3A_821 = tpu.memref_slice %arg10[%dma_wait3A_813] : memref<6x!tpu.dma_semaphore, #tpu.memory_space<semaphore_mem>> -> memref<1x!tpu.dma_semaphore, #tpu.memory_space<semaphore_mem>>
    %dma_wait3A_822 = tpu.memref_squeeze %dma_wait3A_821 : memref<1x!tpu.dma_semaphore, #tpu.memory_space<semaphore_mem>> -> memref<!tpu.dma_semaphore, #tpu.memory_space<semaphore_mem>>
    %dma_wait3A_823 = arith.constant 0 : i32
    %dma_wait3A_824 = tpu.memref_slice %arg5[%dma_wait3A_812, %mul3A_2, %dma_wait3A_823] : memref<16x2048x128xf32, #tpu.memory_space<hbm>> -> memref<1x64x128xf32, #tpu.memory_space<hbm>>
    %dma_wait3A_825 = tpu.memref_squeeze %dma_wait3A_824 : memref<1x64x128xf32, #tpu.memory_space<hbm>> -> memref<64x128xf32, #tpu.memory_space<hbm>>
    %dma_wait3A_826 = arith.constant 64 : i32
    %dma_wait3A_827 = arith.constant 0 : i32
    %dma_wait3A_828 = tpu.memref_slice %arg8[%dma_wait3A_811, %dma_wait3A_826, %dma_wait3A_827] : memref<6x128x128xf32, #tpu.memory_space<vmem>> -> memref<1x64x128xf32, #tpu.memory_space<vmem>>
    %dma_wait3A_829 = tpu.memref_squeeze %dma_wait3A_828 : memref<1x64x128xf32, #tpu.memory_space<vmem>> -> memref<64x128xf32, #tpu.memory_space<vmem>>
    tpu.wait_dma2 semaphore(%dma_wait3A_822 : memref<!tpu.dma_semaphore, #tpu.memory_space<semaphore_mem>>) src(%dma_wait3A_829 : memref<64x128xf32, #tpu.memory_space<vmem>>) dst(%dma_wait3A_825 : memref<64x128xf32, #tpu.memory_space<hbm>>)
    %dma_wait3A_830 = arith.constant 5 : i32
    %dma_wait3A_831 = arith.constant 10 : i32
    %dma_wait3A_832 = arith.constant 5 : i32
    %dma_wait3A_833 = arith.constant 0 : i32
    %dma_wait3A_834 = arith.constant 0 : i32
    %dma_wait3A_835 = tpu.memref_slice %arg8[%dma_wait3A_830, %dma_wait3A_833, %dma_wait3A_834] : memref<6x128x128xf32, #tpu.memory_space<vmem>> -> memref<1x64x128xf32, #tpu.memory_space<vmem>>
    %dma_wait3A_836 = tpu.memref_squeeze %dma_wait3A_835 : memref<1x64x128xf32, #tpu.memory_space<vmem>> -> memref<64x128xf32, #tpu.memory_space<vmem>>
    %dma_wait3A_837 = arith.constant 0 : i32
    %dma_wait3A_838 = tpu.memref_slice %arg5[%dma_wait3A_831, %mul3A_2, %dma_wait3A_837] : memref<16x2048x128xf32, #tpu.memory_space<hbm>> -> memref<1x64x128xf32, #tpu.memory_space<hbm>>
    %dma_wait3A_839 = tpu.memref_squeeze %dma_wait3A_838 : memref<1x64x128xf32, #tpu.memory_space<hbm>> -> memref<64x128xf32, #tpu.memory_space<hbm>>
    %dma_wait3A_840 = tpu.memref_slice %arg10[%dma_wait3A_832] : memref<6x!tpu.dma_semaphore, #tpu.memory_space<semaphore_mem>> -> memref<1x!tpu.dma_semaphore, #tpu.memory_space<semaphore_mem>>
    %dma_wait3A_841 = tpu.memref_squeeze %dma_wait3A_840 : memref<1x!tpu.dma_semaphore, #tpu.memory_space<semaphore_mem>> -> memref<!tpu.dma_semaphore, #tpu.memory_space<semaphore_mem>>
    %dma_wait3A_842 = arith.constant 0 : i32
    %dma_wait3A_843 = tpu.memref_slice %arg5[%dma_wait3A_831, %mul3A_2, %dma_wait3A_842] : memref<16x2048x128xf32, #tpu.memory_space<hbm>> -> memref<1x64x128xf32, #tpu.memory_space<hbm>>
    %dma_wait3A_844 = tpu.memref_squeeze %dma_wait3A_843 : memref<1x64x128xf32, #tpu.memory_space<hbm>> -> memref<64x128xf32, #tpu.memory_space<hbm>>
    %dma_wait3A_845 = arith.constant 0 : i32
    %dma_wait3A_846 = arith.constant 0 : i32
    %dma_wait3A_847 = tpu.memref_slice %arg8[%dma_wait3A_830, %dma_wait3A_845, %dma_wait3A_846] : memref<6x128x128xf32, #tpu.memory_space<vmem>> -> memref<1x64x128xf32, #tpu.memory_space<vmem>>
    %dma_wait3A_848 = tpu.memref_squeeze %dma_wait3A_847 : memref<1x64x128xf32, #tpu.memory_space<vmem>> -> memref<64x128xf32, #tpu.memory_space<vmem>>
    tpu.wait_dma2 semaphore(%dma_wait3A_841 : memref<!tpu.dma_semaphore, #tpu.memory_space<semaphore_mem>>) src(%dma_wait3A_848 : memref<64x128xf32, #tpu.memory_space<vmem>>) dst(%dma_wait3A_844 : memref<64x128xf32, #tpu.memory_space<hbm>>)
    %dma_wait3A_849 = arith.constant 5 : i32
    %dma_wait3A_850 = arith.constant 11 : i32
    %dma_wait3A_851 = arith.constant 5 : i32
    %dma_wait3A_852 = arith.constant 64 : i32
    %dma_wait3A_853 = arith.constant 0 : i32
    %dma_wait3A_854 = tpu.memref_slice %arg8[%dma_wait3A_849, %dma_wait3A_852, %dma_wait3A_853] : memref<6x128x128xf32, #tpu.memory_space<vmem>> -> memref<1x64x128xf32, #tpu.memory_space<vmem>>
    %dma_wait3A_855 = tpu.memref_squeeze %dma_wait3A_854 : memref<1x64x128xf32, #tpu.memory_space<vmem>> -> memref<64x128xf32, #tpu.memory_space<vmem>>
    %dma_wait3A_856 = arith.constant 0 : i32
    %dma_wait3A_857 = tpu.memref_slice %arg5[%dma_wait3A_850, %mul3A_2, %dma_wait3A_856] : memref<16x2048x128xf32, #tpu.memory_space<hbm>> -> memref<1x64x128xf32, #tpu.memory_space<hbm>>
    %dma_wait3A_858 = tpu.memref_squeeze %dma_wait3A_857 : memref<1x64x128xf32, #tpu.memory_space<hbm>> -> memref<64x128xf32, #tpu.memory_space<hbm>>
    %dma_wait3A_859 = tpu.memref_slice %arg10[%dma_wait3A_851] : memref<6x!tpu.dma_semaphore, #tpu.memory_space<semaphore_mem>> -> memref<1x!tpu.dma_semaphore, #tpu.memory_space<semaphore_mem>>
    %dma_wait3A_860 = tpu.memref_squeeze %dma_wait3A_859 : memref<1x!tpu.dma_semaphore, #tpu.memory_space<semaphore_mem>> -> memref<!tpu.dma_semaphore, #tpu.memory_space<semaphore_mem>>
    %dma_wait3A_861 = arith.constant 0 : i32
    %dma_wait3A_862 = tpu.memref_slice %arg5[%dma_wait3A_850, %mul3A_2, %dma_wait3A_861] : memref<16x2048x128xf32, #tpu.memory_space<hbm>> -> memref<1x64x128xf32, #tpu.memory_space<hbm>>
    %dma_wait3A_863 = tpu.memref_squeeze %dma_wait3A_862 : memref<1x64x128xf32, #tpu.memory_space<hbm>> -> memref<64x128xf32, #tpu.memory_space<hbm>>
    %dma_wait3A_864 = arith.constant 64 : i32
    %dma_wait3A_865 = arith.constant 0 : i32
    %dma_wait3A_866 = tpu.memref_slice %arg8[%dma_wait3A_849, %dma_wait3A_864, %dma_wait3A_865] : memref<6x128x128xf32, #tpu.memory_space<vmem>> -> memref<1x64x128xf32, #tpu.memory_space<vmem>>
    %dma_wait3A_867 = tpu.memref_squeeze %dma_wait3A_866 : memref<1x64x128xf32, #tpu.memory_space<vmem>> -> memref<64x128xf32, #tpu.memory_space<vmem>>
    tpu.wait_dma2 semaphore(%dma_wait3A_860 : memref<!tpu.dma_semaphore, #tpu.memory_space<semaphore_mem>>) src(%dma_wait3A_867 : memref<64x128xf32, #tpu.memory_space<vmem>>) dst(%dma_wait3A_863 : memref<64x128xf32, #tpu.memory_space<hbm>>)
    %dma_wait3A_868 = arith.constant 0 : i32
    %dma_wait3A_869 = arith.constant 12 : i32
    %dma_wait3A_870 = arith.constant 0 : i32
    %dma_wait3A_871 = arith.constant 0 : i32
    %dma_wait3A_872 = arith.constant 0 : i32
    %dma_wait3A_873 = tpu.memref_slice %arg8[%dma_wait3A_868, %dma_wait3A_871, %dma_wait3A_872] : memref<6x128x128xf32, #tpu.memory_space<vmem>> -> memref<1x64x128xf32, #tpu.memory_space<vmem>>
    %dma_wait3A_874 = tpu.memref_squeeze %dma_wait3A_873 : memref<1x64x128xf32, #tpu.memory_space<vmem>> -> memref<64x128xf32, #tpu.memory_space<vmem>>
    %dma_wait3A_875 = arith.constant 0 : i32
    %dma_wait3A_876 = tpu.memref_slice %arg5[%dma_wait3A_869, %mul3A_2, %dma_wait3A_875] : memref<16x2048x128xf32, #tpu.memory_space<hbm>> -> memref<1x64x128xf32, #tpu.memory_space<hbm>>
    %dma_wait3A_877 = tpu.memref_squeeze %dma_wait3A_876 : memref<1x64x128xf32, #tpu.memory_space<hbm>> -> memref<64x128xf32, #tpu.memory_space<hbm>>
    %dma_wait3A_878 = tpu.memref_slice %arg10[%dma_wait3A_870] : memref<6x!tpu.dma_semaphore, #tpu.memory_space<semaphore_mem>> -> memref<1x!tpu.dma_semaphore, #tpu.memory_space<semaphore_mem>>
    %dma_wait3A_879 = tpu.memref_squeeze %dma_wait3A_878 : memref<1x!tpu.dma_semaphore, #tpu.memory_space<semaphore_mem>> -> memref<!tpu.dma_semaphore, #tpu.memory_space<semaphore_mem>>
    %dma_wait3A_880 = arith.constant 0 : i32
    %dma_wait3A_881 = tpu.memref_slice %arg5[%dma_wait3A_869, %mul3A_2, %dma_wait3A_880] : memref<16x2048x128xf32, #tpu.memory_space<hbm>> -> memref<1x64x128xf32, #tpu.memory_space<hbm>>
    %dma_wait3A_882 = tpu.memref_squeeze %dma_wait3A_881 : memref<1x64x128xf32, #tpu.memory_space<hbm>> -> memref<64x128xf32, #tpu.memory_space<hbm>>
    %dma_wait3A_883 = arith.constant 0 : i32
    %dma_wait3A_884 = arith.constant 0 : i32
    %dma_wait3A_885 = tpu.memref_slice %arg8[%dma_wait3A_868, %dma_wait3A_883, %dma_wait3A_884] : memref<6x128x128xf32, #tpu.memory_space<vmem>> -> memref<1x64x128xf32, #tpu.memory_space<vmem>>
    %dma_wait3A_886 = tpu.memref_squeeze %dma_wait3A_885 : memref<1x64x128xf32, #tpu.memory_space<vmem>> -> memref<64x128xf32, #tpu.memory_space<vmem>>
    tpu.wait_dma2 semaphore(%dma_wait3A_879 : memref<!tpu.dma_semaphore, #tpu.memory_space<semaphore_mem>>) src(%dma_wait3A_886 : memref<64x128xf32, #tpu.memory_space<vmem>>) dst(%dma_wait3A_882 : memref<64x128xf32, #tpu.memory_space<hbm>>)
    %dma_wait3A_887 = arith.constant 0 : i32
    %dma_wait3A_888 = arith.constant 13 : i32
    %dma_wait3A_889 = arith.constant 0 : i32
    %dma_wait3A_890 = arith.constant 64 : i32
    %dma_wait3A_891 = arith.constant 0 : i32
    %dma_wait3A_892 = tpu.memref_slice %arg8[%dma_wait3A_887, %dma_wait3A_890, %dma_wait3A_891] : memref<6x128x128xf32, #tpu.memory_space<vmem>> -> memref<1x64x128xf32, #tpu.memory_space<vmem>>
    %dma_wait3A_893 = tpu.memref_squeeze %dma_wait3A_892 : memref<1x64x128xf32, #tpu.memory_space<vmem>> -> memref<64x128xf32, #tpu.memory_space<vmem>>
    %dma_wait3A_894 = arith.constant 0 : i32
    %dma_wait3A_895 = tpu.memref_slice %arg5[%dma_wait3A_888, %mul3A_2, %dma_wait3A_894] : memref<16x2048x128xf32, #tpu.memory_space<hbm>> -> memref<1x64x128xf32, #tpu.memory_space<hbm>>
    %dma_wait3A_896 = tpu.memref_squeeze %dma_wait3A_895 : memref<1x64x128xf32, #tpu.memory_space<hbm>> -> memref<64x128xf32, #tpu.memory_space<hbm>>
    %dma_wait3A_897 = tpu.memref_slice %arg10[%dma_wait3A_889] : memref<6x!tpu.dma_semaphore, #tpu.memory_space<semaphore_mem>> -> memref<1x!tpu.dma_semaphore, #tpu.memory_space<semaphore_mem>>
    %dma_wait3A_898 = tpu.memref_squeeze %dma_wait3A_897 : memref<1x!tpu.dma_semaphore, #tpu.memory_space<semaphore_mem>> -> memref<!tpu.dma_semaphore, #tpu.memory_space<semaphore_mem>>
    %dma_wait3A_899 = arith.constant 0 : i32
    %dma_wait3A_900 = tpu.memref_slice %arg5[%dma_wait3A_888, %mul3A_2, %dma_wait3A_899] : memref<16x2048x128xf32, #tpu.memory_space<hbm>> -> memref<1x64x128xf32, #tpu.memory_space<hbm>>
    %dma_wait3A_901 = tpu.memref_squeeze %dma_wait3A_900 : memref<1x64x128xf32, #tpu.memory_space<hbm>> -> memref<64x128xf32, #tpu.memory_space<hbm>>
    %dma_wait3A_902 = arith.constant 64 : i32
    %dma_wait3A_903 = arith.constant 0 : i32
    %dma_wait3A_904 = tpu.memref_slice %arg8[%dma_wait3A_887, %dma_wait3A_902, %dma_wait3A_903] : memref<6x128x128xf32, #tpu.memory_space<vmem>> -> memref<1x64x128xf32, #tpu.memory_space<vmem>>
    %dma_wait3A_905 = tpu.memref_squeeze %dma_wait3A_904 : memref<1x64x128xf32, #tpu.memory_space<vmem>> -> memref<64x128xf32, #tpu.memory_space<vmem>>
    tpu.wait_dma2 semaphore(%dma_wait3A_898 : memref<!tpu.dma_semaphore, #tpu.memory_space<semaphore_mem>>) src(%dma_wait3A_905 : memref<64x128xf32, #tpu.memory_space<vmem>>) dst(%dma_wait3A_901 : memref<64x128xf32, #tpu.memory_space<hbm>>)
    %dma_wait3A_906 = arith.constant 1 : i32
    %dma_wait3A_907 = arith.constant 14 : i32
    %dma_wait3A_908 = arith.constant 1 : i32
    %dma_wait3A_909 = arith.constant 0 : i32
    %dma_wait3A_910 = arith.constant 0 : i32
    %dma_wait3A_911 = tpu.memref_slice %arg8[%dma_wait3A_906, %dma_wait3A_909, %dma_wait3A_910] : memref<6x128x128xf32, #tpu.memory_space<vmem>> -> memref<1x64x128xf32, #tpu.memory_space<vmem>>
    %dma_wait3A_912 = tpu.memref_squeeze %dma_wait3A_911 : memref<1x64x128xf32, #tpu.memory_space<vmem>> -> memref<64x128xf32, #tpu.memory_space<vmem>>
    %dma_wait3A_913 = arith.constant 0 : i32
    %dma_wait3A_914 = tpu.memref_slice %arg5[%dma_wait3A_907, %mul3A_2, %dma_wait3A_913] : memref<16x2048x128xf32, #tpu.memory_space<hbm>> -> memref<1x64x128xf32, #tpu.memory_space<hbm>>
    %dma_wait3A_915 = tpu.memref_squeeze %dma_wait3A_914 : memref<1x64x128xf32, #tpu.memory_space<hbm>> -> memref<64x128xf32, #tpu.memory_space<hbm>>
    %dma_wait3A_916 = tpu.memref_slice %arg10[%dma_wait3A_908] : memref<6x!tpu.dma_semaphore, #tpu.memory_space<semaphore_mem>> -> memref<1x!tpu.dma_semaphore, #tpu.memory_space<semaphore_mem>>
    %dma_wait3A_917 = tpu.memref_squeeze %dma_wait3A_916 : memref<1x!tpu.dma_semaphore, #tpu.memory_space<semaphore_mem>> -> memref<!tpu.dma_semaphore, #tpu.memory_space<semaphore_mem>>
    %dma_wait3A_918 = arith.constant 0 : i32
    %dma_wait3A_919 = tpu.memref_slice %arg5[%dma_wait3A_907, %mul3A_2, %dma_wait3A_918] : memref<16x2048x128xf32, #tpu.memory_space<hbm>> -> memref<1x64x128xf32, #tpu.memory_space<hbm>>
    %dma_wait3A_920 = tpu.memref_squeeze %dma_wait3A_919 : memref<1x64x128xf32, #tpu.memory_space<hbm>> -> memref<64x128xf32, #tpu.memory_space<hbm>>
    %dma_wait3A_921 = arith.constant 0 : i32
    %dma_wait3A_922 = arith.constant 0 : i32
    %dma_wait3A_923 = tpu.memref_slice %arg8[%dma_wait3A_906, %dma_wait3A_921, %dma_wait3A_922] : memref<6x128x128xf32, #tpu.memory_space<vmem>> -> memref<1x64x128xf32, #tpu.memory_space<vmem>>
    %dma_wait3A_924 = tpu.memref_squeeze %dma_wait3A_923 : memref<1x64x128xf32, #tpu.memory_space<vmem>> -> memref<64x128xf32, #tpu.memory_space<vmem>>
    tpu.wait_dma2 semaphore(%dma_wait3A_917 : memref<!tpu.dma_semaphore, #tpu.memory_space<semaphore_mem>>) src(%dma_wait3A_924 : memref<64x128xf32, #tpu.memory_space<vmem>>) dst(%dma_wait3A_920 : memref<64x128xf32, #tpu.memory_space<hbm>>)
    %dma_wait3A_925 = arith.constant 1 : i32
    %dma_wait3A_926 = arith.constant 15 : i32
    %dma_wait3A_927 = arith.constant 1 : i32
    %dma_wait3A_928 = arith.constant 64 : i32
    %dma_wait3A_929 = arith.constant 0 : i32
    %dma_wait3A_930 = tpu.memref_slice %arg8[%dma_wait3A_925, %dma_wait3A_928, %dma_wait3A_929] : memref<6x128x128xf32, #tpu.memory_space<vmem>> -> memref<1x64x128xf32, #tpu.memory_space<vmem>>
    %dma_wait3A_931 = tpu.memref_squeeze %dma_wait3A_930 : memref<1x64x128xf32, #tpu.memory_space<vmem>> -> memref<64x128xf32, #tpu.memory_space<vmem>>
    %dma_wait3A_932 = arith.constant 0 : i32
    %dma_wait3A_933 = tpu.memref_slice %arg5[%dma_wait3A_926, %mul3A_2, %dma_wait3A_932] : memref<16x2048x128xf32, #tpu.memory_space<hbm>> -> memref<1x64x128xf32, #tpu.memory_space<hbm>>
    %dma_wait3A_934 = tpu.memref_squeeze %dma_wait3A_933 : memref<1x64x128xf32, #tpu.memory_space<hbm>> -> memref<64x128xf32, #tpu.memory_space<hbm>>
    %dma_wait3A_935 = tpu.memref_slice %arg10[%dma_wait3A_927] : memref<6x!tpu.dma_semaphore, #tpu.memory_space<semaphore_mem>> -> memref<1x!tpu.dma_semaphore, #tpu.memory_space<semaphore_mem>>
    %dma_wait3A_936 = tpu.memref_squeeze %dma_wait3A_935 : memref<1x!tpu.dma_semaphore, #tpu.memory_space<semaphore_mem>> -> memref<!tpu.dma_semaphore, #tpu.memory_space<semaphore_mem>>
    %dma_wait3A_937 = arith.constant 0 : i32
    %dma_wait3A_938 = tpu.memref_slice %arg5[%dma_wait3A_926, %mul3A_2, %dma_wait3A_937] : memref<16x2048x128xf32, #tpu.memory_space<hbm>> -> memref<1x64x128xf32, #tpu.memory_space<hbm>>
    %dma_wait3A_939 = tpu.memref_squeeze %dma_wait3A_938 : memref<1x64x128xf32, #tpu.memory_space<hbm>> -> memref<64x128xf32, #tpu.memory_space<hbm>>
    %dma_wait3A_940 = arith.constant 64 : i32
    %dma_wait3A_941 = arith.constant 0 : i32
    %dma_wait3A_942 = tpu.memref_slice %arg8[%dma_wait3A_925, %dma_wait3A_940, %dma_wait3A_941] : memref<6x128x128xf32, #tpu.memory_space<vmem>> -> memref<1x64x128xf32, #tpu.memory_space<vmem>>
    %dma_wait3A_943 = tpu.memref_squeeze %dma_wait3A_942 : memref<1x64x128xf32, #tpu.memory_space<vmem>> -> memref<64x128xf32, #tpu.memory_space<vmem>>
    tpu.wait_dma2 semaphore(%dma_wait3A_936 : memref<!tpu.dma_semaphore, #tpu.memory_space<semaphore_mem>>) src(%dma_wait3A_943 : memref<64x128xf32, #tpu.memory_space<vmem>>) dst(%dma_wait3A_939 : memref<64x128xf32, #tpu.memory_space<hbm>>)
    return
  }
}

</mosaic_0001>

<sc_bundles>
// kernel: kernel.3.cloned.1.call-start
scs
__scs_entry_jumppad:
0x0: {  	(pc) =	sbr.rel $0x88, $3  }
0x1: {  	(tag) =	ssettag $0x0;
	lr =	simm.s32 $0x1  }
0x2: {  	[smem:$0x3F9E] =	sst lr;
	_ =	strace $0xD0000000  }
0x3: {  	_ = 	snop  }
0x4: {  	_ = 	snop  }
0x5: {  	_ = 	snop  }
0x6: {  	_ = 	snop  }
0x7: {  	_ = 	snop  }
__scs_overlays_trampoline_lowered:
0x8: {  	[smem:$0x3FAD] =	sst s0  }
0x9: {  	[smem:$0x3FAE] =	sst s1  }
0xa: {  	[smem:$0x3FAF] =	sst s2  }
0xb: {  	[smem:$0x3FB0] =	sst s3  }
0xc: {  	[smem:$0x3FB1] =	sst s4  }
0xd: {  	[smem:$0x3FB2] =	sst s5  }
0xe: {  	[smem:$0x3FB3] =	sst s6  }
0xf: {  	[smem:$0x3FB4] =	sst s7  }
0x10: {  	[smem:$0x3FB5] =	sst s8  }
0x11: {  	[smem:$0x3FB6] =	sst s9;
	s0 =	simm.s32 @!p0 $0x0  }
0x12: {  	s1 =	sld [smem:$0x3F9C];
	s0 =	simm.s32 @p0 $0x1  }
0x13: {  	[smem:$0x3FB7] =	sst s0;
	s0 =	simm.s32 @!p1 $0x0  }
0x14: {  	s2 =	sld [smem:$0x3F9B];
	s0 =	simm.s32 @p1 $0x1  }
0x15: {  	[smem:$0x3FB8] =	sst s0;
	s0 =	simm.s32 @!p2 $0x0  }
0x16: {  	s3 =	sld [smem:$0x3FDB];
	s0 =	simm.s32 @p2 $0x1  }
0x17: {  	s4 =	simm.s32 $0x1BF5;
	[smem:$0x3FBA] =	sst s0  }
0x18: {  	s0 =	sld [smem:$0x3F9D];
	_ =	swait.ge [sflag:s4], $0x0  }
0x19: {  	s7 =	sld [smem:$0x3F9E]  }
0x1a: {  	s8 =	sadd.s32 $0xFFFFE003, lr  }
0x1b: {  	s9 =	sadd.s32 $0xFFFFFEF7, lr;
	s5 =	simm.s32 $0xFFFFFFFF;
	p2 =	slt.u32 s8, $0xFFFFF086  }
0x1c: {  	p1 =	slt.u32 s9, $0xF7A;
	s5 =	simm.s32 @!p2 $0x0  }
0x1d: {  	s5 =	simm.s32 @p1 $0x1;
	p0 =	seq.s32 s7, s2  }
0x1e: {  	s7 =	smul.u32 @!p0 $0xF7A, s2;
	p2 =	seq.s32 @!p0 s5, $0x0  }
0x1f: {  	s9 =	smul.u32 $0xF7A, s1;
	s8 =	simm.s32 @!p0 $0x1BF5;
	p2 =	por !p2, p0  }
0x20: {  	[sflag:s8] =	ssyncset.s32 @!p0 $0xFFFFF086;
	s6 =	sadd.s32 @!p0 s3, s7;
	s7 =	simm.s32 @!p0 $0x108  }
0x21: {  	s3 =	sadd.s32 s3, s9;
	s6 =	sadd.s32 @!p0 $0x88, s6;
	s7 =	simm.s32 @p2 $0x1082  }
0x22: {  	[simem:s7], [sflag:s8] =	dma.local @!p0 [hbm:s6], $0xF7A  }
0x23: {  	s9 =	sor.u32 $0xD0000000, s2;
	s6 =	simm.s32 $0x108;
	_ =	swait.ge @!p0 [sflag:s8], $0x0  }
0x24: {  	s3 =	sadd.s32 $0x88, s3;
	s6 =	simm.s32 @!p1 $0x1082;
	[sflag:s4] =	ssyncset.s32 $0xFFFFF086  }
0x25: {  	[simem:s6], [sflag:s4] =	dma.local [hbm:s3], $0xF7A  }
0x26: {  	[smem:$0x3F9E] =	sst s1;
	(tag) =	ssettag s2;
	_ =	strace s9  }
0x27: {  	s1 =	sld [smem:$0x3FAE]  }
0x28: {  	s2 =	sld [smem:$0x3FAF]  }
0x29: {  	s4 =	sld [smem:$0x3FB1]  }
0x2a: {  	p0 =	seq.s32 s5, $0x0;
	s5 =	sld [smem:$0x3FB2]  }
0x2b: {  	s6 =	sld [smem:$0x3FB3]  }
0x2c: {  	s7 =	sld [smem:$0x3FB4]  }
0x2d: {  	s3 =	simm.s32 $0x108;
	s8 =	sld [smem:$0x3FB5]  }
0x2e: {  	s3 =	simm.s32 @!p0 $0x1082;
	s9 =	sld [smem:$0x3FB6]  }
0x2f: {  	lr =	sadd.s32 s0, s3;
	s0 =	sld [smem:$0x3FAD]  }
0x30: {  	s3 =	sld [smem:$0x3FB0]  }
0x31: {  	[smem:$0x3FB9] =	sst s10  }
0x32: {  	s10 =	sld [smem:$0x3FB7];
	_ =	sdelay $0x3  }
0x33: {  	p0 =	seq.s32 s10, $0x1;
	s10 =	sld [smem:$0x3FB9];
	_ =	sdelay $0x3  }
0x34: {  	[smem:$0x3FB9] =	sst s10  }
0x35: {  	s10 =	sld [smem:$0x3FB8];
	_ =	sdelay $0x3  }
0x36: {  	p1 =	seq.s32 s10, $0x1;
	s10 =	sld [smem:$0x3FB9];
	_ =	sdelay $0x3  }
0x37: {  	[smem:$0x3FB9] =	sst s10  }
0x38: {  	s10 =	sld [smem:$0x3FBA]  }
0x39: {  	_ = 	snop;
	(pc) =	sbr.ind lr, $3  }
0x3a: {  	_ = 	snop  }
0x3b: {  	_ = 	snop  }
0x3c: {  	p2 =	seq.s32 s10, $0x1;
	s10 =	sld [smem:$0x3FB9]  }
0x3d: {  	_ =	shalt  }
0x3e: {  	_ =	shalt  }
0x3f: {  	_ =	shalt  }
0x40: {  	_ =	shalt  }
0x41: {  	_ =	shalt  }
0x42: {  	_ =	shalt  }
0x43: {  	_ =	shalt  }
0x44: {  	_ =	shalt  }
0x45: {  	_ =	shalt  }
0x46: {  	_ =	shalt  }
0x47: {  	_ =	shalt  }
0x48: {  	_ =	shalt  }
0x49: {  	_ =	shalt  }
0x4a: {  	_ =	shalt  }
0x4b: {  	_ =	shalt  }
0x4c: {  	_ =	shalt  }
0x4d: {  	_ =	shalt  }
0x4e: {  	_ =	shalt  }
0x4f: {  	_ =	shalt  }
0x50: {  	_ =	shalt  }
0x51: {  	_ =	shalt  }
0x52: {  	_ =	shalt  }
0x53: {  	_ =	shalt  }
0x54: {  	_ =	shalt  }
0x55: {  	_ =	shalt  }
0x56: {  	_ =	shalt  }
0x57: {  	_ =	shalt  }
0x58: {  	_ =	shalt  }
0x59: {  	_ =	shalt  }
0x5a: {  	_ =	shalt  }
0x5b: {  	_ =	shalt  }
0x5c: {  	_ =	shalt  }
0x5d: {  	_ =	shalt  }
0x5e: {  	_ =	shalt  }
0x5f: {  	_ =	shalt  }
0x60: {  	_ =	shalt  }
0x61: {  	_ =	shalt  }
0x62: {  	_ =	shalt  }
0x63: {  	_ =	shalt  }
0x64: {  	_ =	shalt  }
0x65: {  	_ =	shalt  }
0x66: {  	_ =	shalt  }
0x67: {  	_ =	shalt  }
0x68: {  	_ =	shalt  }
0x69: {  	_ =	shalt  }
0x6a: {  	_ =	shalt  }
0x6b: {  	_ =	shalt  }
0x6c: {  	_ =	shalt  }
0x6d: {  	_ =	shalt  }
0x6e: {  	_ =	shalt  }
0x6f: {  	_ =	shalt  }
0x70: {  	_ =	shalt  }
0x71: {  	_ =	shalt  }
0x72: {  	_ =	shalt  }
0x73: {  	_ =	shalt  }
0x74: {  	_ =	shalt  }
0x75: {  	_ =	shalt  }
0x76: {  	_ =	shalt  }
0x77: {  	_ =	shalt  }
0x78: {  	_ =	shalt  }
0x79: {  	_ =	shalt  }
0x7a: {  	_ =	shalt  }
0x7b: {  	_ =	shalt  }
0x7c: {  	_ =	shalt  }
0x7d: {  	_ =	shalt  }
0x7e: {  	_ =	shalt  }
0x7f: {  	_ =	shalt  }
0x80: {  	_ =	shalt  }
0x81: {  	_ =	shalt  }
0x82: {  	_ =	shalt  }
0x83: {  	_ =	shalt  }
0x84: {  	_ =	shalt  }
0x85: {  	_ =	shalt  }
0x86: {  	_ =	shalt  }
0x87: {  	_ =	shalt  }
.Lfunc_end0:
.L_simem_size_0:
called_computation_lowered:
.L_overlay_start_0:
0x88: {  	s2 =	sld [smem:$0x3FD9]  }
0x89: {  	s3 =	sld [smem:$0x3FFE];
	_ =	sdelay $0x1  }
0x8a: {  	s1 =	srdreg.scid  }
0x8b: {  	s0 =	sand.u32 $0x1, s1  }
0x8c: {  	s17 =	sshll.u32 s0, $0xA;
	s2 =	sadd.s32 s3, s2  }
0x8d: {  	s2 =	sadd.s32 s2, s17  }
0x8e: {  	[smem:$0x3FC5] =	sst s2  }
0x8f: {  	_ = 	snop  }
0x90: {  	s2 =	sld [smem:$0x3FC8]  }
0x91: {  	s18 =	sld [smem:$0x3FC7]  }
0x92: {  	s4 =	sld [smem:$0x3FD0];
	(tm) =	ssettm $0x1  }
0x93: {  	s5 =	sld [smem:$0x3FFB];
	_ =	sdelay $0x3  }
0x94: {  	_ =	strace s5  }
0x95: {  	s5 =	sld [smem:$0x3FFC];
	_ =	sdelay $0x3  }
0x96: {  	_ =	strace s5  }
0x97: {  	s5 =	sld [smem:$0x3FFD];
	_ =	sdelay $0x3  }
0x98: {  	_ =	strace s5  }
0x99: {  	_ =	strace $0x8FFFFFFF  }
0x9a: {  	s19 =	sld [smem:$0x3FDB];
	_ =	sdelay $0x1  }
0x9b: {  	s6 =	simm.s32 $_scs_section_size  }
0x9c: {  	s7 =	simm.s32 $_size__tile_overlayer_lowered;
	s8 =	simm.s32 $_tile_overlayer_lowered  }
0x9d: {  	s22 =	simm.s32 $0x1BFF;
	s21 =	sshll.u32 s8, $0x1;
	s5 =	sadd.s32 s6, s19  }
0x9e: {  	s9 =	simm.s32 $0x0;
	s20 =	sshll.u32 s7, $0x1;
	s7 =	sadd.s32 s21, s5  }
0x9f: {  	[timem:s9], [sflag:s22] =	dma.local [hbm:s7], s20  }
0xa0: {  	_ =	swait.ge [sflag:s22], s20  }
0xa1: {  	s6 =	ssub.s32 $0x0, s20;
	[sflag:s22] =	ssyncset.done $0x0  }
0xa2: {  	[sflag:s22] =	ssyncadd.s32 s6;
	_ =	sdelay $0x1  }
0xa3: {  	s23 =	simm.s32 $0x1B8B  }
0xa4: {  	_ =	swait.ge [sflag:s23], $0x1  }
0xa5: {  	[sflag:s23] =	ssyncset.done $0x0  }
0xa6: {  	s25 =	simm.s32 $0x1B8E;
	s24 =	sld [smem:$0x3FFE];
	[sflag:s23] =	ssyncadd.s32 $0xFFFFFFFF  }
0xa7: {  	s26 =	simm.s32 $execute0_lowered;
	[smem:$0x3FD2] =	sst s25  }
0xa8: {  	s7 =	sshll.u32 s26, $0x1;
	_ =	strace $0x80000046;
	[dreg:$0x1] =	wrdreg $0xFFFFFFFF  }
0xa9: {  	s28 =	simm.s32 $_size_execute0_lowered;
	s5 =	sadd.s32 s5, s7;
	[dreg:$0x0] =	wrdreg $0x0  }
0xaa: {  	s7 =	sshll.u32 s28, $0x1;
	[dreg:$0x2] =	wrdreg s5  }
0xab: {  	[dreg:$0x3] =	wrdreg s7  }
0xac: {  	[dreg:$0x4] =	wrdreg $0xC0  }
0xad: {  	_ =	task [dreg:s9], $0x5FFFF  }
0xae: {  	[dreg:$0x1] =	wrdreg $0xFFFFFFFF  }
0xaf: {  	[dreg:$0x0] =	wrdreg $0x60  }
0xb0: {  	[dreg:$0x2] =	wrdreg s24  }
0xb1: {  	[dreg:$0x3] =	wrdreg s2  }
0xb2: {  	[dreg:$0x4] =	wrdreg s18  }
0xb3: {  	[dreg:$0x5] =	wrdreg s4  }
0xb4: {  	[dreg:$0x6] =	wrdreg $0x9  }
0xb5: {  	_ =	task.clear_ibuf [dreg:s9], $0x7FFFF;
	_ =	strace $0x90000046  }
0xb6: {  	s29 =	simm.s32 $0x9;
	_ =	strace $0x80000048  }
0xb7: {  	_ =	swait.ge [sflag:s29], $0x1  }
0xb8: {  	[sflag:s29] =	ssyncadd.s32 $0xFFFFFFFF  }
0xb9: {  	_ =	strace $0x90000048  }
0xba: {  	_ =	sfence  }
0xbb: {  	s30 =	sld [smem:$0x0];
	_ =	sdelay $0x2  }
0xbc: {  	s31 =	sshll.u32 s1, $0xD;
	s1 =	sshrl.u32 s1, $0x2  }
0xbd: {  	s3 =	sand.u32 $0x4000, s31;
	s1 =	sadd.s32 s1, s30  }
0xbe: {  	s0 =	sor.u32 s3, s0;
	s1 =	sshll.u32 s1, $0x11  }
0xbf: {  	s0 =	sor.u32 s1, s0  }
0xc0: {  	s0 =	sadd.s32 $0x8F2B, s0  }
0xc1: {  	[sflag:s0] =	ssyncadd.remote.s32 $0x1  }
0xc2: {  	_ =	sfence.sel $0xFFFF  }
0xc3: {  	[dreg:$0x0] =	wrdreg $0xFFFFFFFF;
	(pc) =	sbr.abs _section_cstart, $3  }
0xc4: {  	[dreg:$0x1] =	wrdreg $0xFFFFFFFF  }
0xc5: {  	_ =	task.clear_ibuf [dreg:s9], $0x2FFFF;
	_ =	strace $0x9FFFFFFF  }
0xc6: {  	(tm) =	ssettm $0x7FFFFFFF  }
0xc7: {  	_ =	shalt  }
tec
execute0_lowered:
.L_overlay_start_1:
0x0: {  	(tag) =	ssettag $0x1  }
0x1: {  	s0 =	rddreg [dreg:$0x0]  }
0x2: {  	s5 =	srdreg.scid;
	s6 =	stileid.u32  }
0x3: {  	s1 =	rddreg [dreg:$0x1];
	s5 =	sand.u32 $0x1, s5;
	s6 =	sshll.u32 s6, $0x1  }
0x4: {  	s2 =	rddreg [dreg:$0x2];
	s6 =	sor.u32 s5, s6  }
0x5: {  	s4 =	rddreg [dreg:$0x3];
	s3 =	simm.s32 $0x0;
	s7 =	sshll.u32 s6, $0x7  }
0x6: {  	s28 =	simm.s32 $0xD;
	s6 =	sshll.u32 s6, $0xA;
	s0 =	sadd.s32 s7, s0  }
0x7: {  	[smem:$0x7FF] =	sst s3;
	s4 =	sadd.s32 s4, s6;
	s0 =	sadd.s32 $0x400, s0  }
0x8: {  	_ =	strace $0x80000047;
	s13 =	sadd.s32 $0x8000, s4;
	[dreg:$0x5] =	wrdreg s0  }
0x9: {  	s30 =	simm.s32 $0x6400;
	s14 =	sadd.s32 $0x10000, s4;
	[dreg:$0x6] =	wrdreg s13  }
0xa: {  	s9 =	simm.s32 $0x7;
	s15 =	sadd.s32 $0x18000, s4;
	[dreg:$0x7] =	wrdreg s14  }
0xb: {  	s10 =	simm.s32 $0x3;
	s16 =	sadd.s32 $0x20000, s4;
	[dreg:$0x8] =	wrdreg s15  }
0xc: {  	s11 =	simm.s32 $0x8;
	s17 =	sadd.s32 $0x28000, s4;
	[dreg:$0x9] =	wrdreg s16  }
0xd: {  	s12 =	simm.s32 $0x4;
	s18 =	sadd.s32 $0x30000, s4;
	[dreg:$0xa] =	wrdreg s17  }
0xe: {  	s29 =	simm.s32 $0x9;
	s19 =	sadd.s32 $0x38000, s4;
	[dreg:$0xb] =	wrdreg s18  }
0xf: {  	s31 =	simm.s32 $0xC;
	s20 =	sadd.s32 $0x40000, s4;
	[dreg:$0xc] =	wrdreg s19  }
0x10: {  	s5 =	ssub.s32 $0x2, s5;
	s21 =	sadd.s32 $0x48000, s4;
	[dreg:$0xd] =	wrdreg s20  }
0x11: {  	s8 =	sshrl.u32 s5, $0x1;
	s22 =	sadd.s32 $0x50000, s4;
	[dreg:$0xe] =	wrdreg s21  }
0x12: {  	s5 =	ssub.s32 s5, s8;
	s23 =	sadd.s32 $0x58000, s4;
	[dreg:$0xf] =	wrdreg s22  }
0x13: {  	s6 =	sadd.s32 s2, s6;
	s24 =	sadd.s32 $0x60000, s4;
	[dreg:$0x10] =	wrdreg s23  }
0x14: {  	s2 =	simm.s32 $0x1;
	s25 =	sadd.s32 $0x68000, s4;
	[dreg:$0x11] =	wrdreg s24  }
0x15: {  	s7 =	simm.s32 $0x2;
	s26 =	sadd.s32 $0x70000, s4;
	[dreg:$0x12] =	wrdreg s25  }
0x16: {  	s8 =	simm.s32 $0xA400;
	[dreg:$0x13] =	wrdreg s26;
	s21 =	sadd.s32 $0x78000, s4  }
0x17: {  	s22 =	smax.u32 s5, $0x1;
	s23 =	simm.s32 $0xE;
	s24 =	simm.s32 $0x80  }
0x18: {  	s25 =	simm.s32 $0x4400;
	s26 =	simm.s32 $0x8400;
	s0 =	simm.s32 $0x14400  }
0x19: {  	s5 =	simm.s32 $0x18400;
	s13 =	simm.s32 $0x5;
	s14 =	simm.s32 $0x6  }
0x1a: {  	s15 =	simm.s32 $0xA;
	s16 =	simm.s32 $0xB;
	s17 =	simm.s32 $0x0  }
.LBB2_1:
0x1b: {  	s18 =	rddreg [dreg:$0x5]  }
0x1c: {  	[tilespmem:s3], [sflag:$0xE] =	stream.linear.gather [hbm4b:s18+s3], $0x400, $0x38;
	[tilespmem:$0x1C400] =	vst v63  }
0x1d: {  	_ =	swait.ge [sflag:s23], $0x400  }
0x1e: {  	[sflag:s23] =	ssyncset.done $0x0  }
0x1f: {  	[sflag:s23] =	ssyncadd.s32 $0xFFFFFC00  }
0x20: {  	[tilespmem:s25], [sflag:$0x1] =	stream.indirect.gather [hbm4b:s1+s24], $0x80, s3, s24, $0xb8;
	[tilespmem:$0x1C400] =	vst v63  }
0x21: {  	_ = 	snop  }
0x22: {  	[tilespmem:s26], [sflag:$0x2] =	stream.indirect.gather [hbm4b:s1+s24], $0x80, s24, s24, $0xb8;
	[tilespmem:$0x1C400] =	vst v63  }
0x23: {  	s20 =	simm.s32 $0x100;
	s19 =	simm.s32 $0xC400  }
0x24: {  	[tilespmem:s19], [sflag:$0x3] =	stream.indirect.gather [hbm4b:s1+s24], $0x80, s20, s24, $0xb8;
	[tilespmem:$0x1C400] =	vst v63  }
0x25: {  	s19 =	simm.s32 $0x180;
	s20 =	simm.s32 $0x10400  }
0x26: {  	[tilespmem:s20], [sflag:$0x4] =	stream.indirect.gather [hbm4b:s1+s24], $0x80, s19, s24, $0xb8;
	[tilespmem:$0x1C400] =	vst v63  }
0x27: {  	s20 =	simm.s32 $0x400  }
0x28: {  	[tilespmem:s20], [sflag:$0xD] =	stream.linear.gather [hbm4b:s6+s3], $0x2000, $0x38;
	[tilespmem:$0x1C400] =	vst v63  }
0x29: {  	s19 =	simm.s32 $0x2400  }
0x2a: {  	[tilespmem:s19], [sflag:$0xD] =	stream.linear.gather [hbm4b:s6+s3], $0x2000, $0x38;
	[tilespmem:$0x1C400] =	vst v63  }
0x2b: {  	_ =	swait.ge [sflag:s28], $0x2000  }
0x2c: {  	[sflag:s28] =	ssyncset.done $0x0  }
0x2d: {  	[sflag:s28] =	ssyncadd.s32 $0xFFFFE000  }
0x2e: {  	_ =	swait.ge [sflag:s28], $0x2000  }
0x2f: {  	[sflag:s28] =	ssyncset.done $0x0  }
0x30: {  	s20 =	simm.s32 $0x200;
	[sflag:s28] =	ssyncadd.s32 $0xFFFFE000  }
0x31: {  	[tilespmem:s0], [sflag:$0x5] =	stream.indirect.gather [hbm4b:s1+s24], $0x80, s20, s24, $0xb8;
	[tilespmem:$0x1C400] =	vst v63  }
0x32: {  	_ =	swait.ge [sflag:s2], $0x4000  }
0x33: {  	[sflag:s2] =	ssyncset.done $0x0  }
0x34: {  	s18 =	simm.s32 $0x0;
	[sflag:s2] =	ssyncadd.s32 $0xFFFFC000  }
0x35: {  	v7 =	vld [tilespmem:s18+$0x400]  }
0x36: {  	v11 =	vld [tilespmem:s18+$0x410]  }
0x37: {  	v5 =	vld [tilespmem:s18+$0x420]  }
0x38: {  	v4 =	vld [tilespmem:s18+$0x430]  }
0x39: {  	v3 =	vld [tilespmem:s18+$0x440]  }
0x3a: {  	v2 =	vld [tilespmem:s18+$0x450]  }
0x3b: {  	v1 =	vld [tilespmem:s18+$0x460]  }
0x3c: {  	v0 =	vld [tilespmem:s18+$0x470]  }
0x3d: {  	v12 =	vld [tilespmem:s18+$0x4400]  }
0x3e: {  	v13 =	vld [tilespmem:s18+$0x4410]  }
0x3f: {  	v10 =	vld [tilespmem:s18+$0x4420]  }
0x40: {  	v9 =	vld [tilespmem:s18+$0x4430]  }
0x41: {  	v8 =	vld [tilespmem:s18+$0x4440]  }
0x42: {  	v6 =	vld [tilespmem:s18+$0x4450];
	v12 =	vadd.f32 v7, v12  }
0x43: {  	s19 =	simm.s32 $0x200;
	v11 =	vadd.f32 v11, v13;
	v7 =	vld [tilespmem:s18+$0x4460]  }
.LBB2_2:
0x44: {  	s20 =	sshra.s32 s19, $0x2;
	p0 =	sne.s32 s19, $0xFE00;
	[tilespmem:s18+$0x4400] =	vst v12;
	v5 =	vadd.f32 v5, v10;
	v10 =	vld [tilespmem:s18+$0x4470]  }
0x45: {  	v12 =	vld [tilespmem:s20+$0x400];
	[tilespmem:s18+$0x4410] =	vst v11;
	v4 =	vadd.f32 v4, v9  }
0x46: {  	v11 =	vld [tilespmem:s20+$0x410];
	[tilespmem:s18+$0x4420] =	vst v5;
	v3 =	vadd.f32 v3, v8  }
0x47: {  	v5 =	vld [tilespmem:s20+$0x420];
	[tilespmem:s18+$0x4430] =	vst v4;
	v2 =	vadd.f32 v2, v6  }
0x48: {  	v4 =	vld [tilespmem:s20+$0x430];
	[tilespmem:s18+$0x4440] =	vst v3;
	v1 =	vadd.f32 v1, v7  }
0x49: {  	v3 =	vld [tilespmem:s20+$0x440];
	[tilespmem:s18+$0x4450] =	vst v2;
	v0 =	vadd.f32 v0, v10  }
0x4a: {  	v2 =	vld [tilespmem:s20+$0x450];
	[tilespmem:s18+$0x4460] =	vst v1  }
0x4b: {  	v1 =	vld [tilespmem:s20+$0x460];
	[tilespmem:s18+$0x4470] =	vst v0;
	s18 =	smov.u32 s20  }
0x4c: {  	v0 =	vld [tilespmem:s18+$0x470]  }
0x4d: {  	v6 =	vld [tilespmem:s18+$0x4400]  }
0x4e: {  	v7 =	vld [tilespmem:s18+$0x4410]  }
.Ltmp0:
0x4f: {  	v10 =	vld [tilespmem:s18+$0x4420];
	(pc) =	sbr.rel @p0 .LBB2_2-.Ltmp0, $4  }
0x50: {  	v9 =	vld [tilespmem:s18+$0x4430]  }
0x51: {  	v8 =	vld [tilespmem:s18+$0x4440]  }
0x52: {  	v12 =	vadd.f32 v12, v6;
	v6 =	vld [tilespmem:s18+$0x4450]  }
0x53: {  	s19 =	sadd.s32 $0x200, s19;
	v11 =	vadd.f32 v11, v7;
	v7 =	vld [tilespmem:s18+$0x4460]  }
0x54: {  	[tilespmem:s18+$0x4400] =	vst v12;
	v5 =	vadd.f32 v5, v10;
	v10 =	vld [tilespmem:s18+$0x4470]  }
0x55: {  	[tilespmem:s18+$0x4410] =	vst v11;
	v4 =	vadd.f32 v4, v9  }
0x56: {  	[tilespmem:s18+$0x4420] =	vst v5;
	v3 =	vadd.f32 v3, v8  }
0x57: {  	[tilespmem:s18+$0x4430] =	vst v4;
	v2 =	vadd.f32 v2, v6  }
0x58: {  	[tilespmem:s18+$0x4440] =	vst v3;
	v1 =	vadd.f32 v1, v7  }
0x59: {  	[tilespmem:s18+$0x4450] =	vst v2;
	v0 =	vadd.f32 v0, v10  }
0x5a: {  	[tilespmem:s18+$0x4460] =	vst v1  }
0x5b: {  	s20 =	simm.s32 $0x0;
	[tilespmem:s18+$0x4470] =	vst v0  }
0x5c: {  	[hbm4b:s4+s20] =	stream.linear.scatter [tilespmem:s25], [sflag:$0x7], $0x2000, $0x38;
	[tilespmem:$0x1C400] =	vst v63  }
0x5d: {  	s19 =	rddreg [dreg:$0x6]  }
0x5e: {  	[hbm4b:s19+s20] =	stream.linear.scatter [tilespmem:s30], [sflag:$0x7], $0x2000, $0x38;
	[tilespmem:$0x1C400] =	vst v63  }
0x5f: {  	s20 =	simm.s32 $0x280  }
0x60: {  	[tilespmem:s5], [sflag:$0x6] =	stream.indirect.gather [hbm4b:s1+s24], $0x80, s20, s24, $0xb8;
	[tilespmem:$0x1C400] =	vst v63  }
0x61: {  	_ =	swait.ge [sflag:s7], $0x4000  }
0x62: {  	[sflag:s7] =	ssyncset.done $0x0  }
0x63: {  	s18 =	simm.s32 $0x0;
	[sflag:s7] =	ssyncadd.s32 $0xFFFFC000  }
0x64: {  	v7 =	vld [tilespmem:s18+$0x400]  }
0x65: {  	v11 =	vld [tilespmem:s18+$0x410]  }
0x66: {  	v5 =	vld [tilespmem:s18+$0x420]  }
0x67: {  	v4 =	vld [tilespmem:s18+$0x430]  }
0x68: {  	v3 =	vld [tilespmem:s18+$0x440]  }
0x69: {  	v2 =	vld [tilespmem:s18+$0x450]  }
0x6a: {  	v1 =	vld [tilespmem:s18+$0x460]  }
0x6b: {  	v0 =	vld [tilespmem:s18+$0x470]  }
0x6c: {  	v12 =	vld [tilespmem:s18+$0x8400]  }
0x6d: {  	v13 =	vld [tilespmem:s18+$0x8410]  }
0x6e: {  	v10 =	vld [tilespmem:s18+$0x8420]  }
0x6f: {  	v9 =	vld [tilespmem:s18+$0x8430]  }
0x70: {  	v8 =	vld [tilespmem:s18+$0x8440]  }
0x71: {  	v6 =	vld [tilespmem:s18+$0x8450];
	v12 =	vadd.f32 v7, v12  }
0x72: {  	s19 =	simm.s32 $0x200;
	v11 =	vadd.f32 v11, v13;
	v7 =	vld [tilespmem:s18+$0x8460]  }
.LBB2_4:
0x73: {  	s20 =	sshra.s32 s19, $0x2;
	p0 =	sne.s32 s19, $0xFE00;
	[tilespmem:s18+$0x8400] =	vst v12;
	v5 =	vadd.f32 v5, v10;
	v10 =	vld [tilespmem:s18+$0x8470]  }
0x74: {  	v12 =	vld [tilespmem:s20+$0x400];
	[tilespmem:s18+$0x8410] =	vst v11;
	v4 =	vadd.f32 v4, v9  }
0x75: {  	v11 =	vld [tilespmem:s20+$0x410];
	[tilespmem:s18+$0x8420] =	vst v5;
	v3 =	vadd.f32 v3, v8  }
0x76: {  	v5 =	vld [tilespmem:s20+$0x420];
	[tilespmem:s18+$0x8430] =	vst v4;
	v2 =	vadd.f32 v2, v6  }
0x77: {  	v4 =	vld [tilespmem:s20+$0x430];
	[tilespmem:s18+$0x8440] =	vst v3;
	v1 =	vadd.f32 v1, v7  }
0x78: {  	v3 =	vld [tilespmem:s20+$0x440];
	[tilespmem:s18+$0x8450] =	vst v2;
	v0 =	vadd.f32 v0, v10  }
0x79: {  	v2 =	vld [tilespmem:s20+$0x450];
	[tilespmem:s18+$0x8460] =	vst v1  }
0x7a: {  	v1 =	vld [tilespmem:s20+$0x460];
	[tilespmem:s18+$0x8470] =	vst v0;
	s18 =	smov.u32 s20  }
0x7b: {  	v0 =	vld [tilespmem:s18+$0x470]  }
0x7c: {  	v6 =	vld [tilespmem:s18+$0x8400]  }
0x7d: {  	v7 =	vld [tilespmem:s18+$0x8410]  }
.Ltmp1:
0x7e: {  	v10 =	vld [tilespmem:s18+$0x8420];
	(pc) =	sbr.rel @p0 .LBB2_4-.Ltmp1, $4  }
0x7f: {  	v9 =	vld [tilespmem:s18+$0x8430]  }
0x80: {  	v8 =	vld [tilespmem:s18+$0x8440]  }
0x81: {  	v12 =	vadd.f32 v12, v6;
	v6 =	vld [tilespmem:s18+$0x8450]  }
0x82: {  	s19 =	sadd.s32 $0x200, s19;
	v11 =	vadd.f32 v11, v7;
	v7 =	vld [tilespmem:s18+$0x8460]  }
0x83: {  	[tilespmem:s18+$0x8400] =	vst v12;
	v5 =	vadd.f32 v5, v10;
	v10 =	vld [tilespmem:s18+$0x8470]  }
0x84: {  	[tilespmem:s18+$0x8410] =	vst v11;
	v4 =	vadd.f32 v4, v9  }
0x85: {  	[tilespmem:s18+$0x8420] =	vst v5;
	v3 =	vadd.f32 v3, v8  }
0x86: {  	[tilespmem:s18+$0x8430] =	vst v4;
	v2 =	vadd.f32 v2, v6  }
0x87: {  	[tilespmem:s18+$0x8440] =	vst v3;
	v1 =	vadd.f32 v1, v7  }
0x88: {  	[tilespmem:s18+$0x8450] =	vst v2;
	v0 =	vadd.f32 v0, v10  }
0x89: {  	[tilespmem:s18+$0x8460] =	vst v1  }
0x8a: {  	s19 =	rddreg [dreg:$0x7];
	[tilespmem:s18+$0x8470] =	vst v0;
	s18 =	simm.s32 $0x0  }
0x8b: {  	[hbm4b:s19+s18] =	stream.linear.scatter [tilespmem:s26], [sflag:$0x8], $0x2000, $0x38;
	[tilespmem:$0x1C400] =	vst v63  }
0x8c: {  	s20 =	rddreg [dreg:$0x8]  }
0x8d: {  	[hbm4b:s20+s18] =	stream.linear.scatter [tilespmem:s8], [sflag:$0x8], $0x2000, $0x38;
	[tilespmem:$0x1C400] =	vst v63  }
0x8e: {  	_ =	swait.ge [sflag:s9], $0x2000  }
0x8f: {  	[sflag:s9] =	ssyncset.done $0x0  }
0x90: {  	[sflag:s9] =	ssyncadd.s32 $0xFFFFE000  }
0x91: {  	_ =	swait.ge [sflag:s9], $0x2000  }
0x92: {  	[sflag:s9] =	ssyncset.done $0x0  }
0x93: {  	s20 =	simm.s32 $0x300;
	[sflag:s9] =	ssyncadd.s32 $0xFFFFE000  }
0x94: {  	[tilespmem:s25], [sflag:$0x1] =	stream.indirect.gather [hbm4b:s1+s24], $0x80, s20, s24, $0xb8;
	[tilespmem:$0x1C400] =	vst v63  }
0x95: {  	_ =	swait.ge [sflag:s10], $0x4000  }
0x96: {  	[sflag:s10] =	ssyncset.done $0x0  }
0x97: {  	s18 =	simm.s32 $0x0;
	[sflag:s10] =	ssyncadd.s32 $0xFFFFC000  }
0x98: {  	v7 =	vld [tilespmem:s18+$0x400]  }
0x99: {  	v11 =	vld [tilespmem:s18+$0x410]  }
0x9a: {  	v5 =	vld [tilespmem:s18+$0x420]  }
0x9b: {  	v4 =	vld [tilespmem:s18+$0x430]  }
0x9c: {  	v3 =	vld [tilespmem:s18+$0x440]  }
0x9d: {  	v2 =	vld [tilespmem:s18+$0x450]  }
0x9e: {  	v1 =	vld [tilespmem:s18+$0x460]  }
0x9f: {  	v0 =	vld [tilespmem:s18+$0x470]  }
0xa0: {  	v12 =	vld [tilespmem:s18+$0xC400]  }
0xa1: {  	v13 =	vld [tilespmem:s18+$0xC410]  }
0xa2: {  	v10 =	vld [tilespmem:s18+$0xC420]  }
0xa3: {  	v9 =	vld [tilespmem:s18+$0xC430]  }
0xa4: {  	v8 =	vld [tilespmem:s18+$0xC440]  }
0xa5: {  	v6 =	vld [tilespmem:s18+$0xC450];
	v12 =	vadd.f32 v7, v12  }
0xa6: {  	s19 =	simm.s32 $0x200;
	v11 =	vadd.f32 v11, v13;
	v7 =	vld [tilespmem:s18+$0xC460]  }
.LBB2_6:
0xa7: {  	s20 =	sshra.s32 s19, $0x2;
	p0 =	sne.s32 s19, $0xFE00;
	[tilespmem:s18+$0xC400] =	vst v12;
	v5 =	vadd.f32 v5, v10;
	v10 =	vld [tilespmem:s18+$0xC470]  }
0xa8: {  	v12 =	vld [tilespmem:s20+$0x400];
	[tilespmem:s18+$0xC410] =	vst v11;
	v4 =	vadd.f32 v4, v9  }
0xa9: {  	v11 =	vld [tilespmem:s20+$0x410];
	[tilespmem:s18+$0xC420] =	vst v5;
	v3 =	vadd.f32 v3, v8  }
0xaa: {  	v5 =	vld [tilespmem:s20+$0x420];
	[tilespmem:s18+$0xC430] =	vst v4;
	v2 =	vadd.f32 v2, v6  }
0xab: {  	v4 =	vld [tilespmem:s20+$0x430];
	[tilespmem:s18+$0xC440] =	vst v3;
	v1 =	vadd.f32 v1, v7  }
0xac: {  	v3 =	vld [tilespmem:s20+$0x440];
	[tilespmem:s18+$0xC450] =	vst v2;
	v0 =	vadd.f32 v0, v10  }
0xad: {  	v2 =	vld [tilespmem:s20+$0x450];
	[tilespmem:s18+$0xC460] =	vst v1  }
0xae: {  	v1 =	vld [tilespmem:s20+$0x460];
	[tilespmem:s18+$0xC470] =	vst v0;
	s18 =	smov.u32 s20  }
0xaf: {  	v0 =	vld [tilespmem:s18+$0x470]  }
0xb0: {  	v6 =	vld [tilespmem:s18+$0xC400]  }
0xb1: {  	v7 =	vld [tilespmem:s18+$0xC410]  }
.Ltmp2:
0xb2: {  	v10 =	vld [tilespmem:s18+$0xC420];
	(pc) =	sbr.rel @p0 .LBB2_6-.Ltmp2, $4  }
0xb3: {  	v9 =	vld [tilespmem:s18+$0xC430]  }
0xb4: {  	v8 =	vld [tilespmem:s18+$0xC440]  }
0xb5: {  	v12 =	vadd.f32 v12, v6;
	v6 =	vld [tilespmem:s18+$0xC450]  }
0xb6: {  	s19 =	sadd.s32 $0x200, s19;
	v11 =	vadd.f32 v11, v7;
	v7 =	vld [tilespmem:s18+$0xC460]  }
0xb7: {  	[tilespmem:s18+$0xC400] =	vst v12;
	v5 =	vadd.f32 v5, v10;
	v10 =	vld [tilespmem:s18+$0xC470]  }
0xb8: {  	[tilespmem:s18+$0xC410] =	vst v11;
	v4 =	vadd.f32 v4, v9  }
0xb9: {  	[tilespmem:s18+$0xC420] =	vst v5;
	v3 =	vadd.f32 v3, v8  }
0xba: {  	[tilespmem:s18+$0xC430] =	vst v4;
	v2 =	vadd.f32 v2, v6  }
0xbb: {  	[tilespmem:s18+$0xC440] =	vst v3;
	v1 =	vadd.f32 v1, v7  }
0xbc: {  	[tilespmem:s18+$0xC450] =	vst v2;
	v0 =	vadd.f32 v0, v10  }
0xbd: {  	[tilespmem:s18+$0xC460] =	vst v1  }
0xbe: {  	s19 =	rddreg [dreg:$0x9];
	s20 =	simm.s32 $0xC400;
	[tilespmem:s18+$0xC470] =	vst v0;
	s18 =	simm.s32 $0x0  }
0xbf: {  	[hbm4b:s19+s18] =	stream.linear.scatter [tilespmem:s20], [sflag:$0x9], $0x2000, $0x38;
	[tilespmem:$0x1C400] =	vst v63  }
0xc0: {  	s19 =	rddreg [dreg:$0xa];
	s20 =	simm.s32 $0xE400  }
0xc1: {  	[hbm4b:s19+s18] =	stream.linear.scatter [tilespmem:s20], [sflag:$0x9], $0x2000, $0x38;
	[tilespmem:$0x1C400] =	vst v63  }
0xc2: {  	_ =	swait.ge [sflag:s11], $0x2000  }
0xc3: {  	[sflag:s11] =	ssyncset.done $0x0  }
0xc4: {  	[sflag:s11] =	ssyncadd.s32 $0xFFFFE000  }
0xc5: {  	_ =	swait.ge [sflag:s11], $0x2000  }
0xc6: {  	[sflag:s11] =	ssyncset.done $0x0  }
0xc7: {  	s20 =	simm.s32 $0x380;
	[sflag:s11] =	ssyncadd.s32 $0xFFFFE000  }
0xc8: {  	[tilespmem:s26], [sflag:$0x2] =	stream.indirect.gather [hbm4b:s1+s24], $0x80, s20, s24, $0xb8;
	[tilespmem:$0x1C400] =	vst v63  }
0xc9: {  	_ =	swait.ge [sflag:s12], $0x4000  }
0xca: {  	[sflag:s12] =	ssyncset.done $0x0  }
0xcb: {  	s18 =	simm.s32 $0x0;
	[sflag:s12] =	ssyncadd.s32 $0xFFFFC000  }
0xcc: {  	v7 =	vld [tilespmem:s18+$0x400]  }
0xcd: {  	v11 =	vld [tilespmem:s18+$0x410]  }
0xce: {  	v5 =	vld [tilespmem:s18+$0x420]  }
0xcf: {  	v4 =	vld [tilespmem:s18+$0x430]  }
0xd0: {  	v3 =	vld [tilespmem:s18+$0x440]  }
0xd1: {  	v2 =	vld [tilespmem:s18+$0x450]  }
0xd2: {  	v1 =	vld [tilespmem:s18+$0x460]  }
0xd3: {  	v0 =	vld [tilespmem:s18+$0x470]  }
0xd4: {  	v12 =	vld [tilespmem:s18+$0x10400]  }
0xd5: {  	v13 =	vld [tilespmem:s18+$0x10410]  }
0xd6: {  	v10 =	vld [tilespmem:s18+$0x10420]  }
0xd7: {  	v9 =	vld [tilespmem:s18+$0x10430]  }
0xd8: {  	v8 =	vld [tilespmem:s18+$0x10440]  }
0xd9: {  	v6 =	vld [tilespmem:s18+$0x10450];
	v12 =	vadd.f32 v7, v12  }
0xda: {  	s19 =	simm.s32 $0x200;
	v11 =	vadd.f32 v11, v13;
	v7 =	vld [tilespmem:s18+$0x10460]  }
.LBB2_8:
0xdb: {  	s20 =	sshra.s32 s19, $0x2;
	p0 =	sne.s32 s19, $0xFE00;
	[tilespmem:s18+$0x10400] =	vst v12;
	v5 =	vadd.f32 v5, v10;
	v10 =	vld [tilespmem:s18+$0x10470]  }
0xdc: {  	v12 =	vld [tilespmem:s20+$0x400];
	[tilespmem:s18+$0x10410] =	vst v11;
	v4 =	vadd.f32 v4, v9  }
0xdd: {  	v11 =	vld [tilespmem:s20+$0x410];
	[tilespmem:s18+$0x10420] =	vst v5;
	v3 =	vadd.f32 v3, v8  }
0xde: {  	v5 =	vld [tilespmem:s20+$0x420];
	[tilespmem:s18+$0x10430] =	vst v4;
	v2 =	vadd.f32 v2, v6  }
0xdf: {  	v4 =	vld [tilespmem:s20+$0x430];
	[tilespmem:s18+$0x10440] =	vst v3;
	v1 =	vadd.f32 v1, v7  }
0xe0: {  	v3 =	vld [tilespmem:s20+$0x440];
	[tilespmem:s18+$0x10450] =	vst v2;
	v0 =	vadd.f32 v0, v10  }
0xe1: {  	v2 =	vld [tilespmem:s20+$0x450];
	[tilespmem:s18+$0x10460] =	vst v1  }
0xe2: {  	v1 =	vld [tilespmem:s20+$0x460];
	[tilespmem:s18+$0x10470] =	vst v0;
	s18 =	smov.u32 s20  }
0xe3: {  	v0 =	vld [tilespmem:s18+$0x470]  }
0xe4: {  	v6 =	vld [tilespmem:s18+$0x10400]  }
0xe5: {  	v7 =	vld [tilespmem:s18+$0x10410]  }
.Ltmp3:
0xe6: {  	v10 =	vld [tilespmem:s18+$0x10420];
	(pc) =	sbr.rel @p0 .LBB2_8-.Ltmp3, $4  }
0xe7: {  	v9 =	vld [tilespmem:s18+$0x10430]  }
0xe8: {  	v8 =	vld [tilespmem:s18+$0x10440]  }
0xe9: {  	v12 =	vadd.f32 v12, v6;
	v6 =	vld [tilespmem:s18+$0x10450]  }
0xea: {  	s19 =	sadd.s32 $0x200, s19;
	v11 =	vadd.f32 v11, v7;
	v7 =	vld [tilespmem:s18+$0x10460]  }
0xeb: {  	[tilespmem:s18+$0x10400] =	vst v12;
	v5 =	vadd.f32 v5, v10;
	v10 =	vld [tilespmem:s18+$0x10470]  }
0xec: {  	[tilespmem:s18+$0x10410] =	vst v11;
	v4 =	vadd.f32 v4, v9  }
0xed: {  	[tilespmem:s18+$0x10420] =	vst v5;
	v3 =	vadd.f32 v3, v8  }
0xee: {  	[tilespmem:s18+$0x10430] =	vst v4;
	v2 =	vadd.f32 v2, v6  }
0xef: {  	[tilespmem:s18+$0x10440] =	vst v3;
	v1 =	vadd.f32 v1, v7  }
0xf0: {  	[tilespmem:s18+$0x10450] =	vst v2;
	v0 =	vadd.f32 v0, v10  }
0xf1: {  	[tilespmem:s18+$0x10460] =	vst v1  }
0xf2: {  	s19 =	rddreg [dreg:$0xb];
	s20 =	simm.s32 $0x10400;
	[tilespmem:s18+$0x10470] =	vst v0;
	s18 =	simm.s32 $0x0  }
0xf3: {  	[hbm4b:s19+s18] =	stream.linear.scatter [tilespmem:s20], [sflag:$0xA], $0x2000, $0x38;
	[tilespmem:$0x1C400] =	vst v63  }
0xf4: {  	s19 =	rddreg [dreg:$0xc];
	s20 =	simm.s32 $0x12400  }
0xf5: {  	[hbm4b:s19+s18] =	stream.linear.scatter [tilespmem:s20], [sflag:$0xA], $0x2000, $0x38;
	[tilespmem:$0x1C400] =	vst v63  }
0xf6: {  	_ =	swait.ge [sflag:s13], $0x4000  }
0xf7: {  	[sflag:s13] =	ssyncset.done $0x0  }
0xf8: {  	s18 =	simm.s32 $0x0;
	[sflag:s13] =	ssyncadd.s32 $0xFFFFC000  }
0xf9: {  	v7 =	vld [tilespmem:s18+$0x400]  }
0xfa: {  	v11 =	vld [tilespmem:s18+$0x410]  }
0xfb: {  	v5 =	vld [tilespmem:s18+$0x420]  }
0xfc: {  	v4 =	vld [tilespmem:s18+$0x430]  }
0xfd: {  	v3 =	vld [tilespmem:s18+$0x440]  }
0xfe: {  	v2 =	vld [tilespmem:s18+$0x450]  }
0xff: {  	v1 =	vld [tilespmem:s18+$0x460]  }
0x100: {  	v0 =	vld [tilespmem:s18+$0x470]  }
0x101: {  	v12 =	vld [tilespmem:s18+$0x14400]  }
0x102: {  	v13 =	vld [tilespmem:s18+$0x14410]  }
0x103: {  	v10 =	vld [tilespmem:s18+$0x14420]  }
0x104: {  	v9 =	vld [tilespmem:s18+$0x14430]  }
0x105: {  	v8 =	vld [tilespmem:s18+$0x14440]  }
0x106: {  	v6 =	vld [tilespmem:s18+$0x14450];
	v12 =	vadd.f32 v7, v12  }
0x107: {  	s19 =	simm.s32 $0x200;
	v11 =	vadd.f32 v11, v13;
	v7 =	vld [tilespmem:s18+$0x14460]  }
.LBB2_10:
0x108: {  	s20 =	sshra.s32 s19, $0x2;
	p0 =	sne.s32 s19, $0xFE00;
	[tilespmem:s18+$0x14400] =	vst v12;
	v5 =	vadd.f32 v5, v10;
	v10 =	vld [tilespmem:s18+$0x14470]  }
0x109: {  	v12 =	vld [tilespmem:s20+$0x400];
	[tilespmem:s18+$0x14410] =	vst v11;
	v4 =	vadd.f32 v4, v9  }
0x10a: {  	v11 =	vld [tilespmem:s20+$0x410];
	[tilespmem:s18+$0x14420] =	vst v5;
	v3 =	vadd.f32 v3, v8  }
0x10b: {  	v5 =	vld [tilespmem:s20+$0x420];
	[tilespmem:s18+$0x14430] =	vst v4;
	v2 =	vadd.f32 v2, v6  }
0x10c: {  	v4 =	vld [tilespmem:s20+$0x430];
	[tilespmem:s18+$0x14440] =	vst v3;
	v1 =	vadd.f32 v1, v7  }
0x10d: {  	v3 =	vld [tilespmem:s20+$0x440];
	[tilespmem:s18+$0x14450] =	vst v2;
	v0 =	vadd.f32 v0, v10  }
0x10e: {  	v2 =	vld [tilespmem:s20+$0x450];
	[tilespmem:s18+$0x14460] =	vst v1  }
0x10f: {  	v1 =	vld [tilespmem:s20+$0x460];
	[tilespmem:s18+$0x14470] =	vst v0;
	s18 =	smov.u32 s20  }
0x110: {  	v0 =	vld [tilespmem:s18+$0x470]  }
0x111: {  	v6 =	vld [tilespmem:s18+$0x14400]  }
0x112: {  	v7 =	vld [tilespmem:s18+$0x14410]  }
.Ltmp4:
0x113: {  	v10 =	vld [tilespmem:s18+$0x14420];
	(pc) =	sbr.rel @p0 .LBB2_10-.Ltmp4, $4  }
0x114: {  	v9 =	vld [tilespmem:s18+$0x14430]  }
0x115: {  	v8 =	vld [tilespmem:s18+$0x14440]  }
0x116: {  	v12 =	vadd.f32 v12, v6;
	v6 =	vld [tilespmem:s18+$0x14450]  }
0x117: {  	s19 =	sadd.s32 $0x200, s19;
	v11 =	vadd.f32 v11, v7;
	v7 =	vld [tilespmem:s18+$0x14460]  }
0x118: {  	[tilespmem:s18+$0x14400] =	vst v12;
	v5 =	vadd.f32 v5, v10;
	v10 =	vld [tilespmem:s18+$0x14470]  }
0x119: {  	[tilespmem:s18+$0x14410] =	vst v11;
	v4 =	vadd.f32 v4, v9  }
0x11a: {  	[tilespmem:s18+$0x14420] =	vst v5;
	v3 =	vadd.f32 v3, v8  }
0x11b: {  	[tilespmem:s18+$0x14430] =	vst v4;
	v2 =	vadd.f32 v2, v6  }
0x11c: {  	[tilespmem:s18+$0x14440] =	vst v3;
	v1 =	vadd.f32 v1, v7  }
0x11d: {  	[tilespmem:s18+$0x14450] =	vst v2;
	v0 =	vadd.f32 v0, v10  }
0x11e: {  	[tilespmem:s18+$0x14460] =	vst v1  }
0x11f: {  	s19 =	rddreg [dreg:$0xd];
	[tilespmem:s18+$0x14470] =	vst v0;
	s18 =	simm.s32 $0x0  }
0x120: {  	[hbm4b:s19+s18] =	stream.linear.scatter [tilespmem:s0], [sflag:$0xB], $0x2000, $0x38;
	[tilespmem:$0x1C400] =	vst v63  }
0x121: {  	s20 =	simm.s32 $0x16400;
	s19 =	rddreg [dreg:$0xe]  }
0x122: {  	[hbm4b:s19+s18] =	stream.linear.scatter [tilespmem:s20], [sflag:$0xB], $0x2000, $0x38;
	[tilespmem:$0x1C400] =	vst v63  }
0x123: {  	_ =	swait.ge [sflag:s14], $0x4000  }
0x124: {  	[sflag:s14] =	ssyncset.done $0x0  }
0x125: {  	s18 =	simm.s32 $0x0;
	[sflag:s14] =	ssyncadd.s32 $0xFFFFC000  }
0x126: {  	v7 =	vld [tilespmem:s18+$0x400]  }
0x127: {  	v11 =	vld [tilespmem:s18+$0x410]  }
0x128: {  	v5 =	vld [tilespmem:s18+$0x420]  }
0x129: {  	v4 =	vld [tilespmem:s18+$0x430]  }
0x12a: {  	v3 =	vld [tilespmem:s18+$0x440]  }
0x12b: {  	v2 =	vld [tilespmem:s18+$0x450]  }
0x12c: {  	v1 =	vld [tilespmem:s18+$0x460]  }
0x12d: {  	v0 =	vld [tilespmem:s18+$0x470]  }
0x12e: {  	v12 =	vld [tilespmem:s18+$0x18400]  }
0x12f: {  	v13 =	vld [tilespmem:s18+$0x18410]  }
0x130: {  	v10 =	vld [tilespmem:s18+$0x18420]  }
0x131: {  	v9 =	vld [tilespmem:s18+$0x18430]  }
0x132: {  	v8 =	vld [tilespmem:s18+$0x18440]  }
0x133: {  	v6 =	vld [tilespmem:s18+$0x18450];
	v12 =	vadd.f32 v7, v12  }
0x134: {  	s19 =	simm.s32 $0x200;
	v11 =	vadd.f32 v11, v13;
	v7 =	vld [tilespmem:s18+$0x18460]  }
.LBB2_12:
0x135: {  	s20 =	sshra.s32 s19, $0x2;
	p0 =	sne.s32 s19, $0xFE00;
	[tilespmem:s18+$0x18400] =	vst v12;
	v5 =	vadd.f32 v5, v10;
	v10 =	vld [tilespmem:s18+$0x18470]  }
0x136: {  	v12 =	vld [tilespmem:s20+$0x400];
	[tilespmem:s18+$0x18410] =	vst v11;
	v4 =	vadd.f32 v4, v9  }
0x137: {  	v11 =	vld [tilespmem:s20+$0x410];
	[tilespmem:s18+$0x18420] =	vst v5;
	v3 =	vadd.f32 v3, v8  }
0x138: {  	v5 =	vld [tilespmem:s20+$0x420];
	[tilespmem:s18+$0x18430] =	vst v4;
	v2 =	vadd.f32 v2, v6  }
0x139: {  	v4 =	vld [tilespmem:s20+$0x430];
	[tilespmem:s18+$0x18440] =	vst v3;
	v1 =	vadd.f32 v1, v7  }
0x13a: {  	v3 =	vld [tilespmem:s20+$0x440];
	[tilespmem:s18+$0x18450] =	vst v2;
	v0 =	vadd.f32 v0, v10  }
0x13b: {  	v2 =	vld [tilespmem:s20+$0x450];
	[tilespmem:s18+$0x18460] =	vst v1  }
0x13c: {  	v1 =	vld [tilespmem:s20+$0x460];
	[tilespmem:s18+$0x18470] =	vst v0;
	s18 =	smov.u32 s20  }
0x13d: {  	v0 =	vld [tilespmem:s18+$0x470]  }
0x13e: {  	v6 =	vld [tilespmem:s18+$0x18400]  }
0x13f: {  	v7 =	vld [tilespmem:s18+$0x18410]  }
.Ltmp5:
0x140: {  	v10 =	vld [tilespmem:s18+$0x18420];
	(pc) =	sbr.rel @p0 .LBB2_12-.Ltmp5, $4  }
0x141: {  	v9 =	vld [tilespmem:s18+$0x18430]  }
0x142: {  	v8 =	vld [tilespmem:s18+$0x18440]  }
0x143: {  	v12 =	vadd.f32 v12, v6;
	v6 =	vld [tilespmem:s18+$0x18450]  }
0x144: {  	s19 =	sadd.s32 $0x200, s19;
	v11 =	vadd.f32 v11, v7;
	v7 =	vld [tilespmem:s18+$0x18460]  }
0x145: {  	[tilespmem:s18+$0x18400] =	vst v12;
	v5 =	vadd.f32 v5, v10;
	v10 =	vld [tilespmem:s18+$0x18470]  }
0x146: {  	[tilespmem:s18+$0x18410] =	vst v11;
	v4 =	vadd.f32 v4, v9  }
0x147: {  	[tilespmem:s18+$0x18420] =	vst v5;
	v3 =	vadd.f32 v3, v8  }
0x148: {  	[tilespmem:s18+$0x18430] =	vst v4;
	v2 =	vadd.f32 v2, v6  }
0x149: {  	[tilespmem:s18+$0x18440] =	vst v3;
	v1 =	vadd.f32 v1, v7  }
0x14a: {  	[tilespmem:s18+$0x18450] =	vst v2;
	v0 =	vadd.f32 v0, v10  }
0x14b: {  	[tilespmem:s18+$0x18460] =	vst v1  }
0x14c: {  	s19 =	rddreg [dreg:$0xf];
	[tilespmem:s18+$0x18470] =	vst v0;
	s18 =	simm.s32 $0x0  }
0x14d: {  	[hbm4b:s19+s18] =	stream.linear.scatter [tilespmem:s5], [sflag:$0xC], $0x2000, $0x38;
	[tilespmem:$0x1C400] =	vst v63  }
0x14e: {  	s20 =	simm.s32 $0x1A400;
	s19 =	rddreg [dreg:$0x10]  }
0x14f: {  	[hbm4b:s19+s18] =	stream.linear.scatter [tilespmem:s20], [sflag:$0xC], $0x2000, $0x38;
	[tilespmem:$0x1C400] =	vst v63  }
0x150: {  	_ =	swait.ge [sflag:s2], $0x4000  }
0x151: {  	[sflag:s2] =	ssyncset.done $0x0  }
0x152: {  	s18 =	simm.s32 $0x0;
	[sflag:s2] =	ssyncadd.s32 $0xFFFFC000  }
0x153: {  	v7 =	vld [tilespmem:s18+$0x400]  }
0x154: {  	v11 =	vld [tilespmem:s18+$0x410]  }
0x155: {  	v5 =	vld [tilespmem:s18+$0x420]  }
0x156: {  	v4 =	vld [tilespmem:s18+$0x430]  }
0x157: {  	v3 =	vld [tilespmem:s18+$0x440]  }
0x158: {  	v2 =	vld [tilespmem:s18+$0x450]  }
0x159: {  	v1 =	vld [tilespmem:s18+$0x460]  }
0x15a: {  	v0 =	vld [tilespmem:s18+$0x470]  }
0x15b: {  	v12 =	vld [tilespmem:s18+$0x4400]  }
0x15c: {  	v13 =	vld [tilespmem:s18+$0x4410]  }
0x15d: {  	v10 =	vld [tilespmem:s18+$0x4420]  }
0x15e: {  	v9 =	vld [tilespmem:s18+$0x4430]  }
0x15f: {  	v8 =	vld [tilespmem:s18+$0x4440]  }
0x160: {  	v6 =	vld [tilespmem:s18+$0x4450];
	v12 =	vadd.f32 v7, v12  }
0x161: {  	s19 =	simm.s32 $0x200;
	v11 =	vadd.f32 v11, v13;
	v7 =	vld [tilespmem:s18+$0x4460]  }
.LBB2_14:
0x162: {  	s20 =	sshra.s32 s19, $0x2;
	p0 =	sne.s32 s19, $0xFE00;
	[tilespmem:s18+$0x4400] =	vst v12;
	v5 =	vadd.f32 v5, v10;
	v10 =	vld [tilespmem:s18+$0x4470]  }
0x163: {  	v12 =	vld [tilespmem:s20+$0x400];
	[tilespmem:s18+$0x4410] =	vst v11;
	v4 =	vadd.f32 v4, v9  }
0x164: {  	v11 =	vld [tilespmem:s20+$0x410];
	[tilespmem:s18+$0x4420] =	vst v5;
	v3 =	vadd.f32 v3, v8  }
0x165: {  	v5 =	vld [tilespmem:s20+$0x420];
	[tilespmem:s18+$0x4430] =	vst v4;
	v2 =	vadd.f32 v2, v6  }
0x166: {  	v4 =	vld [tilespmem:s20+$0x430];
	[tilespmem:s18+$0x4440] =	vst v3;
	v1 =	vadd.f32 v1, v7  }
0x167: {  	v3 =	vld [tilespmem:s20+$0x440];
	[tilespmem:s18+$0x4450] =	vst v2;
	v0 =	vadd.f32 v0, v10  }
0x168: {  	v2 =	vld [tilespmem:s20+$0x450];
	[tilespmem:s18+$0x4460] =	vst v1  }
0x169: {  	v1 =	vld [tilespmem:s20+$0x460];
	[tilespmem:s18+$0x4470] =	vst v0;
	s18 =	smov.u32 s20  }
0x16a: {  	v0 =	vld [tilespmem:s18+$0x470]  }
0x16b: {  	v6 =	vld [tilespmem:s18+$0x4400]  }
0x16c: {  	v7 =	vld [tilespmem:s18+$0x4410]  }
.Ltmp6:
0x16d: {  	v10 =	vld [tilespmem:s18+$0x4420];
	(pc) =	sbr.rel @p0 .LBB2_14-.Ltmp6, $4  }
0x16e: {  	v9 =	vld [tilespmem:s18+$0x4430]  }
0x16f: {  	v8 =	vld [tilespmem:s18+$0x4440]  }
0x170: {  	v12 =	vadd.f32 v12, v6;
	v6 =	vld [tilespmem:s18+$0x4450]  }
0x171: {  	s19 =	sadd.s32 $0x200, s19;
	v11 =	vadd.f32 v11, v7;
	v7 =	vld [tilespmem:s18+$0x4460]  }
0x172: {  	[tilespmem:s18+$0x4400] =	vst v12;
	v5 =	vadd.f32 v5, v10;
	v10 =	vld [tilespmem:s18+$0x4470]  }
0x173: {  	[tilespmem:s18+$0x4410] =	vst v11;
	v4 =	vadd.f32 v4, v9  }
0x174: {  	[tilespmem:s18+$0x4420] =	vst v5;
	v3 =	vadd.f32 v3, v8  }
0x175: {  	[tilespmem:s18+$0x4430] =	vst v4;
	v2 =	vadd.f32 v2, v6  }
0x176: {  	[tilespmem:s18+$0x4440] =	vst v3;
	v1 =	vadd.f32 v1, v7  }
0x177: {  	[tilespmem:s18+$0x4450] =	vst v2;
	v0 =	vadd.f32 v0, v10  }
0x178: {  	[tilespmem:s18+$0x4460] =	vst v1  }
0x179: {  	s19 =	rddreg [dreg:$0x11];
	[tilespmem:s18+$0x4470] =	vst v0;
	s18 =	simm.s32 $0x0  }
0x17a: {  	[hbm4b:s19+s18] =	stream.linear.scatter [tilespmem:s25], [sflag:$0x7], $0x2000, $0x38;
	[tilespmem:$0x1C400] =	vst v63  }
0x17b: {  	s20 =	rddreg [dreg:$0x12]  }
0x17c: {  	[hbm4b:s20+s18] =	stream.linear.scatter [tilespmem:s30], [sflag:$0x7], $0x2000, $0x38;
	[tilespmem:$0x1C400] =	vst v63  }
0x17d: {  	_ =	swait.ge [sflag:s7], $0x4000  }
0x17e: {  	[sflag:s7] =	ssyncset.done $0x0  }
0x17f: {  	s18 =	simm.s32 $0x0;
	[sflag:s7] =	ssyncadd.s32 $0xFFFFC000  }
0x180: {  	v7 =	vld [tilespmem:s18+$0x400]  }
0x181: {  	v11 =	vld [tilespmem:s18+$0x410]  }
0x182: {  	v5 =	vld [tilespmem:s18+$0x420]  }
0x183: {  	v4 =	vld [tilespmem:s18+$0x430]  }
0x184: {  	v3 =	vld [tilespmem:s18+$0x440]  }
0x185: {  	v2 =	vld [tilespmem:s18+$0x450]  }
0x186: {  	v1 =	vld [tilespmem:s18+$0x460]  }
0x187: {  	v0 =	vld [tilespmem:s18+$0x470]  }
0x188: {  	v12 =	vld [tilespmem:s18+$0x8400]  }
0x189: {  	v13 =	vld [tilespmem:s18+$0x8410]  }
0x18a: {  	v10 =	vld [tilespmem:s18+$0x8420]  }
0x18b: {  	v9 =	vld [tilespmem:s18+$0x8430]  }
0x18c: {  	v8 =	vld [tilespmem:s18+$0x8440]  }
0x18d: {  	v6 =	vld [tilespmem:s18+$0x8450];
	v12 =	vadd.f32 v7, v12  }
0x18e: {  	s19 =	simm.s32 $0x200;
	v11 =	vadd.f32 v11, v13;
	v7 =	vld [tilespmem:s18+$0x8460]  }
.LBB2_16:
0x18f: {  	s20 =	sshra.s32 s19, $0x2;
	p0 =	sne.s32 s19, $0xFE00;
	[tilespmem:s18+$0x8400] =	vst v12;
	v5 =	vadd.f32 v5, v10;
	v10 =	vld [tilespmem:s18+$0x8470]  }
0x190: {  	v12 =	vld [tilespmem:s20+$0x400];
	[tilespmem:s18+$0x8410] =	vst v11;
	v4 =	vadd.f32 v4, v9  }
0x191: {  	v11 =	vld [tilespmem:s20+$0x410];
	[tilespmem:s18+$0x8420] =	vst v5;
	v3 =	vadd.f32 v3, v8  }
0x192: {  	v5 =	vld [tilespmem:s20+$0x420];
	[tilespmem:s18+$0x8430] =	vst v4;
	v2 =	vadd.f32 v2, v6  }
0x193: {  	v4 =	vld [tilespmem:s20+$0x430];
	[tilespmem:s18+$0x8440] =	vst v3;
	v1 =	vadd.f32 v1, v7  }
0x194: {  	v3 =	vld [tilespmem:s20+$0x440];
	[tilespmem:s18+$0x8450] =	vst v2;
	v0 =	vadd.f32 v0, v10  }
0x195: {  	v2 =	vld [tilespmem:s20+$0x450];
	[tilespmem:s18+$0x8460] =	vst v1  }
0x196: {  	v1 =	vld [tilespmem:s20+$0x460];
	[tilespmem:s18+$0x8470] =	vst v0;
	s18 =	smov.u32 s20  }
0x197: {  	v0 =	vld [tilespmem:s18+$0x470]  }
0x198: {  	v6 =	vld [tilespmem:s18+$0x8400]  }
0x199: {  	v7 =	vld [tilespmem:s18+$0x8410]  }
.Ltmp7:
0x19a: {  	v10 =	vld [tilespmem:s18+$0x8420];
	(pc) =	sbr.rel @p0 .LBB2_16-.Ltmp7, $4  }
0x19b: {  	v9 =	vld [tilespmem:s18+$0x8430]  }
0x19c: {  	v8 =	vld [tilespmem:s18+$0x8440]  }
0x19d: {  	v12 =	vadd.f32 v12, v6;
	v6 =	vld [tilespmem:s18+$0x8450]  }
0x19e: {  	s19 =	sadd.s32 $0x200, s19;
	v11 =	vadd.f32 v11, v7;
	v7 =	vld [tilespmem:s18+$0x8460]  }
0x19f: {  	[tilespmem:s18+$0x8400] =	vst v12;
	v5 =	vadd.f32 v5, v10;
	v63 =	vld [tilespmem:s18+$0x8470]  }
0x1a0: {  	[tilespmem:s18+$0x8410] =	vst v11;
	v4 =	vadd.f32 v4, v9  }
0x1a1: {  	[tilespmem:s18+$0x8420] =	vst v5;
	v3 =	vadd.f32 v3, v8  }
0x1a2: {  	[tilespmem:s18+$0x8430] =	vst v4;
	v2 =	vadd.f32 v2, v6  }
0x1a3: {  	[tilespmem:s18+$0x8440] =	vst v3;
	v1 =	vadd.f32 v1, v7  }
0x1a4: {  	[tilespmem:s18+$0x8450] =	vst v2;
	v0 =	vadd.f32 v0, v63  }
0x1a5: {  	[tilespmem:s18+$0x8460] =	vst v1  }
0x1a6: {  	s20 =	rddreg [dreg:$0x13];
	[tilespmem:s18+$0x8470] =	vst v0  }
0x1a7: {  	[hbm4b:s20+s3] =	stream.linear.scatter [tilespmem:s26], [sflag:$0x8], $0x2000, $0x38;
	[tilespmem:$0x1C400] =	vst v63  }
0x1a8: {  	_ = 	snop  }
0x1a9: {  	[hbm4b:s21+s3] =	stream.linear.scatter [tilespmem:s8], [sflag:$0x8], $0x2000, $0x38;
	[tilespmem:$0x1C400] =	vst v63  }
0x1aa: {  	_ =	swait.ge [sflag:s29], $0x2000  }
0x1ab: {  	[sflag:s29] =	ssyncset.done $0x0  }
0x1ac: {  	[sflag:s29] =	ssyncadd.s32 $0xFFFFE000  }
0x1ad: {  	_ =	swait.ge [sflag:s29], $0x2000  }
0x1ae: {  	[sflag:s29] =	ssyncset.done $0x0  }
0x1af: {  	[sflag:s29] =	ssyncadd.s32 $0xFFFFE000  }
0x1b0: {  	_ =	swait.ge [sflag:s15], $0x2000  }
0x1b1: {  	[sflag:s15] =	ssyncset.done $0x0  }
0x1b2: {  	[sflag:s15] =	ssyncadd.s32 $0xFFFFE000  }
0x1b3: {  	_ =	swait.ge [sflag:s15], $0x2000  }
0x1b4: {  	[sflag:s15] =	ssyncset.done $0x0  }
0x1b5: {  	[sflag:s15] =	ssyncadd.s32 $0xFFFFE000  }
0x1b6: {  	_ =	swait.ge [sflag:s16], $0x2000  }
0x1b7: {  	[sflag:s16] =	ssyncset.done $0x0  }
0x1b8: {  	[sflag:s16] =	ssyncadd.s32 $0xFFFFE000  }
0x1b9: {  	_ =	swait.ge [sflag:s16], $0x2000  }
0x1ba: {  	[sflag:s16] =	ssyncset.done $0x0  }
0x1bb: {  	[sflag:s16] =	ssyncadd.s32 $0xFFFFE000  }
0x1bc: {  	_ =	swait.ge [sflag:s31], $0x2000  }
0x1bd: {  	[sflag:s31] =	ssyncset.done $0x0  }
0x1be: {  	[sflag:s31] =	ssyncadd.s32 $0xFFFFE000  }
0x1bf: {  	_ =	swait.ge [sflag:s31], $0x2000  }
0x1c0: {  	[sflag:s31] =	ssyncset.done $0x0  }
0x1c1: {  	[sflag:s31] =	ssyncadd.s32 $0xFFFFE000  }
0x1c2: {  	_ =	swait.ge [sflag:s9], $0x2000  }
0x1c3: {  	[sflag:s9] =	ssyncset.done $0x0  }
0x1c4: {  	[sflag:s9] =	ssyncadd.s32 $0xFFFFE000  }
0x1c5: {  	_ =	swait.ge [sflag:s9], $0x2000  }
0x1c6: {  	[sflag:s9] =	ssyncset.done $0x0  }
0x1c7: {  	s17 =	sadd.s32 $0x1, s17;
	[sflag:s9] =	ssyncadd.s32 $0xFFFFE000  }
0x1c8: {  	p0 =	sne.s32 s17, s22;
	_ =	swait.ge [sflag:s11], $0x2000  }
.Ltmp8:
0x1c9: {  	[sflag:s11] =	ssyncset.done $0x0;
	(pc) =	sbr.rel @p0 .LBB2_1-.Ltmp8, $4  }
0x1ca: {  	[sflag:s11] =	ssyncadd.s32 $0xFFFFE000  }
0x1cb: {  	_ =	swait.ge [sflag:s11], $0x2000  }
0x1cc: {  	[sflag:s11] =	ssyncset.done $0x0  }
0x1cd: {  	[sflag:s11] =	ssyncadd.s32 $0xFFFFE000  }
0x1ce: {  	_ =	sfence.sel $0x180000  }
0x1cf: {  	[bflag:$0x0] =	sbarrier.arrive $0xFFFF  }
0x1d0: {  	_ =	strace $0x90000047  }
0x1d1: {  	s0 =	stileid.u32;
	[bflag:$0x2] =	sbarrier.arrive $0xFFFF  }
0x1d2: {  	p0 =	sne.s32 s0, $0x0;
	s0 =	rddreg [dreg:$0x4]  }
0x1d3: {  	s0 =	sadd.s32 @!p0 $0x100000, s0  }
0x1d4: {  	[sflag:s0] =	ssyncadd.tile.s32 @!p0 $0x1;
	_ =	shalt  }
.Lfunc_end2:
_tile_overlayer_lowered:
.L_overlay_start_2:
0x1d5: {  	(tag) =	ssettag $0x2  }
0x1d6: {  	s0 =	rddreg [dreg:$0x0];
	s2 =	stileid.u32  }
0x1d7: {  	s1 =	rddreg [dreg:$0x1];
	p0 =	sne.s32 s2, $0x0  }
0x1d8: {  	s3 =	rddreg [dreg:$0x2];
	[bflag:$0x3] =	sbarrier.arrive $0xFFFF;
	s2 =	simm.s32 @!p0 $0x1C0E  }
0x1d9: {  	[timem:s3], [sflag:s2] =	dma.local @!p0 [hbm:s0], s1  }
0x1da: {  	s0 =	simm.s32 @!p0 $0xE  }
0x1db: {  	_ =	swait.ge @!p0 [sflag:s0], s1  }
0x1dc: {  	s1 =	ssub.s32 @!p0 $0x0, s1;
	[sflag:s0] =	ssyncset.done @!p0 $0x0  }
0x1dd: {  	[sflag:s0] =	ssyncadd.s32 @!p0 s1  }
0x1de: {  	[bflag:$0x3] =	sbarrier.arrive $0xFFFF  }
0x1df: {  	_ =	shalt  }

</sc_bundles>
